<compile_context>
chip_gen: v7x
topology: tpu7x:2x2x1
jax: 0.10.2.dev20260603
libtpu: 0.0.44.dev20260713+nightly
codegen_flags: <defaults>
</compile_context>

<pallas_src>
import functools

import numpy as np
import jax
import jax.numpy as jnp
from jax import lax
from jax.experimental import pallas as pl
from jax.experimental.pallas import tpu as pltpu
from jax.experimental.pallas import tpu_sc as plsc

NUM_VALS = 10
_ROT_A = (13, 15, 26, 6)
_ROT_B = (17, 29, 16, 24)
_LO = np.nextafter(np.float32(-1.0), np.float32(0.0), dtype=np.float32)
_DELTA = np.float32(np.float32(1.0) - _LO)
_SQRT2 = np.float32(np.sqrt(2.0))
_LN2 = np.float32(np.log(2.0))

_MEANS_BITS = [
    [0, 0, 0, 0, 0, 0, 0, 0, 0, 0],
    [1124546413, 0, 0, 0, 0, 0, 0, 0, 0, 0],
    [1124546413, 1117769871, 0, 0, 0, 0, 0, 0, 0, 0],
    [1124546413, 1117769871, 1130750949, 0, 0, 0, 0, 0, 0, 0],
    [1124546413, 1117769871, 1130750949, 1127355180, 0, 0, 0, 0, 0, 0],
    [1124546413, 1117769871, 1130750949, 1127355180, 1126013778, 0, 0, 0, 0, 0],
    [1124546413, 1117769871, 1130750949, 1127355180, 1126013778, 1126077056, 0, 0, 0, 0],
    [1124546413, 1117769871, 1130750949, 1127355180, 1126013778, 1126077056, 1127679618, 0, 0, 0],
    [1124546413, 1117769871, 1130750949, 1127355180, 1126013778, 1126077056, 1127679618, 1112925412, 0, 0],
    [1124546413, 1117769871, 1130750949, 1127355180, 1126013778, 1126077056, 1127679618, 1112925412, 1086249128, 0],
    [1124546413, 1117769871, 1130750949, 1127355180, 1126013778, 1126077056, 1127679618, 1112925412, 1086249128, 1128030797],
]
_STDS_BITS = [
    [0, 0, 0, 0, 0, 0, 0, 0, 0, 0],
    [1101964209, 0, 0, 0, 0, 0, 0, 0, 0, 0],
    [1101964209, 1102911125, 0, 0, 0, 0, 0, 0, 0, 0],
    [1101964209, 1102911125, 1085173039, 0, 0, 0, 0, 0, 0, 0],
    [1101964209, 1102911125, 1085173039, 1090265089, 0, 0, 0, 0, 0, 0],
    [1101964209, 1102911125, 1085173039, 1090265089, 1079286191, 0, 0, 0, 0, 0],
    [1101964209, 1102911125, 1085173039, 1090265089, 1079286191, 1086490249, 0, 0, 0, 0],
    [1101964209, 1102911125, 1085173039, 1090265089, 1079286191, 1086490249, 1092124047, 0, 0, 0],
    [1101964209, 1102911125, 1085173039, 1090265089, 1079286191, 1086490249, 1092124047, 1078637036, 0, 0],
    [1101964209, 1102911125, 1085173039, 1090265089, 1079286191, 1086490249, 1092124047, 1078637036, 1095652017, 0],
    [1101964209, 1102911125, 1085173039, 1090265089, 1079286191, 1086490249, 1092124047, 1078637036, 1095652017, 1097242190],
]
_KEYS = [
    [1605747716, 4117073388], [2853785955, 313133857], [3446849625, 3976683102],
    [1844025098, 928543246], [3051506639, 3727614528], [1286073187, 1180874379],
    [506879799, 381322565], [1096897035, 320463389], [1548189527, 553374286],
    [449477701, 325083970],
]
_MEANS_NP = np.array(_MEANS_BITS, dtype=np.uint32).view(np.float32)
_STDS_NP = np.array(_STDS_BITS, dtype=np.uint32).view(np.float32)
_KEYS_NP = np.array(_KEYS, dtype=np.uint32).view(np.int32)

_LOG2C = [
    -0.024825606495141983, 0.2668588161468506, -1.2342631816864014,
    3.2188327312469482, -5.264110565185547, 6.065830230712891,
    -3.028317451477051,
]
_ERFC_CENTRAL = [
    2.81022636e-08, 3.43273939e-07, -3.5233877e-06, -4.39150654e-06,
    0.00021858087, -0.00125372503, -0.00417768164, 0.246640727, 1.50140941,
]
_ERFC_TAIL = [
    -0.000200214257, 0.000100950558, 0.00134934322, -0.00367342844,
    0.00573950773, -0.0076224613, 0.00943887047, 1.00167406, 2.83297682,
]


def _threefry2x32(x0, x1, ks0, ks1):

    def rotl(x, d):
        return lax.shift_left(x, np.int32(d)) | lax.shift_right_logical(
            x, np.int32(32 - d)
        )

    def round4(a, b, rots):
        for r in rots:
            a = a + b
            b = rotl(b, r)
            b = b ^ a
        return a, b

    ks2 = ks0 ^ ks1 ^ np.int32(0x1BD11BDA)
    x0, x1 = round4(x0, x1, _ROT_A)
    x0 = x0 + ks1
    x1 = x1 + ks2 + np.int32(1)
    x0, x1 = round4(x0, x1, _ROT_B)
    x0 = x0 + ks2
    x1 = x1 + ks0 + np.int32(2)
    x0, x1 = round4(x0, x1, _ROT_A)
    x0 = x0 + ks0
    x1 = x1 + ks1 + np.int32(3)
    x0, x1 = round4(x0, x1, _ROT_B)
    x0 = x0 + ks1
    x1 = x1 + ks2 + np.int32(4)
    x0, x1 = round4(x0, x1, _ROT_A)
    x0 = x0 + ks2
    x1 = x1 + ks0 + np.int32(5)
    return x0, x1


def _newton_sqrt(w):
    wi = lax.bitcast_convert_type(w, jnp.int32)
    y = lax.bitcast_convert_type(
        np.int32(0x5F3759DF) - lax.shift_right_logical(wi, np.int32(1)),
        jnp.float32,
    )
    hw = np.float32(0.5) * w
    y = y * (np.float32(1.5) - hw * y * y)
    y = y * (np.float32(1.5) - hw * y * y)
    y = y * (np.float32(1.5) - hw * y * y)
    return w * y


def _erfinv(u, sqrt_fn=jnp.sqrt):
    t = np.float32(1.0) - u * u
    ti = lax.bitcast_convert_type(t, jnp.int32)
    e = lax.shift_right_logical(ti, np.int32(23)) - np.int32(127)
    m = lax.bitcast_convert_type(
        (ti & np.int32(0x007FFFFF)) | np.int32(0x3F800000), jnp.float32
    )
    p = jnp.full_like(m, np.float32(_LOG2C[0]))
    for c in _LOG2C[1:]:
        p = p * m + np.float32(c)
    w = -_LN2 * (e.astype(jnp.float32) + p)

    wc = w - np.float32(2.5)
    pc = jnp.full_like(wc, np.float32(_ERFC_CENTRAL[0]))
    for c in _ERFC_CENTRAL[1:]:
        pc = pc * wc + np.float32(c)
    wt = sqrt_fn(jnp.maximum(w, np.float32(0.0))) - np.float32(3.0)
    pt = jnp.full_like(wt, np.float32(_ERFC_TAIL[0]))
    for c in _ERFC_TAIL[1:]:
        pt = pt * wt + np.float32(c)
    return jnp.where(w < np.float32(5.0), pc, pt) * u


def _bits_to_sample(bits, mean, std, sqrt_fn=jnp.sqrt):
    fb = lax.shift_right_logical(bits, np.int32(9)) | np.int32(0x3F800000)
    f = lax.bitcast_convert_type(fb, jnp.float32) - np.float32(1.0)
    u = jnp.maximum(_LO, f * _DELTA + _LO)
    return mean + std * _erfinv(u, sqrt_fn)


_NW = 32
_TPAD = 16


def _make_sc_kernel(total_base, sc_n):
    per_w = sc_n // _NW
    ch = 2048
    n_chunks = per_w // ch
    assert per_w % ch == 0
    unroll = 4
    groups = ch // (16 * unroll)

    mesh = plsc.VectorSubcoreMesh(core_axis_name="c", subcore_axis_name="s")

    @functools.partial(
        pl.kernel,
        mesh=mesh,
        out_type=jax.ShapeDtypeStruct((sc_n,), jnp.float32),
        scratch_types=[
            pltpu.VMEM((ch,), jnp.int32),
            pltpu.VMEM((ch,), jnp.float32),
            pltpu.VMEM((_TPAD,), jnp.int32),
            pltpu.VMEM((_TPAD,), jnp.int32),
            pltpu.VMEM((_TPAD,), jnp.float32),
            pltpu.VMEM((_TPAD,), jnp.float32),
        ],
    )
    def sc_kernel(lab_hbm, k1_hbm, k2_hbm, mean_hbm, std_hbm, out_hbm,
                  lab_v, out_v, k1_v, k2_v, mean_v, std_v):
        wid = lax.axis_index("s") * 2 + lax.axis_index("c")
        pltpu.sync_copy(k1_hbm, k1_v)
        pltpu.sync_copy(k2_hbm, k2_v)
        pltpu.sync_copy(mean_hbm, mean_v)
        pltpu.sync_copy(std_hbm, std_v)
        k1tab = k1_v[...]
        k2tab = k2_v[...]
        meantab = mean_v[...]
        stdtab = std_v[...]
        w_base = wid * per_w

        def chunk_body(ci, carry):
            start = w_base + ci * ch
            pltpu.sync_copy(lab_hbm.at[pl.ds(total_base + start, ch)], lab_v)

            def grp_body(g, carry2):
                for uu in range(unroll):
                    off = (g * unroll + uu) * 16
                    vlab = lab_v[pl.ds(off, 16)]
                    k1 = k1tab.at[vlab].get(mode="promise_in_bounds")
                    k2 = k2tab.at[vlab].get(mode="promise_in_bounds")
                    mean = meantab.at[vlab].get(mode="promise_in_bounds")
                    std = stdtab.at[vlab].get(mode="promise_in_bounds")
                    p = (total_base + start + off) + lax.iota(jnp.int32, 16)
                    h0, h1 = _threefry2x32(k1, p + k2, k1, k2)
                    out_v[pl.ds(off, 16)] = _bits_to_sample(
                        h0 ^ h1, mean, std, _newton_sqrt
                    )
                return carry2

            lax.fori_loop(0, groups, grp_body, 0)
            pltpu.sync_copy(out_v, out_hbm.at[pl.ds(start, ch)])
            return carry

        lax.fori_loop(0, n_chunks, chunk_body, 0)

    return sc_kernel


def _presence_body(
    means_ref, stds_ref, k1t_ref, k2t_ref, lab_ref,
    orm_ref, vk1_ref, vk2_ref, vmean_ref, vstd_ref,
):
    @pl.when(pl.program_id(0) == 0)
    def _init():
        orm_ref[...] = jnp.zeros_like(orm_ref)

    m = lax.shift_left(jnp.int32(1), lab_ref[...])
    r, c = m.shape
    while r > 8:
        m = m[: r // 2, :] | m[r // 2 :, :]
        r //= 2
    while c > 128:
        m = m[:, : c // 2] | m[:, c // 2 :]
        c //= 2
    orm_ref[...] = orm_ref[...] | m

    @pl.when(pl.program_id(0) == pl.num_programs(0) - 1)
    def _tables():
        m8 = orm_ref[...]
        pres = [
            jnp.any((m8 & np.int32(1 << v)) != 0).astype(jnp.int32)
            for v in range(NUM_VALS)
        ]
        n = pres[0]
        for v in range(1, NUM_VALS):
            n = n + pres[v]
        run = np.int32(-1)
        for v in range(NUM_VALS):
            run = run + pres[v]
            iv = jnp.maximum(run, np.int32(0))
            vk1_ref[v] = k1t_ref[iv]
            vk2_ref[v] = k2t_ref[iv]
            vmean_ref[v] = means_ref[n, iv]
            vstd_ref[v] = stds_ref[n, iv] * _SQRT2
        for v in range(NUM_VALS, _TPAD):
            vk1_ref[v] = np.int32(0)
            vk2_ref[v] = np.int32(0)
            vmean_ref[v] = np.float32(0.0)
            vstd_ref[v] = np.float32(0.0)


def _sample_body(k1t_ref, k2t_ref, mean_ref, std_ref, lab_ref, out_ref):
    k1s = [k1t_ref[v] for v in range(NUM_VALS)]
    k2s = [k2t_ref[v] for v in range(NUM_VALS)]
    means = [mean_ref[v] for v in range(NUM_VALS)]
    stds = [std_ref[v] for v in range(NUM_VALS)]

    blk = lab_ref[...]
    br, bc = blk.shape
    assert bc == 8192 and br * bc == 1 << 19

    k1 = jnp.full(blk.shape, k1s[0], dtype=jnp.int32)
    k2 = jnp.full(blk.shape, k2s[0], dtype=jnp.int32)
    mean = jnp.full(blk.shape, means[0], dtype=jnp.float32)
    std = jnp.full(blk.shape, stds[0], dtype=jnp.float32)
    for v in range(1, NUM_VALS):
        sel = blk == v
        k1 = jnp.where(sel, k1s[v], k1)
        k2 = jnp.where(sel, k2s[v], k2)
        mean = jnp.where(sel, means[v], mean)
        std = jnp.where(sel, stds[v], std)

    base = lax.shift_left(pl.program_id(0), np.int32(19))
    lin = base | (
        lax.shift_left(lax.broadcasted_iota(jnp.int32, blk.shape, 0), np.int32(13))
        | lax.broadcasted_iota(jnp.int32, blk.shape, 1)
    )

    h0, h1 = _threefry2x32(k1, lin + k2, k1, k2)
    out_ref[...] = _bits_to_sample(h0 ^ h1, mean, std)


def kernel(labels):
    shape = labels.shape
    n_elems = int(np.prod(shape))
    rows = 512
    cols = n_elems // rows
    lab2d = labels.reshape(rows, cols).astype(jnp.int32)

    pres_steps = 4
    pres_br = rows // pres_steps
    smem = pl.BlockSpec(memory_space=pltpu.SMEM)
    _, vk1, vk2, vmean, vstd = pl.pallas_call(
        _presence_body,
        grid=(pres_steps,),
        in_specs=[
            smem,
            smem,
            smem,
            smem,
            pl.BlockSpec((pres_br, cols), lambda i: (i, 0)),
        ],
        out_specs=[
            pl.BlockSpec((8, 128), lambda i: (0, 0)),
            smem,
            smem,
            smem,
            smem,
        ],
        out_shape=[
            jax.ShapeDtypeStruct((8, 128), jnp.int32),
            jax.ShapeDtypeStruct((_TPAD,), jnp.int32),
            jax.ShapeDtypeStruct((_TPAD,), jnp.int32),
            jax.ShapeDtypeStruct((_TPAD,), jnp.float32),
            jax.ShapeDtypeStruct((_TPAD,), jnp.float32),
        ],
    )(
        jnp.asarray(_MEANS_NP),
        jnp.asarray(_STDS_NP),
        jnp.asarray(_KEYS_NP[:, 0]),
        jnp.asarray(_KEYS_NP[:, 1]),
        lab2d,
    )

    sc_rows = 128
    tc_rows = rows - sc_rows
    br = 64
    steps = tc_rows // br
    out_tc = pl.pallas_call(
        _sample_body,
        grid=(steps,),
        in_specs=[
            smem,
            smem,
            smem,
            smem,
            pl.BlockSpec((br, cols), lambda i: (i, 0)),
        ],
        out_specs=pl.BlockSpec((br, cols), lambda i: (i, 0)),
        out_shape=jax.ShapeDtypeStruct((tc_rows, cols), jnp.float32),
    )(vk1, vk2, vmean, vstd, lab2d)

    out_sc = _make_sc_kernel(tc_rows * cols, sc_rows * cols)(
        lab2d.reshape(-1), vk1, vk2, vmean, vstd
    )
    out = jnp.concatenate([out_tc.reshape(-1), out_sc])
    return out.reshape(shape)

# --- scband reference (transcript-rebuilt; emitter-appended) ---
"""Pipeline reference for scband-sample-condition-gmm-30107720745490 (READ-ONLY COPY).

The authoritative reference and input builder live on the scoring server;
editing this copy changes nothing except your own understanding.
"""

import jax, jax.numpy as jnp
import numpy as np


def setup_inputs(seed: int = 0) -> dict:
    key = jax.random.key(seed)
    labels = jax.random.randint(key, (64, 256, 256), 0, 10)
    return {"labels": labels}


def reference(labels):
    # Faithful translation of SampleConditionGMM.forward:
    #   classes = unique(labels)
    #   class_means ~ U(0, 255), class_stds ~ U(0, 30)
    #   for each class c: sample a full normal field and masked-write it where labels == c
    key = jax.random.key(42)
    num_vals = 10
    present = jnp.stack([jnp.any(labels == v) for v in range(num_vals)])
    n = jnp.sum(present.astype(jnp.int32))
    idx = jnp.cumsum(present.astype(jnp.int32)) - 1
    vals = jnp.arange(num_vals, dtype=labels.dtype)
    classes = jnp.zeros((num_vals,), dtype=labels.dtype).at[
        jnp.where(present, idx, num_vals)
    ].set(vals, mode="drop")
    k_mean, k_std, k_samp = jax.random.split(key, 3)

    def make_branch(k):
        def branch(_):
            m = jax.random.uniform(k_mean, (k,), minval=0.0, maxval=255.0)
            s = jax.random.uniform(k_std, (k,), minval=0.0, maxval=30.0)
            pad = num_vals - k
            return jnp.pad(m, (0, pad)), jnp.pad(s, (0, pad))
        return branch

    class_means, class_stds = jax.lax.switch(
        n, [make_branch(k) for k in range(num_vals + 1)], None
    )
    images = jnp.zeros(labels.shape, dtype=jnp.float32)
    for i in range(num_vals):
        c = classes[i]
        samples = class_means[i] + class_stds[i] * jax.random.normal(
            jax.random.fold_in(k_samp, i), labels.shape, dtype=jnp.float32
        )
        images = jnp.where((i < n) & (labels == c), samples, images)
    return images

if __name__ == "__main__":
    import jax
    _d = setup_inputs()
    print(jax.jit(kernel)(*tuple(_d.values())))

</pallas_src>

<mosaic_0001>
#map = affine_map<(d0, d1) -> (0)>
module attributes {stable_mosaic.version = 14 : i64} {
  func.func @sc_kernel(%arg0: i32, %arg1: i32, %arg2: memref<4194304xi32, #tpu.memory_space<hbm>>, %arg3: memref<16xi32, #tpu.memory_space<hbm>>, %arg4: memref<16xi32, #tpu.memory_space<hbm>>, %arg5: memref<16xf32, #tpu.memory_space<hbm>>, %arg6: memref<16xf32, #tpu.memory_space<hbm>>, %arg7: memref<1048576xf32, #tpu.memory_space<hbm>>, %arg8: memref<2048xi32, #tpu.memory_space<vmem>>, %arg9: memref<2048xf32, #tpu.memory_space<vmem>>, %arg10: memref<16xi32, #tpu.memory_space<vmem>>, %arg11: memref<16xi32, #tpu.memory_space<vmem>>, %arg12: memref<16xf32, #tpu.memory_space<vmem>>, %arg13: memref<16xf32, #tpu.memory_space<vmem>>) attributes {dimension_semantics = [#tpu.dimension_semantics<core_parallel>, #tpu.dimension_semantics<subcore_parallel>], iteration_bounds = array<i64: 2, 16>, scalar_prefetch = 0 : i64, scratch_operands = 6 : i64, tpu.core_type = #tpu.core_type<sc_vector_subcore>, window_params = [{transform_indices = #map}, {transform_indices = #map}, {transform_indices = #map}, {transform_indices = #map}, {transform_indices = #map}, {transform_indices = #map}]} {
    %mul3A = arith.constant 2 : i32
    %mul3A_0 = arith.muli %arg1, %mul3A : i32
    %add3A = arith.addi %mul3A_0, %arg0 : i32
    "tpu.region"() ({
      %run_scoped3A = tpu.sem_alloc : memref<!tpu.dma_semaphore, #tpu.memory_space<semaphore_mem>>
      tpu.enqueue_dma source(%arg3 : memref<16xi32, #tpu.memory_space<hbm>>) target(%arg10 : memref<16xi32, #tpu.memory_space<vmem>>) target_semaphore(%run_scoped3A : memref<!tpu.dma_semaphore, #tpu.memory_space<semaphore_mem>>)
      tpu.wait_dma2 semaphore(%run_scoped3A : memref<!tpu.dma_semaphore, #tpu.memory_space<semaphore_mem>>) src(%arg3 : memref<16xi32, #tpu.memory_space<hbm>>) dst(%arg10 : memref<16xi32, #tpu.memory_space<vmem>>)
      tpu.yield
    }) : () -> ()
    "tpu.region"() ({
      %run_scoped3A = tpu.sem_alloc : memref<!tpu.dma_semaphore, #tpu.memory_space<semaphore_mem>>
      tpu.enqueue_dma source(%arg4 : memref<16xi32, #tpu.memory_space<hbm>>) target(%arg11 : memref<16xi32, #tpu.memory_space<vmem>>) target_semaphore(%run_scoped3A : memref<!tpu.dma_semaphore, #tpu.memory_space<semaphore_mem>>)
      tpu.wait_dma2 semaphore(%run_scoped3A : memref<!tpu.dma_semaphore, #tpu.memory_space<semaphore_mem>>) src(%arg4 : memref<16xi32, #tpu.memory_space<hbm>>) dst(%arg11 : memref<16xi32, #tpu.memory_space<vmem>>)
      tpu.yield
    }) : () -> ()
    "tpu.region"() ({
      %run_scoped3A = tpu.sem_alloc : memref<!tpu.dma_semaphore, #tpu.memory_space<semaphore_mem>>
      tpu.enqueue_dma source(%arg5 : memref<16xf32, #tpu.memory_space<hbm>>) target(%arg12 : memref<16xf32, #tpu.memory_space<vmem>>) target_semaphore(%run_scoped3A : memref<!tpu.dma_semaphore, #tpu.memory_space<semaphore_mem>>)
      tpu.wait_dma2 semaphore(%run_scoped3A : memref<!tpu.dma_semaphore, #tpu.memory_space<semaphore_mem>>) src(%arg5 : memref<16xf32, #tpu.memory_space<hbm>>) dst(%arg12 : memref<16xf32, #tpu.memory_space<vmem>>)
      tpu.yield
    }) : () -> ()
    "tpu.region"() ({
      %run_scoped3A = tpu.sem_alloc : memref<!tpu.dma_semaphore, #tpu.memory_space<semaphore_mem>>
      tpu.enqueue_dma source(%arg6 : memref<16xf32, #tpu.memory_space<hbm>>) target(%arg13 : memref<16xf32, #tpu.memory_space<vmem>>) target_semaphore(%run_scoped3A : memref<!tpu.dma_semaphore, #tpu.memory_space<semaphore_mem>>)
      tpu.wait_dma2 semaphore(%run_scoped3A : memref<!tpu.dma_semaphore, #tpu.memory_space<semaphore_mem>>) src(%arg6 : memref<16xf32, #tpu.memory_space<hbm>>) dst(%arg13 : memref<16xf32, #tpu.memory_space<vmem>>)
      tpu.yield
    }) : () -> ()
    %get3A = arith.constant 0 : index
    %get3A_1 = tpu.vector_load %arg10[%get3A] {strides = array<i32>} : memref<16xi32, #tpu.memory_space<vmem>>, vector<16xi32>,
    %get3A_2 = vector.shape_cast %get3A_1 : vector<16xi32> to vector<16xi32>
    %get3A_3 = arith.constant 0 : index
    %get3A_4 = tpu.vector_load %arg11[%get3A_3] {strides = array<i32>} : memref<16xi32, #tpu.memory_space<vmem>>, vector<16xi32>,
    %get3A_5 = vector.shape_cast %get3A_4 : vector<16xi32> to vector<16xi32>
    %get3A_6 = arith.constant 0 : index
    %get3A_7 = tpu.vector_load %arg12[%get3A_6] {strides = array<i32>} : memref<16xf32, #tpu.memory_space<vmem>>, vector<16xf32>,
    %get3A_8 = vector.shape_cast %get3A_7 : vector<16xf32> to vector<16xf32>
    %get3A_9 = arith.constant 0 : index
    %get3A_10 = tpu.vector_load %arg13[%get3A_9] {strides = array<i32>} : memref<16xf32, #tpu.memory_space<vmem>>, vector<16xf32>,
    %get3A_11 = vector.shape_cast %get3A_10 : vector<16xf32> to vector<16xf32>
    %mul3A_12 = arith.constant 32768 : i32
    %mul3A_13 = arith.muli %add3A, %mul3A_12 : i32
    %scan3A = arith.constant 0 : i32
    %scan3A_14 = arith.constant 0 : i32
    %scan3A_15 = arith.constant 16 : i32
    %scan3A_16 = arith.addi %scan3A_14, %scan3A_15 : i32
    %scan3A_17 = arith.constant 1 : i32
    scf.for %scan3A_19 = %scan3A_14 to %scan3A_16 step %scan3A_17  : i32 {
      %mul3A_20 = arith.constant 2048 : i32
      %mul3A_21 = arith.muli %scan3A_19, %mul3A_20 : i32
      %add3A_22 = arith.addi %mul3A_13, %mul3A_21 : i32
      %add3A_23 = arith.constant 3145728 : i32
      %add3A_24 = arith.addi %add3A_23, %add3A_22 : i32
      "tpu.region"() ({
        %run_scoped3A = tpu.sem_alloc : memref<!tpu.dma_semaphore, #tpu.memory_space<semaphore_mem>>
        %dma_start3A = tpu.memref_slice %arg2[%add3A_24] : memref<4194304xi32, #tpu.memory_space<hbm>> -> memref<2048xi32, #tpu.memory_space<hbm>>
        %dma_start3A_31 = tpu.memref_slice %arg2[%add3A_24] : memref<4194304xi32, #tpu.memory_space<hbm>> -> memref<2048xi32, #tpu.memory_space<hbm>>
        tpu.enqueue_dma source(%dma_start3A_31 : memref<2048xi32, #tpu.memory_space<hbm>>) target(%arg8 : memref<2048xi32, #tpu.memory_space<vmem>>) target_semaphore(%run_scoped3A : memref<!tpu.dma_semaphore, #tpu.memory_space<semaphore_mem>>)
        %dma_wait3A = tpu.memref_slice %arg2[%add3A_24] : memref<4194304xi32, #tpu.memory_space<hbm>> -> memref<2048xi32, #tpu.memory_space<hbm>>
        %dma_wait3A_32 = tpu.memref_slice %arg2[%add3A_24] : memref<4194304xi32, #tpu.memory_space<hbm>> -> memref<2048xi32, #tpu.memory_space<hbm>>
        tpu.wait_dma2 semaphore(%run_scoped3A : memref<!tpu.dma_semaphore, #tpu.memory_space<semaphore_mem>>) src(%dma_wait3A_32 : memref<2048xi32, #tpu.memory_space<hbm>>) dst(%arg8 : memref<2048xi32, #tpu.memory_space<vmem>>)
        tpu.yield
      }) : () -> ()
      %scan3A_25 = arith.constant 0 : i32
      %scan3A_26 = arith.constant 0 : i32
      %scan3A_27 = arith.constant 32 : i32
      %scan3A_28 = arith.addi %scan3A_26, %scan3A_27 : i32
      %scan3A_29 = arith.constant 1 : i32
      scf.for %scan3A_31 = %scan3A_26 to %scan3A_28 step %scan3A_29  : i32 {
        %mul3A_32 = arith.constant 4 : i32
        %mul3A_33 = arith.muli %scan3A_31, %mul3A_32 : i32
        %add3A_34 = arith.constant 0 : i32
        %add3A_35 = arith.addi %mul3A_33, %add3A_34 : i32
        %mul3A_36 = arith.constant 16 : i32
        %mul3A_37 = arith.muli %add3A_35, %mul3A_36 : i32
        %get3A_38 = arith.index_cast %mul3A_37 : i32 to index
        %get3A_39 = tpu.vector_load %arg8[%get3A_38] {strides = array<i32>} : memref<2048xi32, #tpu.memory_space<vmem>>, vector<16xi32>,
        %get3A_40 = vector.shape_cast %get3A_39 : vector<16xi32> to vector<16xi32>
        %lt3A = arith.constant 0 : i32
        %lt3A_41 = vector.broadcast %lt3A : i32 to vector<16xi32>
        %lt3A_42 = arith.cmpi slt, %get3A_40, %lt3A_41 : vector<16xi32>
        %add3A_43 = arith.constant 16 : i32
        %add3A_44 = vector.broadcast %add3A_43 : i32 to vector<16xi32>
        %add3A_45 = arith.addi %get3A_40, %add3A_44 : vector<16xi32>
        %select_n3A = arith.select %lt3A_42, %add3A_45, %get3A_40 : vector<16xi1>, vector<16xi32>
        %broadcast_in_dim3A = vector.shape_cast %select_n3A : vector<16xi32> to vector<16x1xi32>
        %gather3A = vector.shape_cast %broadcast_in_dim3A : vector<16x1xi32> to vector<16xi32>
        %gather3A_46 = tpu.dynamic_gather %get3A_2[%gather3A] in [0] : vector<16xi32>, vector<16xi32> -> vector<16xi32>
        %lt3A_47 = arith.constant 0 : i32
        %lt3A_48 = vector.broadcast %lt3A_47 : i32 to vector<16xi32>
        %lt3A_49 = arith.cmpi slt, %get3A_40, %lt3A_48 : vector<16xi32>
        %add3A_50 = arith.constant 16 : i32
        %add3A_51 = vector.broadcast %add3A_50 : i32 to vector<16xi32>
        %add3A_52 = arith.addi %get3A_40, %add3A_51 : vector<16xi32>
        %select_n3A_53 = arith.select %lt3A_49, %add3A_52, %get3A_40 : vector<16xi1>, vector<16xi32>
        %broadcast_in_dim3A_54 = vector.shape_cast %select_n3A_53 : vector<16xi32> to vector<16x1xi32>
        %gather3A_55 = vector.shape_cast %broadcast_in_dim3A_54 : vector<16x1xi32> to vector<16xi32>
        %gather3A_56 = tpu.dynamic_gather %get3A_5[%gather3A_55] in [0] : vector<16xi32>, vector<16xi32> -> vector<16xi32>
        %lt3A_57 = arith.constant 0 : i32
        %lt3A_58 = vector.broadcast %lt3A_57 : i32 to vector<16xi32>
        %lt3A_59 = arith.cmpi slt, %get3A_40, %lt3A_58 : vector<16xi32>
        %add3A_60 = arith.constant 16 : i32
        %add3A_61 = vector.broadcast %add3A_60 : i32 to vector<16xi32>
        %add3A_62 = arith.addi %get3A_40, %add3A_61 : vector<16xi32>
        %select_n3A_63 = arith.select %lt3A_59, %add3A_62, %get3A_40 : vector<16xi1>, vector<16xi32>
        %broadcast_in_dim3A_64 = vector.shape_cast %select_n3A_63 : vector<16xi32> to vector<16x1xi32>
        %gather3A_65 = vector.shape_cast %broadcast_in_dim3A_64 : vector<16x1xi32> to vector<16xi32>
        %gather3A_66 = tpu.dynamic_gather %get3A_8[%gather3A_65] in [0] : vector<16xf32>, vector<16xi32> -> vector<16xf32>
        %lt3A_67 = arith.constant 0 : i32
        %lt3A_68 = vector.broadcast %lt3A_67 : i32 to vector<16xi32>
        %lt3A_69 = arith.cmpi slt, %get3A_40, %lt3A_68 : vector<16xi32>
        %add3A_70 = arith.constant 16 : i32
        %add3A_71 = vector.broadcast %add3A_70 : i32 to vector<16xi32>
        %add3A_72 = arith.addi %get3A_40, %add3A_71 : vector<16xi32>
        %select_n3A_73 = arith.select %lt3A_69, %add3A_72, %get3A_40 : vector<16xi1>, vector<16xi32>
        %broadcast_in_dim3A_74 = vector.shape_cast %select_n3A_73 : vector<16xi32> to vector<16x1xi32>
        %gather3A_75 = vector.shape_cast %broadcast_in_dim3A_74 : vector<16x1xi32> to vector<16xi32>
        %gather3A_76 = tpu.dynamic_gather %get3A_11[%gather3A_75] in [0] : vector<16xf32>, vector<16xi32> -> vector<16xf32>
        %add3A_77 = arith.constant 3145728 : i32
        %add3A_78 = arith.addi %add3A_77, %add3A_22 : i32
        %add3A_79 = arith.addi %add3A_78, %mul3A_37 : i32
        %iota3A = tpu.iota {dimensions = array<i32: 0>} : vector<16xi32>
        %add3A_80 = vector.broadcast %add3A_79 : i32 to vector<16xi32>
        %add3A_81 = arith.addi %add3A_80, %iota3A : vector<16xi32>
        %add3A_82 = arith.addi %add3A_81, %gather3A_56 : vector<16xi32>
        %xor3A = arith.xori %gather3A_46, %gather3A_56 : vector<16xi32>
        %xor3A_83 = arith.constant 466688986 : i32
        %xor3A_84 = vector.broadcast %xor3A_83 : i32 to vector<16xi32>
        %xor3A_85 = arith.xori %xor3A, %xor3A_84 : vector<16xi32>
        %add3A_86 = arith.addi %gather3A_46, %add3A_82 : vector<16xi32>
        %shift_left3A = arith.constant 13 : i32
        %shift_left3A_87 = vector.broadcast %shift_left3A : i32 to vector<16xi32>
        %shift_left3A_88 = arith.shli %add3A_82, %shift_left3A_87 : vector<16xi32>
        %shift_right_logical3A = arith.constant 19 : i32
        %shift_right_logical3A_89 = vector.broadcast %shift_right_logical3A : i32 to vector<16xi32>
        %shift_right_logical3A_90 = arith.shrui %add3A_82, %shift_right_logical3A_89 : vector<16xi32>
        %or3A = arith.ori %shift_left3A_88, %shift_right_logical3A_90 : vector<16xi32>
        %xor3A_91 = arith.xori %or3A, %add3A_86 : vector<16xi32>
        %add3A_92 = arith.addi %add3A_86, %xor3A_91 : vector<16xi32>
        %shift_left3A_93 = arith.constant 15 : i32
        %shift_left3A_94 = vector.broadcast %shift_left3A_93 : i32 to vector<16xi32>
        %shift_left3A_95 = arith.shli %xor3A_91, %shift_left3A_94 : vector<16xi32>
        %shift_right_logical3A_96 = arith.constant 17 : i32
        %shift_right_logical3A_97 = vector.broadcast %shift_right_logical3A_96 : i32 to vector<16xi32>
        %shift_right_logical3A_98 = arith.shrui %xor3A_91, %shift_right_logical3A_97 : vector<16xi32>
        %or3A_99 = arith.ori %shift_left3A_95, %shift_right_logical3A_98 : vector<16xi32>
        %xor3A_100 = arith.xori %or3A_99, %add3A_92 : vector<16xi32>
        %add3A_101 = arith.addi %add3A_92, %xor3A_100 : vector<16xi32>
        %shift_left3A_102 = arith.constant 26 : i32
        %shift_left3A_103 = vector.broadcast %shift_left3A_102 : i32 to vector<16xi32>
        %shift_left3A_104 = arith.shli %xor3A_100, %shift_left3A_103 : vector<16xi32>
        %shift_right_logical3A_105 = arith.constant 6 : i32
        %shift_right_logical3A_106 = vector.broadcast %shift_right_logical3A_105 : i32 to vector<16xi32>
        %shift_right_logical3A_107 = arith.shrui %xor3A_100, %shift_right_logical3A_106 : vector<16xi32>
        %or3A_108 = arith.ori %shift_left3A_104, %shift_right_logical3A_107 : vector<16xi32>
        %xor3A_109 = arith.xori %or3A_108, %add3A_101 : vector<16xi32>
        %add3A_110 = arith.addi %add3A_101, %xor3A_109 : vector<16xi32>
        %shift_left3A_111 = arith.constant 6 : i32
        %shift_left3A_112 = vector.broadcast %shift_left3A_111 : i32 to vector<16xi32>
        %shift_left3A_113 = arith.shli %xor3A_109, %shift_left3A_112 : vector<16xi32>
        %shift_right_logical3A_114 = arith.constant 26 : i32
        %shift_right_logical3A_115 = vector.broadcast %shift_right_logical3A_114 : i32 to vector<16xi32>
        %shift_right_logical3A_116 = arith.shrui %xor3A_109, %shift_right_logical3A_115 : vector<16xi32>
        %or3A_117 = arith.ori %shift_left3A_113, %shift_right_logical3A_116 : vector<16xi32>
        %xor3A_118 = arith.xori %or3A_117, %add3A_110 : vector<16xi32>
        %add3A_119 = arith.addi %add3A_110, %gather3A_56 : vector<16xi32>
        %add3A_120 = arith.addi %xor3A_118, %xor3A_85 : vector<16xi32>
        %add3A_121 = arith.constant 1 : i32
        %add3A_122 = vector.broadcast %add3A_121 : i32 to vector<16xi32>
        %add3A_123 = arith.addi %add3A_120, %add3A_122 : vector<16xi32>
        %add3A_124 = arith.addi %add3A_119, %add3A_123 : vector<16xi32>
        %shift_left3A_125 = arith.constant 17 : i32
        %shift_left3A_126 = vector.broadcast %shift_left3A_125 : i32 to vector<16xi32>
        %shift_left3A_127 = arith.shli %add3A_123, %shift_left3A_126 : vector<16xi32>
        %shift_right_logical3A_128 = arith.constant 15 : i32
        %shift_right_logical3A_129 = vector.broadcast %shift_right_logical3A_128 : i32 to vector<16xi32>
        %shift_right_logical3A_130 = arith.shrui %add3A_123, %shift_right_logical3A_129 : vector<16xi32>
        %or3A_131 = arith.ori %shift_left3A_127, %shift_right_logical3A_130 : vector<16xi32>
        %xor3A_132 = arith.xori %or3A_131, %add3A_124 : vector<16xi32>
        %add3A_133 = arith.addi %add3A_124, %xor3A_132 : vector<16xi32>
        %shift_left3A_134 = arith.constant 29 : i32
        %shift_left3A_135 = vector.broadcast %shift_left3A_134 : i32 to vector<16xi32>
        %shift_left3A_136 = arith.shli %xor3A_132, %shift_left3A_135 : vector<16xi32>
        %shift_right_logical3A_137 = arith.constant 3 : i32
        %shift_right_logical3A_138 = vector.broadcast %shift_right_logical3A_137 : i32 to vector<16xi32>
        %shift_right_logical3A_139 = arith.shrui %xor3A_132, %shift_right_logical3A_138 : vector<16xi32>
        %or3A_140 = arith.ori %shift_left3A_136, %shift_right_logical3A_139 : vector<16xi32>
        %xor3A_141 = arith.xori %or3A_140, %add3A_133 : vector<16xi32>
        %add3A_142 = arith.addi %add3A_133, %xor3A_141 : vector<16xi32>
        %shift_left3A_143 = arith.constant 16 : i32
        %shift_left3A_144 = vector.broadcast %shift_left3A_143 : i32 to vector<16xi32>
        %shift_left3A_145 = arith.shli %xor3A_141, %shift_left3A_144 : vector<16xi32>
        %shift_right_logical3A_146 = arith.constant 16 : i32
        %shift_right_logical3A_147 = vector.broadcast %shift_right_logical3A_146 : i32 to vector<16xi32>
        %shift_right_logical3A_148 = arith.shrui %xor3A_141, %shift_right_logical3A_147 : vector<16xi32>
        %or3A_149 = arith.ori %shift_left3A_145, %shift_right_logical3A_148 : vector<16xi32>
        %xor3A_150 = arith.xori %or3A_149, %add3A_142 : vector<16xi32>
        %add3A_151 = arith.addi %add3A_142, %xor3A_150 : vector<16xi32>
        %shift_left3A_152 = arith.constant 24 : i32
        %shift_left3A_153 = vector.broadcast %shift_left3A_152 : i32 to vector<16xi32>
        %shift_left3A_154 = arith.shli %xor3A_150, %shift_left3A_153 : vector<16xi32>
        %shift_right_logical3A_155 = arith.constant 8 : i32
        %shift_right_logical3A_156 = vector.broadcast %shift_right_logical3A_155 : i32 to vector<16xi32>
        %shift_right_logical3A_157 = arith.shrui %xor3A_150, %shift_right_logical3A_156 : vector<16xi32>
        %or3A_158 = arith.ori %shift_left3A_154, %shift_right_logical3A_157 : vector<16xi32>
        %xor3A_159 = arith.xori %or3A_158, %add3A_151 : vector<16xi32>
        %add3A_160 = arith.addi %add3A_151, %xor3A_85 : vector<16xi32>
        %add3A_161 = arith.addi %xor3A_159, %gather3A_46 : vector<16xi32>
        %add3A_162 = arith.constant 2 : i32
        %add3A_163 = vector.broadcast %add3A_162 : i32 to vector<16xi32>
        %add3A_164 = arith.addi %add3A_161, %add3A_163 : vector<16xi32>
        %add3A_165 = arith.addi %add3A_160, %add3A_164 : vector<16xi32>
        %shift_left3A_166 = arith.constant 13 : i32
        %shift_left3A_167 = vector.broadcast %shift_left3A_166 : i32 to vector<16xi32>
        %shift_left3A_168 = arith.shli %add3A_164, %shift_left3A_167 : vector<16xi32>
        %shift_right_logical3A_169 = arith.constant 19 : i32
        %shift_right_logical3A_170 = vector.broadcast %shift_right_logical3A_169 : i32 to vector<16xi32>
        %shift_right_logical3A_171 = arith.shrui %add3A_164, %shift_right_logical3A_170 : vector<16xi32>
        %or3A_172 = arith.ori %shift_left3A_168, %shift_right_logical3A_171 : vector<16xi32>
        %xor3A_173 = arith.xori %or3A_172, %add3A_165 : vector<16xi32>
        %add3A_174 = arith.addi %add3A_165, %xor3A_173 : vector<16xi32>
        %shift_left3A_175 = arith.constant 15 : i32
        %shift_left3A_176 = vector.broadcast %shift_left3A_175 : i32 to vector<16xi32>
        %shift_left3A_177 = arith.shli %xor3A_173, %shift_left3A_176 : vector<16xi32>
        %shift_right_logical3A_178 = arith.constant 17 : i32
        %shift_right_logical3A_179 = vector.broadcast %shift_right_logical3A_178 : i32 to vector<16xi32>
        %shift_right_logical3A_180 = arith.shrui %xor3A_173, %shift_right_logical3A_179 : vector<16xi32>
        %or3A_181 = arith.ori %shift_left3A_177, %shift_right_logical3A_180 : vector<16xi32>
        %xor3A_182 = arith.xori %or3A_181, %add3A_174 : vector<16xi32>
        %add3A_183 = arith.addi %add3A_174, %xor3A_182 : vector<16xi32>
        %shift_left3A_184 = arith.constant 26 : i32
        %shift_left3A_185 = vector.broadcast %shift_left3A_184 : i32 to vector<16xi32>
        %shift_left3A_186 = arith.shli %xor3A_182, %shift_left3A_185 : vector<16xi32>
        %shift_right_logical3A_187 = arith.constant 6 : i32
        %shift_right_logical3A_188 = vector.broadcast %shift_right_logical3A_187 : i32 to vector<16xi32>
        %shift_right_logical3A_189 = arith.shrui %xor3A_182, %shift_right_logical3A_188 : vector<16xi32>
        %or3A_190 = arith.ori %shift_left3A_186, %shift_right_logical3A_189 : vector<16xi32>
        %xor3A_191 = arith.xori %or3A_190, %add3A_183 : vector<16xi32>
        %add3A_192 = arith.addi %add3A_183, %xor3A_191 : vector<16xi32>
        %shift_left3A_193 = arith.constant 6 : i32
        %shift_left3A_194 = vector.broadcast %shift_left3A_193 : i32 to vector<16xi32>
        %shift_left3A_195 = arith.shli %xor3A_191, %shift_left3A_194 : vector<16xi32>
        %shift_right_logical3A_196 = arith.constant 26 : i32
        %shift_right_logical3A_197 = vector.broadcast %shift_right_logical3A_196 : i32 to vector<16xi32>
        %shift_right_logical3A_198 = arith.shrui %xor3A_191, %shift_right_logical3A_197 : vector<16xi32>
        %or3A_199 = arith.ori %shift_left3A_195, %shift_right_logical3A_198 : vector<16xi32>
        %xor3A_200 = arith.xori %or3A_199, %add3A_192 : vector<16xi32>
        %add3A_201 = arith.addi %add3A_192, %gather3A_46 : vector<16xi32>
        %add3A_202 = arith.addi %xor3A_200, %gather3A_56 : vector<16xi32>
        %add3A_203 = arith.constant 3 : i32
        %add3A_204 = vector.broadcast %add3A_203 : i32 to vector<16xi32>
        %add3A_205 = arith.addi %add3A_202, %add3A_204 : vector<16xi32>
        %add3A_206 = arith.addi %add3A_201, %add3A_205 : vector<16xi32>
        %shift_left3A_207 = arith.constant 17 : i32
        %shift_left3A_208 = vector.broadcast %shift_left3A_207 : i32 to vector<16xi32>
        %shift_left3A_209 = arith.shli %add3A_205, %shift_left3A_208 : vector<16xi32>
        %shift_right_logical3A_210 = arith.constant 15 : i32
        %shift_right_logical3A_211 = vector.broadcast %shift_right_logical3A_210 : i32 to vector<16xi32>
        %shift_right_logical3A_212 = arith.shrui %add3A_205, %shift_right_logical3A_211 : vector<16xi32>
        %or3A_213 = arith.ori %shift_left3A_209, %shift_right_logical3A_212 : vector<16xi32>
        %xor3A_214 = arith.xori %or3A_213, %add3A_206 : vector<16xi32>
        %add3A_215 = arith.addi %add3A_206, %xor3A_214 : vector<16xi32>
        %shift_left3A_216 = arith.constant 29 : i32
        %shift_left3A_217 = vector.broadcast %shift_left3A_216 : i32 to vector<16xi32>
        %shift_left3A_218 = arith.shli %xor3A_214, %shift_left3A_217 : vector<16xi32>
        %shift_right_logical3A_219 = arith.constant 3 : i32
        %shift_right_logical3A_220 = vector.broadcast %shift_right_logical3A_219 : i32 to vector<16xi32>
        %shift_right_logical3A_221 = arith.shrui %xor3A_214, %shift_right_logical3A_220 : vector<16xi32>
        %or3A_222 = arith.ori %shift_left3A_218, %shift_right_logical3A_221 : vector<16xi32>
        %xor3A_223 = arith.xori %or3A_222, %add3A_215 : vector<16xi32>
        %add3A_224 = arith.addi %add3A_215, %xor3A_223 : vector<16xi32>
        %shift_left3A_225 = arith.constant 16 : i32
        %shift_left3A_226 = vector.broadcast %shift_left3A_225 : i32 to vector<16xi32>
        %shift_left3A_227 = arith.shli %xor3A_223, %shift_left3A_226 : vector<16xi32>
        %shift_right_logical3A_228 = arith.constant 16 : i32
        %shift_right_logical3A_229 = vector.broadcast %shift_right_logical3A_228 : i32 to vector<16xi32>
        %shift_right_logical3A_230 = arith.shrui %xor3A_223, %shift_right_logical3A_229 : vector<16xi32>
        %or3A_231 = arith.ori %shift_left3A_227, %shift_right_logical3A_230 : vector<16xi32>
        %xor3A_232 = arith.xori %or3A_231, %add3A_224 : vector<16xi32>
        %add3A_233 = arith.addi %add3A_224, %xor3A_232 : vector<16xi32>
        %shift_left3A_234 = arith.constant 24 : i32
        %shift_left3A_235 = vector.broadcast %shift_left3A_234 : i32 to vector<16xi32>
        %shift_left3A_236 = arith.shli %xor3A_232, %shift_left3A_235 : vector<16xi32>
        %shift_right_logical3A_237 = arith.constant 8 : i32
        %shift_right_logical3A_238 = vector.broadcast %shift_right_logical3A_237 : i32 to vector<16xi32>
        %shift_right_logical3A_239 = arith.shrui %xor3A_232, %shift_right_logical3A_238 : vector<16xi32>
        %or3A_240 = arith.ori %shift_left3A_236, %shift_right_logical3A_239 : vector<16xi32>
        %xor3A_241 = arith.xori %or3A_240, %add3A_233 : vector<16xi32>
        %add3A_242 = arith.addi %add3A_233, %gather3A_56 : vector<16xi32>
        %add3A_243 = arith.addi %xor3A_241, %xor3A_85 : vector<16xi32>
        %add3A_244 = arith.constant 4 : i32
        %add3A_245 = vector.broadcast %add3A_244 : i32 to vector<16xi32>
        %add3A_246 = arith.addi %add3A_243, %add3A_245 : vector<16xi32>
        %add3A_247 = arith.addi %add3A_242, %add3A_246 : vector<16xi32>
        %shift_left3A_248 = arith.constant 13 : i32
        %shift_left3A_249 = vector.broadcast %shift_left3A_248 : i32 to vector<16xi32>
        %shift_left3A_250 = arith.shli %add3A_246, %shift_left3A_249 : vector<16xi32>
        %shift_right_logical3A_251 = arith.constant 19 : i32
        %shift_right_logical3A_252 = vector.broadcast %shift_right_logical3A_251 : i32 to vector<16xi32>
        %shift_right_logical3A_253 = arith.shrui %add3A_246, %shift_right_logical3A_252 : vector<16xi32>
        %or3A_254 = arith.ori %shift_left3A_250, %shift_right_logical3A_253 : vector<16xi32>
        %xor3A_255 = arith.xori %or3A_254, %add3A_247 : vector<16xi32>
        %add3A_256 = arith.addi %add3A_247, %xor3A_255 : vector<16xi32>
        %shift_left3A_257 = arith.constant 15 : i32
        %shift_left3A_258 = vector.broadcast %shift_left3A_257 : i32 to vector<16xi32>
        %shift_left3A_259 = arith.shli %xor3A_255, %shift_left3A_258 : vector<16xi32>
        %shift_right_logical3A_260 = arith.constant 17 : i32
        %shift_right_logical3A_261 = vector.broadcast %shift_right_logical3A_260 : i32 to vector<16xi32>
        %shift_right_logical3A_262 = arith.shrui %xor3A_255, %shift_right_logical3A_261 : vector<16xi32>
        %or3A_263 = arith.ori %shift_left3A_259, %shift_right_logical3A_262 : vector<16xi32>
        %xor3A_264 = arith.xori %or3A_263, %add3A_256 : vector<16xi32>
        %add3A_265 = arith.addi %add3A_256, %xor3A_264 : vector<16xi32>
        %shift_left3A_266 = arith.constant 26 : i32
        %shift_left3A_267 = vector.broadcast %shift_left3A_266 : i32 to vector<16xi32>
        %shift_left3A_268 = arith.shli %xor3A_264, %shift_left3A_267 : vector<16xi32>
        %shift_right_logical3A_269 = arith.constant 6 : i32
        %shift_right_logical3A_270 = vector.broadcast %shift_right_logical3A_269 : i32 to vector<16xi32>
        %shift_right_logical3A_271 = arith.shrui %xor3A_264, %shift_right_logical3A_270 : vector<16xi32>
        %or3A_272 = arith.ori %shift_left3A_268, %shift_right_logical3A_271 : vector<16xi32>
        %xor3A_273 = arith.xori %or3A_272, %add3A_265 : vector<16xi32>
        %add3A_274 = arith.addi %add3A_265, %xor3A_273 : vector<16xi32>
        %shift_left3A_275 = arith.constant 6 : i32
        %shift_left3A_276 = vector.broadcast %shift_left3A_275 : i32 to vector<16xi32>
        %shift_left3A_277 = arith.shli %xor3A_273, %shift_left3A_276 : vector<16xi32>
        %shift_right_logical3A_278 = arith.constant 26 : i32
        %shift_right_logical3A_279 = vector.broadcast %shift_right_logical3A_278 : i32 to vector<16xi32>
        %shift_right_logical3A_280 = arith.shrui %xor3A_273, %shift_right_logical3A_279 : vector<16xi32>
        %or3A_281 = arith.ori %shift_left3A_277, %shift_right_logical3A_280 : vector<16xi32>
        %xor3A_282 = arith.xori %or3A_281, %add3A_274 : vector<16xi32>
        %add3A_283 = arith.addi %add3A_274, %xor3A_85 : vector<16xi32>
        %add3A_284 = arith.addi %xor3A_282, %gather3A_46 : vector<16xi32>
        %add3A_285 = arith.constant 5 : i32
        %add3A_286 = vector.broadcast %add3A_285 : i32 to vector<16xi32>
        %add3A_287 = arith.addi %add3A_284, %add3A_286 : vector<16xi32>
        %xor3A_288 = arith.xori %add3A_283, %add3A_287 : vector<16xi32>
        %shift_right_logical3A_289 = arith.constant 9 : i32
        %shift_right_logical3A_290 = vector.broadcast %shift_right_logical3A_289 : i32 to vector<16xi32>
        %shift_right_logical3A_291 = arith.shrui %xor3A_288, %shift_right_logical3A_290 : vector<16xi32>
        %or3A_292 = arith.constant 1065353216 : i32
        %or3A_293 = vector.broadcast %or3A_292 : i32 to vector<16xi32>
        %or3A_294 = arith.ori %shift_right_logical3A_291, %or3A_293 : vector<16xi32>
        %bitcast_convert_type3A = tpu.bitcast %or3A_294 : vector<16xi32> -> vector<16xf32>
        %sub3A = arith.constant 1.000000e+00 : f32
        %sub3A_295 = vector.broadcast %sub3A : f32 to vector<16xf32>
        %sub3A_296 = arith.subf %bitcast_convert_type3A, %sub3A_295 : vector<16xf32>
        %mul3A_297 = arith.constant 2.000000e+00 : f32
        %mul3A_298 = vector.broadcast %mul3A_297 : f32 to vector<16xf32>
        %mul3A_299 = arith.mulf %sub3A_296, %mul3A_298 : vector<16xf32>
        %add3A_300 = arith.constant -0.99999994 : f32
        %add3A_301 = vector.broadcast %add3A_300 : f32 to vector<16xf32>
        %add3A_302 = arith.addf %mul3A_299, %add3A_301 : vector<16xf32>
        %max3A = arith.constant -0.99999994 : f32
        %max3A_303 = vector.broadcast %max3A : f32 to vector<16xf32>
        %max3A_304 = arith.maximumf %max3A_303, %add3A_302 : vector<16xf32>
        %mul3A_305 = arith.mulf %max3A_304, %max3A_304 : vector<16xf32>
        %sub3A_306 = arith.constant 1.000000e+00 : f32
        %sub3A_307 = vector.broadcast %sub3A_306 : f32 to vector<16xf32>
        %sub3A_308 = arith.subf %sub3A_307, %mul3A_305 : vector<16xf32>
        %bitcast_convert_type3A_309 = tpu.bitcast %sub3A_308 : vector<16xf32> -> vector<16xi32>
        %shift_right_logical3A_310 = arith.constant 23 : i32
        %shift_right_logical3A_311 = vector.broadcast %shift_right_logical3A_310 : i32 to vector<16xi32>
        %shift_right_logical3A_312 = arith.shrui %bitcast_convert_type3A_309, %shift_right_logical3A_311 : vector<16xi32>
        %sub3A_313 = arith.constant 127 : i32
        %sub3A_314 = vector.broadcast %sub3A_313 : i32 to vector<16xi32>
        %sub3A_315 = arith.subi %shift_right_logical3A_312, %sub3A_314 : vector<16xi32>
        %and3A = arith.constant 8388607 : i32
        %and3A_316 = vector.broadcast %and3A : i32 to vector<16xi32>
        %and3A_317 = arith.andi %bitcast_convert_type3A_309, %and3A_316 : vector<16xi32>
        %or3A_318 = arith.constant 1065353216 : i32
        %or3A_319 = vector.broadcast %or3A_318 : i32 to vector<16xi32>
        %or3A_320 = arith.ori %and3A_317, %or3A_319 : vector<16xi32>
        %bitcast_convert_type3A_321 = tpu.bitcast %or3A_320 : vector<16xi32> -> vector<16xf32>
        %broadcast_in_dim3A_322 = arith.constant -0.0248256065 : f32
        %broadcast_in_dim3A_323 = vector.broadcast %broadcast_in_dim3A_322 : f32 to vector<16xf32>
        %mul3A_324 = arith.mulf %broadcast_in_dim3A_323, %bitcast_convert_type3A_321 : vector<16xf32>
        %add3A_325 = arith.constant 0.266858816 : f32
        %add3A_326 = vector.broadcast %add3A_325 : f32 to vector<16xf32>
        %add3A_327 = arith.addf %mul3A_324, %add3A_326 : vector<16xf32>
        %mul3A_328 = arith.mulf %add3A_327, %bitcast_convert_type3A_321 : vector<16xf32>
        %add3A_329 = arith.constant -1.23426318 : f32
        %add3A_330 = vector.broadcast %add3A_329 : f32 to vector<16xf32>
        %add3A_331 = arith.addf %mul3A_328, %add3A_330 : vector<16xf32>
        %mul3A_332 = arith.mulf %add3A_331, %bitcast_convert_type3A_321 : vector<16xf32>
        %add3A_333 = arith.constant 3.21883273 : f32
        %add3A_334 = vector.broadcast %add3A_333 : f32 to vector<16xf32>
        %add3A_335 = arith.addf %mul3A_332, %add3A_334 : vector<16xf32>
        %mul3A_336 = arith.mulf %add3A_335, %bitcast_convert_type3A_321 : vector<16xf32>
        %add3A_337 = arith.constant -5.26411057 : f32
        %add3A_338 = vector.broadcast %add3A_337 : f32 to vector<16xf32>
        %add3A_339 = arith.addf %mul3A_336, %add3A_338 : vector<16xf32>
        %mul3A_340 = arith.mulf %add3A_339, %bitcast_convert_type3A_321 : vector<16xf32>
        %add3A_341 = arith.constant 6.065830e+00 : f32
        %add3A_342 = vector.broadcast %add3A_341 : f32 to vector<16xf32>
        %add3A_343 = arith.addf %mul3A_340, %add3A_342 : vector<16xf32>
        %mul3A_344 = arith.mulf %add3A_343, %bitcast_convert_type3A_321 : vector<16xf32>
        %add3A_345 = arith.constant -3.02831745 : f32
        %add3A_346 = vector.broadcast %add3A_345 : f32 to vector<16xf32>
        %add3A_347 = arith.addf %mul3A_344, %add3A_346 : vector<16xf32>
        %convert_element_type3A = arith.sitofp %sub3A_315 : vector<16xi32> to vector<16xf32>
        %add3A_348 = arith.addf %convert_element_type3A, %add3A_347 : vector<16xf32>
        %mul3A_349 = arith.constant -0.693147182 : f32
        %mul3A_350 = vector.broadcast %mul3A_349 : f32 to vector<16xf32>
        %mul3A_351 = arith.mulf %mul3A_350, %add3A_348 : vector<16xf32>
        %sub3A_352 = arith.constant 2.500000e+00 : f32
        %sub3A_353 = vector.broadcast %sub3A_352 : f32 to vector<16xf32>
        %sub3A_354 = arith.subf %mul3A_351, %sub3A_353 : vector<16xf32>
        %broadcast_in_dim3A_355 = arith.constant 2.81022636E-8 : f32
        %broadcast_in_dim3A_356 = vector.broadcast %broadcast_in_dim3A_355 : f32 to vector<16xf32>
        %mul3A_357 = arith.mulf %broadcast_in_dim3A_356, %sub3A_354 : vector<16xf32>
        %add3A_358 = arith.constant 3.43273939E-7 : f32
        %add3A_359 = vector.broadcast %add3A_358 : f32 to vector<16xf32>
        %add3A_360 = arith.addf %mul3A_357, %add3A_359 : vector<16xf32>
        %mul3A_361 = arith.mulf %add3A_360, %sub3A_354 : vector<16xf32>
        %add3A_362 = arith.constant -3.5233877E-6 : f32
        %add3A_363 = vector.broadcast %add3A_362 : f32 to vector<16xf32>
        %add3A_364 = arith.addf %mul3A_361, %add3A_363 : vector<16xf32>
        %mul3A_365 = arith.mulf %add3A_364, %sub3A_354 : vector<16xf32>
        %add3A_366 = arith.constant -4.39150654E-6 : f32
        %add3A_367 = vector.broadcast %add3A_366 : f32 to vector<16xf32>
        %add3A_368 = arith.addf %mul3A_365, %add3A_367 : vector<16xf32>
        %mul3A_369 = arith.mulf %add3A_368, %sub3A_354 : vector<16xf32>
        %add3A_370 = arith.constant 2.1858087E-4 : f32
        %add3A_371 = vector.broadcast %add3A_370 : f32 to vector<16xf32>
        %add3A_372 = arith.addf %mul3A_369, %add3A_371 : vector<16xf32>
        %mul3A_373 = arith.mulf %add3A_372, %sub3A_354 : vector<16xf32>
        %add3A_374 = arith.constant -0.00125372503 : f32
        %add3A_375 = vector.broadcast %add3A_374 : f32 to vector<16xf32>
        %add3A_376 = arith.addf %mul3A_373, %add3A_375 : vector<16xf32>
        %mul3A_377 = arith.mulf %add3A_376, %sub3A_354 : vector<16xf32>
        %add3A_378 = arith.constant -0.00417768164 : f32
        %add3A_379 = vector.broadcast %add3A_378 : f32 to vector<16xf32>
        %add3A_380 = arith.addf %mul3A_377, %add3A_379 : vector<16xf32>
        %mul3A_381 = arith.mulf %add3A_380, %sub3A_354 : vector<16xf32>
        %add3A_382 = arith.constant 0.246640727 : f32
        %add3A_383 = vector.broadcast %add3A_382 : f32 to vector<16xf32>
        %add3A_384 = arith.addf %mul3A_381, %add3A_383 : vector<16xf32>
        %mul3A_385 = arith.mulf %add3A_384, %sub3A_354 : vector<16xf32>
        %add3A_386 = arith.constant 1.50140941 : f32
        %add3A_387 = vector.broadcast %add3A_386 : f32 to vector<16xf32>
        %add3A_388 = arith.addf %mul3A_385, %add3A_387 : vector<16xf32>
        %max3A_389 = arith.constant 0.000000e+00 : f32
        %max3A_390 = vector.broadcast %max3A_389 : f32 to vector<16xf32>
        %max3A_391 = arith.maximumf %mul3A_351, %max3A_390 : vector<16xf32>
        %bitcast_convert_type3A_392 = tpu.bitcast %max3A_391 : vector<16xf32> -> vector<16xi32>
        %shift_right_logical3A_393 = arith.constant 1 : i32
        %shift_right_logical3A_394 = vector.broadcast %shift_right_logical3A_393 : i32 to vector<16xi32>
        %shift_right_logical3A_395 = arith.shrui %bitcast_convert_type3A_392, %shift_right_logical3A_394 : vector<16xi32>
        %sub3A_396 = arith.constant 1597463007 : i32
        %sub3A_397 = vector.broadcast %sub3A_396 : i32 to vector<16xi32>
        %sub3A_398 = arith.subi %sub3A_397, %shift_right_logical3A_395 : vector<16xi32>
        %bitcast_convert_type3A_399 = tpu.bitcast %sub3A_398 : vector<16xi32> -> vector<16xf32>
        %mul3A_400 = arith.constant 5.000000e-01 : f32
        %mul3A_401 = vector.broadcast %mul3A_400 : f32 to vector<16xf32>
        %mul3A_402 = arith.mulf %mul3A_401, %max3A_391 : vector<16xf32>
        %mul3A_403 = arith.mulf %mul3A_402, %bitcast_convert_type3A_399 : vector<16xf32>
        %mul3A_404 = arith.mulf %mul3A_403, %bitcast_convert_type3A_399 : vector<16xf32>
        %sub3A_405 = arith.constant 1.500000e+00 : f32
        %sub3A_406 = vector.broadcast %sub3A_405 : f32 to vector<16xf32>
        %sub3A_407 = arith.subf %sub3A_406, %mul3A_404 : vector<16xf32>
        %mul3A_408 = arith.mulf %bitcast_convert_type3A_399, %sub3A_407 : vector<16xf32>
        %mul3A_409 = arith.mulf %mul3A_402, %mul3A_408 : vector<16xf32>
        %mul3A_410 = arith.mulf %mul3A_409, %mul3A_408 : vector<16xf32>
        %sub3A_411 = arith.constant 1.500000e+00 : f32
        %sub3A_412 = vector.broadcast %sub3A_411 : f32 to vector<16xf32>
        %sub3A_413 = arith.subf %sub3A_412, %mul3A_410 : vector<16xf32>
        %mul3A_414 = arith.mulf %mul3A_408, %sub3A_413 : vector<16xf32>
        %mul3A_415 = arith.mulf %mul3A_402, %mul3A_414 : vector<16xf32>
        %mul3A_416 = arith.mulf %mul3A_415, %mul3A_414 : vector<16xf32>
        %sub3A_417 = arith.constant 1.500000e+00 : f32
        %sub3A_418 = vector.broadcast %sub3A_417 : f32 to vector<16xf32>
        %sub3A_419 = arith.subf %sub3A_418, %mul3A_416 : vector<16xf32>
        %mul3A_420 = arith.mulf %mul3A_414, %sub3A_419 : vector<16xf32>
        %mul3A_421 = arith.mulf %max3A_391, %mul3A_420 : vector<16xf32>
        %sub3A_422 = arith.constant 3.000000e+00 : f32
        %sub3A_423 = vector.broadcast %sub3A_422 : f32 to vector<16xf32>
        %sub3A_424 = arith.subf %mul3A_421, %sub3A_423 : vector<16xf32>
        %broadcast_in_dim3A_425 = arith.constant -2.00214257E-4 : f32
        %broadcast_in_dim3A_426 = vector.broadcast %broadcast_in_dim3A_425 : f32 to vector<16xf32>
        %mul3A_427 = arith.mulf %broadcast_in_dim3A_426, %sub3A_424 : vector<16xf32>
        %add3A_428 = arith.constant 1.00950558E-4 : f32
        %add3A_429 = vector.broadcast %add3A_428 : f32 to vector<16xf32>
        %add3A_430 = arith.addf %mul3A_427, %add3A_429 : vector<16xf32>
        %mul3A_431 = arith.mulf %add3A_430, %sub3A_424 : vector<16xf32>
        %add3A_432 = arith.constant 0.00134934322 : f32
        %add3A_433 = vector.broadcast %add3A_432 : f32 to vector<16xf32>
        %add3A_434 = arith.addf %mul3A_431, %add3A_433 : vector<16xf32>
        %mul3A_435 = arith.mulf %add3A_434, %sub3A_424 : vector<16xf32>
        %add3A_436 = arith.constant -0.00367342844 : f32
        %add3A_437 = vector.broadcast %add3A_436 : f32 to vector<16xf32>
        %add3A_438 = arith.addf %mul3A_435, %add3A_437 : vector<16xf32>
        %mul3A_439 = arith.mulf %add3A_438, %sub3A_424 : vector<16xf32>
        %add3A_440 = arith.constant 0.00573950773 : f32
        %add3A_441 = vector.broadcast %add3A_440 : f32 to vector<16xf32>
        %add3A_442 = arith.addf %mul3A_439, %add3A_441 : vector<16xf32>
        %mul3A_443 = arith.mulf %add3A_442, %sub3A_424 : vector<16xf32>
        %add3A_444 = arith.constant -0.0076224613 : f32
        %add3A_445 = vector.broadcast %add3A_444 : f32 to vector<16xf32>
        %add3A_446 = arith.addf %mul3A_443, %add3A_445 : vector<16xf32>
        %mul3A_447 = arith.mulf %add3A_446, %sub3A_424 : vector<16xf32>
        %add3A_448 = arith.constant 0.00943887047 : f32
        %add3A_449 = vector.broadcast %add3A_448 : f32 to vector<16xf32>
        %add3A_450 = arith.addf %mul3A_447, %add3A_449 : vector<16xf32>
        %mul3A_451 = arith.mulf %add3A_450, %sub3A_424 : vector<16xf32>
        %add3A_452 = arith.constant 1.00167406 : f32
        %add3A_453 = vector.broadcast %add3A_452 : f32 to vector<16xf32>
        %add3A_454 = arith.addf %mul3A_451, %add3A_453 : vector<16xf32>
        %mul3A_455 = arith.mulf %add3A_454, %sub3A_424 : vector<16xf32>
        %add3A_456 = arith.constant 2.83297682 : f32
        %add3A_457 = vector.broadcast %add3A_456 : f32 to vector<16xf32>
        %add3A_458 = arith.addf %mul3A_455, %add3A_457 : vector<16xf32>
        %lt3A_459 = arith.constant 5.000000e+00 : f32
        %lt3A_460 = vector.broadcast %lt3A_459 : f32 to vector<16xf32>
        %lt3A_461 = arith.cmpf olt, %mul3A_351, %lt3A_460 : vector<16xf32>
        %select_n3A_462 = arith.select %lt3A_461, %add3A_388, %add3A_458 : vector<16xi1>, vector<16xf32>
        %mul3A_463 = arith.mulf %select_n3A_462, %max3A_304 : vector<16xf32>
        %mul3A_464 = arith.mulf %gather3A_76, %mul3A_463 : vector<16xf32>
        %add3A_465 = arith.addf %gather3A_66, %mul3A_464 : vector<16xf32>
        %swap3A = arith.index_cast %mul3A_37 : i32 to index
        %swap3A_466 = tpu.vector_load %arg9[%swap3A] {strides = array<i32>} : memref<2048xf32, #tpu.memory_space<vmem>>, vector<16xf32>,
        %swap3A_467 = vector.shape_cast %swap3A_466 : vector<16xf32> to vector<16xf32>
        %swap3A_468 = vector.shape_cast %add3A_465 : vector<16xf32> to vector<16xf32>
        tpu.vector_store %arg9[%swap3A], %swap3A_468 {strides = array<i32>} : memref<2048xf32, #tpu.memory_space<vmem>>, vector<16xf32>,
        %mul3A_469 = arith.constant 4 : i32
        %mul3A_470 = arith.muli %scan3A_31, %mul3A_469 : i32
        %add3A_471 = arith.constant 1 : i32
        %add3A_472 = arith.addi %mul3A_470, %add3A_471 : i32
        %mul3A_473 = arith.constant 16 : i32
        %mul3A_474 = arith.muli %add3A_472, %mul3A_473 : i32
        %get3A_475 = arith.index_cast %mul3A_474 : i32 to index
        %get3A_476 = tpu.vector_load %arg8[%get3A_475] {strides = array<i32>} : memref<2048xi32, #tpu.memory_space<vmem>>, vector<16xi32>,
        %get3A_477 = vector.shape_cast %get3A_476 : vector<16xi32> to vector<16xi32>
        %lt3A_478 = arith.constant 0 : i32
        %lt3A_479 = vector.broadcast %lt3A_478 : i32 to vector<16xi32>
        %lt3A_480 = arith.cmpi slt, %get3A_477, %lt3A_479 : vector<16xi32>
        %add3A_481 = arith.constant 16 : i32
        %add3A_482 = vector.broadcast %add3A_481 : i32 to vector<16xi32>
        %add3A_483 = arith.addi %get3A_477, %add3A_482 : vector<16xi32>
        %select_n3A_484 = arith.select %lt3A_480, %add3A_483, %get3A_477 : vector<16xi1>, vector<16xi32>
        %broadcast_in_dim3A_485 = vector.shape_cast %select_n3A_484 : vector<16xi32> to vector<16x1xi32>
        %gather3A_486 = vector.shape_cast %broadcast_in_dim3A_485 : vector<16x1xi32> to vector<16xi32>
        %gather3A_487 = tpu.dynamic_gather %get3A_2[%gather3A_486] in [0] : vector<16xi32>, vector<16xi32> -> vector<16xi32>
        %lt3A_488 = arith.constant 0 : i32
        %lt3A_489 = vector.broadcast %lt3A_488 : i32 to vector<16xi32>
        %lt3A_490 = arith.cmpi slt, %get3A_477, %lt3A_489 : vector<16xi32>
        %add3A_491 = arith.constant 16 : i32
        %add3A_492 = vector.broadcast %add3A_491 : i32 to vector<16xi32>
        %add3A_493 = arith.addi %get3A_477, %add3A_492 : vector<16xi32>
        %select_n3A_494 = arith.select %lt3A_490, %add3A_493, %get3A_477 : vector<16xi1>, vector<16xi32>
        %broadcast_in_dim3A_495 = vector.shape_cast %select_n3A_494 : vector<16xi32> to vector<16x1xi32>
        %gather3A_496 = vector.shape_cast %broadcast_in_dim3A_495 : vector<16x1xi32> to vector<16xi32>
        %gather3A_497 = tpu.dynamic_gather %get3A_5[%gather3A_496] in [0] : vector<16xi32>, vector<16xi32> -> vector<16xi32>
        %lt3A_498 = arith.constant 0 : i32
        %lt3A_499 = vector.broadcast %lt3A_498 : i32 to vector<16xi32>
        %lt3A_500 = arith.cmpi slt, %get3A_477, %lt3A_499 : vector<16xi32>
        %add3A_501 = arith.constant 16 : i32
        %add3A_502 = vector.broadcast %add3A_501 : i32 to vector<16xi32>
        %add3A_503 = arith.addi %get3A_477, %add3A_502 : vector<16xi32>
        %select_n3A_504 = arith.select %lt3A_500, %add3A_503, %get3A_477 : vector<16xi1>, vector<16xi32>
        %broadcast_in_dim3A_505 = vector.shape_cast %select_n3A_504 : vector<16xi32> to vector<16x1xi32>
        %gather3A_506 = vector.shape_cast %broadcast_in_dim3A_505 : vector<16x1xi32> to vector<16xi32>
        %gather3A_507 = tpu.dynamic_gather %get3A_8[%gather3A_506] in [0] : vector<16xf32>, vector<16xi32> -> vector<16xf32>
        %lt3A_508 = arith.constant 0 : i32
        %lt3A_509 = vector.broadcast %lt3A_508 : i32 to vector<16xi32>
        %lt3A_510 = arith.cmpi slt, %get3A_477, %lt3A_509 : vector<16xi32>
        %add3A_511 = arith.constant 16 : i32
        %add3A_512 = vector.broadcast %add3A_511 : i32 to vector<16xi32>
        %add3A_513 = arith.addi %get3A_477, %add3A_512 : vector<16xi32>
        %select_n3A_514 = arith.select %lt3A_510, %add3A_513, %get3A_477 : vector<16xi1>, vector<16xi32>
        %broadcast_in_dim3A_515 = vector.shape_cast %select_n3A_514 : vector<16xi32> to vector<16x1xi32>
        %gather3A_516 = vector.shape_cast %broadcast_in_dim3A_515 : vector<16x1xi32> to vector<16xi32>
        %gather3A_517 = tpu.dynamic_gather %get3A_11[%gather3A_516] in [0] : vector<16xf32>, vector<16xi32> -> vector<16xf32>
        %add3A_518 = arith.constant 3145728 : i32
        %add3A_519 = arith.addi %add3A_518, %add3A_22 : i32
        %add3A_520 = arith.addi %add3A_519, %mul3A_474 : i32
        %iota3A_521 = tpu.iota {dimensions = array<i32: 0>} : vector<16xi32>
        %add3A_522 = vector.broadcast %add3A_520 : i32 to vector<16xi32>
        %add3A_523 = arith.addi %add3A_522, %iota3A_521 : vector<16xi32>
        %add3A_524 = arith.addi %add3A_523, %gather3A_497 : vector<16xi32>
        %xor3A_525 = arith.xori %gather3A_487, %gather3A_497 : vector<16xi32>
        %xor3A_526 = arith.constant 466688986 : i32
        %xor3A_527 = vector.broadcast %xor3A_526 : i32 to vector<16xi32>
        %xor3A_528 = arith.xori %xor3A_525, %xor3A_527 : vector<16xi32>
        %add3A_529 = arith.addi %gather3A_487, %add3A_524 : vector<16xi32>
        %shift_left3A_530 = arith.constant 13 : i32
        %shift_left3A_531 = vector.broadcast %shift_left3A_530 : i32 to vector<16xi32>
        %shift_left3A_532 = arith.shli %add3A_524, %shift_left3A_531 : vector<16xi32>
        %shift_right_logical3A_533 = arith.constant 19 : i32
        %shift_right_logical3A_534 = vector.broadcast %shift_right_logical3A_533 : i32 to vector<16xi32>
        %shift_right_logical3A_535 = arith.shrui %add3A_524, %shift_right_logical3A_534 : vector<16xi32>
        %or3A_536 = arith.ori %shift_left3A_532, %shift_right_logical3A_535 : vector<16xi32>
        %xor3A_537 = arith.xori %or3A_536, %add3A_529 : vector<16xi32>
        %add3A_538 = arith.addi %add3A_529, %xor3A_537 : vector<16xi32>
        %shift_left3A_539 = arith.constant 15 : i32
        %shift_left3A_540 = vector.broadcast %shift_left3A_539 : i32 to vector<16xi32>
        %shift_left3A_541 = arith.shli %xor3A_537, %shift_left3A_540 : vector<16xi32>
        %shift_right_logical3A_542 = arith.constant 17 : i32
        %shift_right_logical3A_543 = vector.broadcast %shift_right_logical3A_542 : i32 to vector<16xi32>
        %shift_right_logical3A_544 = arith.shrui %xor3A_537, %shift_right_logical3A_543 : vector<16xi32>
        %or3A_545 = arith.ori %shift_left3A_541, %shift_right_logical3A_544 : vector<16xi32>
        %xor3A_546 = arith.xori %or3A_545, %add3A_538 : vector<16xi32>
        %add3A_547 = arith.addi %add3A_538, %xor3A_546 : vector<16xi32>
        %shift_left3A_548 = arith.constant 26 : i32
        %shift_left3A_549 = vector.broadcast %shift_left3A_548 : i32 to vector<16xi32>
        %shift_left3A_550 = arith.shli %xor3A_546, %shift_left3A_549 : vector<16xi32>
        %shift_right_logical3A_551 = arith.constant 6 : i32
        %shift_right_logical3A_552 = vector.broadcast %shift_right_logical3A_551 : i32 to vector<16xi32>
        %shift_right_logical3A_553 = arith.shrui %xor3A_546, %shift_right_logical3A_552 : vector<16xi32>
        %or3A_554 = arith.ori %shift_left3A_550, %shift_right_logical3A_553 : vector<16xi32>
        %xor3A_555 = arith.xori %or3A_554, %add3A_547 : vector<16xi32>
        %add3A_556 = arith.addi %add3A_547, %xor3A_555 : vector<16xi32>
        %shift_left3A_557 = arith.constant 6 : i32
        %shift_left3A_558 = vector.broadcast %shift_left3A_557 : i32 to vector<16xi32>
        %shift_left3A_559 = arith.shli %xor3A_555, %shift_left3A_558 : vector<16xi32>
        %shift_right_logical3A_560 = arith.constant 26 : i32
        %shift_right_logical3A_561 = vector.broadcast %shift_right_logical3A_560 : i32 to vector<16xi32>
        %shift_right_logical3A_562 = arith.shrui %xor3A_555, %shift_right_logical3A_561 : vector<16xi32>
        %or3A_563 = arith.ori %shift_left3A_559, %shift_right_logical3A_562 : vector<16xi32>
        %xor3A_564 = arith.xori %or3A_563, %add3A_556 : vector<16xi32>
        %add3A_565 = arith.addi %add3A_556, %gather3A_497 : vector<16xi32>
        %add3A_566 = arith.addi %xor3A_564, %xor3A_528 : vector<16xi32>
        %add3A_567 = arith.constant 1 : i32
        %add3A_568 = vector.broadcast %add3A_567 : i32 to vector<16xi32>
        %add3A_569 = arith.addi %add3A_566, %add3A_568 : vector<16xi32>
        %add3A_570 = arith.addi %add3A_565, %add3A_569 : vector<16xi32>
        %shift_left3A_571 = arith.constant 17 : i32
        %shift_left3A_572 = vector.broadcast %shift_left3A_571 : i32 to vector<16xi32>
        %shift_left3A_573 = arith.shli %add3A_569, %shift_left3A_572 : vector<16xi32>
        %shift_right_logical3A_574 = arith.constant 15 : i32
        %shift_right_logical3A_575 = vector.broadcast %shift_right_logical3A_574 : i32 to vector<16xi32>
        %shift_right_logical3A_576 = arith.shrui %add3A_569, %shift_right_logical3A_575 : vector<16xi32>
        %or3A_577 = arith.ori %shift_left3A_573, %shift_right_logical3A_576 : vector<16xi32>
        %xor3A_578 = arith.xori %or3A_577, %add3A_570 : vector<16xi32>
        %add3A_579 = arith.addi %add3A_570, %xor3A_578 : vector<16xi32>
        %shift_left3A_580 = arith.constant 29 : i32
        %shift_left3A_581 = vector.broadcast %shift_left3A_580 : i32 to vector<16xi32>
        %shift_left3A_582 = arith.shli %xor3A_578, %shift_left3A_581 : vector<16xi32>
        %shift_right_logical3A_583 = arith.constant 3 : i32
        %shift_right_logical3A_584 = vector.broadcast %shift_right_logical3A_583 : i32 to vector<16xi32>
        %shift_right_logical3A_585 = arith.shrui %xor3A_578, %shift_right_logical3A_584 : vector<16xi32>
        %or3A_586 = arith.ori %shift_left3A_582, %shift_right_logical3A_585 : vector<16xi32>
        %xor3A_587 = arith.xori %or3A_586, %add3A_579 : vector<16xi32>
        %add3A_588 = arith.addi %add3A_579, %xor3A_587 : vector<16xi32>
        %shift_left3A_589 = arith.constant 16 : i32
        %shift_left3A_590 = vector.broadcast %shift_left3A_589 : i32 to vector<16xi32>
        %shift_left3A_591 = arith.shli %xor3A_587, %shift_left3A_590 : vector<16xi32>
        %shift_right_logical3A_592 = arith.constant 16 : i32
        %shift_right_logical3A_593 = vector.broadcast %shift_right_logical3A_592 : i32 to vector<16xi32>
        %shift_right_logical3A_594 = arith.shrui %xor3A_587, %shift_right_logical3A_593 : vector<16xi32>
        %or3A_595 = arith.ori %shift_left3A_591, %shift_right_logical3A_594 : vector<16xi32>
        %xor3A_596 = arith.xori %or3A_595, %add3A_588 : vector<16xi32>
        %add3A_597 = arith.addi %add3A_588, %xor3A_596 : vector<16xi32>
        %shift_left3A_598 = arith.constant 24 : i32
        %shift_left3A_599 = vector.broadcast %shift_left3A_598 : i32 to vector<16xi32>
        %shift_left3A_600 = arith.shli %xor3A_596, %shift_left3A_599 : vector<16xi32>
        %shift_right_logical3A_601 = arith.constant 8 : i32
        %shift_right_logical3A_602 = vector.broadcast %shift_right_logical3A_601 : i32 to vector<16xi32>
        %shift_right_logical3A_603 = arith.shrui %xor3A_596, %shift_right_logical3A_602 : vector<16xi32>
        %or3A_604 = arith.ori %shift_left3A_600, %shift_right_logical3A_603 : vector<16xi32>
        %xor3A_605 = arith.xori %or3A_604, %add3A_597 : vector<16xi32>
        %add3A_606 = arith.addi %add3A_597, %xor3A_528 : vector<16xi32>
        %add3A_607 = arith.addi %xor3A_605, %gather3A_487 : vector<16xi32>
        %add3A_608 = arith.constant 2 : i32
        %add3A_609 = vector.broadcast %add3A_608 : i32 to vector<16xi32>
        %add3A_610 = arith.addi %add3A_607, %add3A_609 : vector<16xi32>
        %add3A_611 = arith.addi %add3A_606, %add3A_610 : vector<16xi32>
        %shift_left3A_612 = arith.constant 13 : i32
        %shift_left3A_613 = vector.broadcast %shift_left3A_612 : i32 to vector<16xi32>
        %shift_left3A_614 = arith.shli %add3A_610, %shift_left3A_613 : vector<16xi32>
        %shift_right_logical3A_615 = arith.constant 19 : i32
        %shift_right_logical3A_616 = vector.broadcast %shift_right_logical3A_615 : i32 to vector<16xi32>
        %shift_right_logical3A_617 = arith.shrui %add3A_610, %shift_right_logical3A_616 : vector<16xi32>
        %or3A_618 = arith.ori %shift_left3A_614, %shift_right_logical3A_617 : vector<16xi32>
        %xor3A_619 = arith.xori %or3A_618, %add3A_611 : vector<16xi32>
        %add3A_620 = arith.addi %add3A_611, %xor3A_619 : vector<16xi32>
        %shift_left3A_621 = arith.constant 15 : i32
        %shift_left3A_622 = vector.broadcast %shift_left3A_621 : i32 to vector<16xi32>
        %shift_left3A_623 = arith.shli %xor3A_619, %shift_left3A_622 : vector<16xi32>
        %shift_right_logical3A_624 = arith.constant 17 : i32
        %shift_right_logical3A_625 = vector.broadcast %shift_right_logical3A_624 : i32 to vector<16xi32>
        %shift_right_logical3A_626 = arith.shrui %xor3A_619, %shift_right_logical3A_625 : vector<16xi32>
        %or3A_627 = arith.ori %shift_left3A_623, %shift_right_logical3A_626 : vector<16xi32>
        %xor3A_628 = arith.xori %or3A_627, %add3A_620 : vector<16xi32>
        %add3A_629 = arith.addi %add3A_620, %xor3A_628 : vector<16xi32>
        %shift_left3A_630 = arith.constant 26 : i32
        %shift_left3A_631 = vector.broadcast %shift_left3A_630 : i32 to vector<16xi32>
        %shift_left3A_632 = arith.shli %xor3A_628, %shift_left3A_631 : vector<16xi32>
        %shift_right_logical3A_633 = arith.constant 6 : i32
        %shift_right_logical3A_634 = vector.broadcast %shift_right_logical3A_633 : i32 to vector<16xi32>
        %shift_right_logical3A_635 = arith.shrui %xor3A_628, %shift_right_logical3A_634 : vector<16xi32>
        %or3A_636 = arith.ori %shift_left3A_632, %shift_right_logical3A_635 : vector<16xi32>
        %xor3A_637 = arith.xori %or3A_636, %add3A_629 : vector<16xi32>
        %add3A_638 = arith.addi %add3A_629, %xor3A_637 : vector<16xi32>
        %shift_left3A_639 = arith.constant 6 : i32
        %shift_left3A_640 = vector.broadcast %shift_left3A_639 : i32 to vector<16xi32>
        %shift_left3A_641 = arith.shli %xor3A_637, %shift_left3A_640 : vector<16xi32>
        %shift_right_logical3A_642 = arith.constant 26 : i32
        %shift_right_logical3A_643 = vector.broadcast %shift_right_logical3A_642 : i32 to vector<16xi32>
        %shift_right_logical3A_644 = arith.shrui %xor3A_637, %shift_right_logical3A_643 : vector<16xi32>
        %or3A_645 = arith.ori %shift_left3A_641, %shift_right_logical3A_644 : vector<16xi32>
        %xor3A_646 = arith.xori %or3A_645, %add3A_638 : vector<16xi32>
        %add3A_647 = arith.addi %add3A_638, %gather3A_487 : vector<16xi32>
        %add3A_648 = arith.addi %xor3A_646, %gather3A_497 : vector<16xi32>
        %add3A_649 = arith.constant 3 : i32
        %add3A_650 = vector.broadcast %add3A_649 : i32 to vector<16xi32>
        %add3A_651 = arith.addi %add3A_648, %add3A_650 : vector<16xi32>
        %add3A_652 = arith.addi %add3A_647, %add3A_651 : vector<16xi32>
        %shift_left3A_653 = arith.constant 17 : i32
        %shift_left3A_654 = vector.broadcast %shift_left3A_653 : i32 to vector<16xi32>
        %shift_left3A_655 = arith.shli %add3A_651, %shift_left3A_654 : vector<16xi32>
        %shift_right_logical3A_656 = arith.constant 15 : i32
        %shift_right_logical3A_657 = vector.broadcast %shift_right_logical3A_656 : i32 to vector<16xi32>
        %shift_right_logical3A_658 = arith.shrui %add3A_651, %shift_right_logical3A_657 : vector<16xi32>
        %or3A_659 = arith.ori %shift_left3A_655, %shift_right_logical3A_658 : vector<16xi32>
        %xor3A_660 = arith.xori %or3A_659, %add3A_652 : vector<16xi32>
        %add3A_661 = arith.addi %add3A_652, %xor3A_660 : vector<16xi32>
        %shift_left3A_662 = arith.constant 29 : i32
        %shift_left3A_663 = vector.broadcast %shift_left3A_662 : i32 to vector<16xi32>
        %shift_left3A_664 = arith.shli %xor3A_660, %shift_left3A_663 : vector<16xi32>
        %shift_right_logical3A_665 = arith.constant 3 : i32
        %shift_right_logical3A_666 = vector.broadcast %shift_right_logical3A_665 : i32 to vector<16xi32>
        %shift_right_logical3A_667 = arith.shrui %xor3A_660, %shift_right_logical3A_666 : vector<16xi32>
        %or3A_668 = arith.ori %shift_left3A_664, %shift_right_logical3A_667 : vector<16xi32>
        %xor3A_669 = arith.xori %or3A_668, %add3A_661 : vector<16xi32>
        %add3A_670 = arith.addi %add3A_661, %xor3A_669 : vector<16xi32>
        %shift_left3A_671 = arith.constant 16 : i32
        %shift_left3A_672 = vector.broadcast %shift_left3A_671 : i32 to vector<16xi32>
        %shift_left3A_673 = arith.shli %xor3A_669, %shift_left3A_672 : vector<16xi32>
        %shift_right_logical3A_674 = arith.constant 16 : i32
        %shift_right_logical3A_675 = vector.broadcast %shift_right_logical3A_674 : i32 to vector<16xi32>
        %shift_right_logical3A_676 = arith.shrui %xor3A_669, %shift_right_logical3A_675 : vector<16xi32>
        %or3A_677 = arith.ori %shift_left3A_673, %shift_right_logical3A_676 : vector<16xi32>
        %xor3A_678 = arith.xori %or3A_677, %add3A_670 : vector<16xi32>
        %add3A_679 = arith.addi %add3A_670, %xor3A_678 : vector<16xi32>
        %shift_left3A_680 = arith.constant 24 : i32
        %shift_left3A_681 = vector.broadcast %shift_left3A_680 : i32 to vector<16xi32>
        %shift_left3A_682 = arith.shli %xor3A_678, %shift_left3A_681 : vector<16xi32>
        %shift_right_logical3A_683 = arith.constant 8 : i32
        %shift_right_logical3A_684 = vector.broadcast %shift_right_logical3A_683 : i32 to vector<16xi32>
        %shift_right_logical3A_685 = arith.shrui %xor3A_678, %shift_right_logical3A_684 : vector<16xi32>
        %or3A_686 = arith.ori %shift_left3A_682, %shift_right_logical3A_685 : vector<16xi32>
        %xor3A_687 = arith.xori %or3A_686, %add3A_679 : vector<16xi32>
        %add3A_688 = arith.addi %add3A_679, %gather3A_497 : vector<16xi32>
        %add3A_689 = arith.addi %xor3A_687, %xor3A_528 : vector<16xi32>
        %add3A_690 = arith.constant 4 : i32
        %add3A_691 = vector.broadcast %add3A_690 : i32 to vector<16xi32>
        %add3A_692 = arith.addi %add3A_689, %add3A_691 : vector<16xi32>
        %add3A_693 = arith.addi %add3A_688, %add3A_692 : vector<16xi32>
        %shift_left3A_694 = arith.constant 13 : i32
        %shift_left3A_695 = vector.broadcast %shift_left3A_694 : i32 to vector<16xi32>
        %shift_left3A_696 = arith.shli %add3A_692, %shift_left3A_695 : vector<16xi32>
        %shift_right_logical3A_697 = arith.constant 19 : i32
        %shift_right_logical3A_698 = vector.broadcast %shift_right_logical3A_697 : i32 to vector<16xi32>
        %shift_right_logical3A_699 = arith.shrui %add3A_692, %shift_right_logical3A_698 : vector<16xi32>
        %or3A_700 = arith.ori %shift_left3A_696, %shift_right_logical3A_699 : vector<16xi32>
        %xor3A_701 = arith.xori %or3A_700, %add3A_693 : vector<16xi32>
        %add3A_702 = arith.addi %add3A_693, %xor3A_701 : vector<16xi32>
        %shift_left3A_703 = arith.constant 15 : i32
        %shift_left3A_704 = vector.broadcast %shift_left3A_703 : i32 to vector<16xi32>
        %shift_left3A_705 = arith.shli %xor3A_701, %shift_left3A_704 : vector<16xi32>
        %shift_right_logical3A_706 = arith.constant 17 : i32
        %shift_right_logical3A_707 = vector.broadcast %shift_right_logical3A_706 : i32 to vector<16xi32>
        %shift_right_logical3A_708 = arith.shrui %xor3A_701, %shift_right_logical3A_707 : vector<16xi32>
        %or3A_709 = arith.ori %shift_left3A_705, %shift_right_logical3A_708 : vector<16xi32>
        %xor3A_710 = arith.xori %or3A_709, %add3A_702 : vector<16xi32>
        %add3A_711 = arith.addi %add3A_702, %xor3A_710 : vector<16xi32>
        %shift_left3A_712 = arith.constant 26 : i32
        %shift_left3A_713 = vector.broadcast %shift_left3A_712 : i32 to vector<16xi32>
        %shift_left3A_714 = arith.shli %xor3A_710, %shift_left3A_713 : vector<16xi32>
        %shift_right_logical3A_715 = arith.constant 6 : i32
        %shift_right_logical3A_716 = vector.broadcast %shift_right_logical3A_715 : i32 to vector<16xi32>
        %shift_right_logical3A_717 = arith.shrui %xor3A_710, %shift_right_logical3A_716 : vector<16xi32>
        %or3A_718 = arith.ori %shift_left3A_714, %shift_right_logical3A_717 : vector<16xi32>
        %xor3A_719 = arith.xori %or3A_718, %add3A_711 : vector<16xi32>
        %add3A_720 = arith.addi %add3A_711, %xor3A_719 : vector<16xi32>
        %shift_left3A_721 = arith.constant 6 : i32
        %shift_left3A_722 = vector.broadcast %shift_left3A_721 : i32 to vector<16xi32>
        %shift_left3A_723 = arith.shli %xor3A_719, %shift_left3A_722 : vector<16xi32>
        %shift_right_logical3A_724 = arith.constant 26 : i32
        %shift_right_logical3A_725 = vector.broadcast %shift_right_logical3A_724 : i32 to vector<16xi32>
        %shift_right_logical3A_726 = arith.shrui %xor3A_719, %shift_right_logical3A_725 : vector<16xi32>
        %or3A_727 = arith.ori %shift_left3A_723, %shift_right_logical3A_726 : vector<16xi32>
        %xor3A_728 = arith.xori %or3A_727, %add3A_720 : vector<16xi32>
        %add3A_729 = arith.addi %add3A_720, %xor3A_528 : vector<16xi32>
        %add3A_730 = arith.addi %xor3A_728, %gather3A_487 : vector<16xi32>
        %add3A_731 = arith.constant 5 : i32
        %add3A_732 = vector.broadcast %add3A_731 : i32 to vector<16xi32>
        %add3A_733 = arith.addi %add3A_730, %add3A_732 : vector<16xi32>
        %xor3A_734 = arith.xori %add3A_729, %add3A_733 : vector<16xi32>
        %shift_right_logical3A_735 = arith.constant 9 : i32
        %shift_right_logical3A_736 = vector.broadcast %shift_right_logical3A_735 : i32 to vector<16xi32>
        %shift_right_logical3A_737 = arith.shrui %xor3A_734, %shift_right_logical3A_736 : vector<16xi32>
        %or3A_738 = arith.constant 1065353216 : i32
        %or3A_739 = vector.broadcast %or3A_738 : i32 to vector<16xi32>
        %or3A_740 = arith.ori %shift_right_logical3A_737, %or3A_739 : vector<16xi32>
        %bitcast_convert_type3A_741 = tpu.bitcast %or3A_740 : vector<16xi32> -> vector<16xf32>
        %sub3A_742 = arith.constant 1.000000e+00 : f32
        %sub3A_743 = vector.broadcast %sub3A_742 : f32 to vector<16xf32>
        %sub3A_744 = arith.subf %bitcast_convert_type3A_741, %sub3A_743 : vector<16xf32>
        %mul3A_745 = arith.constant 2.000000e+00 : f32
        %mul3A_746 = vector.broadcast %mul3A_745 : f32 to vector<16xf32>
        %mul3A_747 = arith.mulf %sub3A_744, %mul3A_746 : vector<16xf32>
        %add3A_748 = arith.constant -0.99999994 : f32
        %add3A_749 = vector.broadcast %add3A_748 : f32 to vector<16xf32>
        %add3A_750 = arith.addf %mul3A_747, %add3A_749 : vector<16xf32>
        %max3A_751 = arith.constant -0.99999994 : f32
        %max3A_752 = vector.broadcast %max3A_751 : f32 to vector<16xf32>
        %max3A_753 = arith.maximumf %max3A_752, %add3A_750 : vector<16xf32>
        %mul3A_754 = arith.mulf %max3A_753, %max3A_753 : vector<16xf32>
        %sub3A_755 = arith.constant 1.000000e+00 : f32
        %sub3A_756 = vector.broadcast %sub3A_755 : f32 to vector<16xf32>
        %sub3A_757 = arith.subf %sub3A_756, %mul3A_754 : vector<16xf32>
        %bitcast_convert_type3A_758 = tpu.bitcast %sub3A_757 : vector<16xf32> -> vector<16xi32>
        %shift_right_logical3A_759 = arith.constant 23 : i32
        %shift_right_logical3A_760 = vector.broadcast %shift_right_logical3A_759 : i32 to vector<16xi32>
        %shift_right_logical3A_761 = arith.shrui %bitcast_convert_type3A_758, %shift_right_logical3A_760 : vector<16xi32>
        %sub3A_762 = arith.constant 127 : i32
        %sub3A_763 = vector.broadcast %sub3A_762 : i32 to vector<16xi32>
        %sub3A_764 = arith.subi %shift_right_logical3A_761, %sub3A_763 : vector<16xi32>
        %and3A_765 = arith.constant 8388607 : i32
        %and3A_766 = vector.broadcast %and3A_765 : i32 to vector<16xi32>
        %and3A_767 = arith.andi %bitcast_convert_type3A_758, %and3A_766 : vector<16xi32>
        %or3A_768 = arith.constant 1065353216 : i32
        %or3A_769 = vector.broadcast %or3A_768 : i32 to vector<16xi32>
        %or3A_770 = arith.ori %and3A_767, %or3A_769 : vector<16xi32>
        %bitcast_convert_type3A_771 = tpu.bitcast %or3A_770 : vector<16xi32> -> vector<16xf32>
        %broadcast_in_dim3A_772 = arith.constant -0.0248256065 : f32
        %broadcast_in_dim3A_773 = vector.broadcast %broadcast_in_dim3A_772 : f32 to vector<16xf32>
        %mul3A_774 = arith.mulf %broadcast_in_dim3A_773, %bitcast_convert_type3A_771 : vector<16xf32>
        %add3A_775 = arith.constant 0.266858816 : f32
        %add3A_776 = vector.broadcast %add3A_775 : f32 to vector<16xf32>
        %add3A_777 = arith.addf %mul3A_774, %add3A_776 : vector<16xf32>
        %mul3A_778 = arith.mulf %add3A_777, %bitcast_convert_type3A_771 : vector<16xf32>
        %add3A_779 = arith.constant -1.23426318 : f32
        %add3A_780 = vector.broadcast %add3A_779 : f32 to vector<16xf32>
        %add3A_781 = arith.addf %mul3A_778, %add3A_780 : vector<16xf32>
        %mul3A_782 = arith.mulf %add3A_781, %bitcast_convert_type3A_771 : vector<16xf32>
        %add3A_783 = arith.constant 3.21883273 : f32
        %add3A_784 = vector.broadcast %add3A_783 : f32 to vector<16xf32>
        %add3A_785 = arith.addf %mul3A_782, %add3A_784 : vector<16xf32>
        %mul3A_786 = arith.mulf %add3A_785, %bitcast_convert_type3A_771 : vector<16xf32>
        %add3A_787 = arith.constant -5.26411057 : f32
        %add3A_788 = vector.broadcast %add3A_787 : f32 to vector<16xf32>
        %add3A_789 = arith.addf %mul3A_786, %add3A_788 : vector<16xf32>
        %mul3A_790 = arith.mulf %add3A_789, %bitcast_convert_type3A_771 : vector<16xf32>
        %add3A_791 = arith.constant 6.065830e+00 : f32
        %add3A_792 = vector.broadcast %add3A_791 : f32 to vector<16xf32>
        %add3A_793 = arith.addf %mul3A_790, %add3A_792 : vector<16xf32>
        %mul3A_794 = arith.mulf %add3A_793, %bitcast_convert_type3A_771 : vector<16xf32>
        %add3A_795 = arith.constant -3.02831745 : f32
        %add3A_796 = vector.broadcast %add3A_795 : f32 to vector<16xf32>
        %add3A_797 = arith.addf %mul3A_794, %add3A_796 : vector<16xf32>
        %convert_element_type3A_798 = arith.sitofp %sub3A_764 : vector<16xi32> to vector<16xf32>
        %add3A_799 = arith.addf %convert_element_type3A_798, %add3A_797 : vector<16xf32>
        %mul3A_800 = arith.constant -0.693147182 : f32
        %mul3A_801 = vector.broadcast %mul3A_800 : f32 to vector<16xf32>
        %mul3A_802 = arith.mulf %mul3A_801, %add3A_799 : vector<16xf32>
        %sub3A_803 = arith.constant 2.500000e+00 : f32
        %sub3A_804 = vector.broadcast %sub3A_803 : f32 to vector<16xf32>
        %sub3A_805 = arith.subf %mul3A_802, %sub3A_804 : vector<16xf32>
        %broadcast_in_dim3A_806 = arith.constant 2.81022636E-8 : f32
        %broadcast_in_dim3A_807 = vector.broadcast %broadcast_in_dim3A_806 : f32 to vector<16xf32>
        %mul3A_808 = arith.mulf %broadcast_in_dim3A_807, %sub3A_805 : vector<16xf32>
        %add3A_809 = arith.constant 3.43273939E-7 : f32
        %add3A_810 = vector.broadcast %add3A_809 : f32 to vector<16xf32>
        %add3A_811 = arith.addf %mul3A_808, %add3A_810 : vector<16xf32>
        %mul3A_812 = arith.mulf %add3A_811, %sub3A_805 : vector<16xf32>
        %add3A_813 = arith.constant -3.5233877E-6 : f32
        %add3A_814 = vector.broadcast %add3A_813 : f32 to vector<16xf32>
        %add3A_815 = arith.addf %mul3A_812, %add3A_814 : vector<16xf32>
        %mul3A_816 = arith.mulf %add3A_815, %sub3A_805 : vector<16xf32>
        %add3A_817 = arith.constant -4.39150654E-6 : f32
        %add3A_818 = vector.broadcast %add3A_817 : f32 to vector<16xf32>
        %add3A_819 = arith.addf %mul3A_816, %add3A_818 : vector<16xf32>
        %mul3A_820 = arith.mulf %add3A_819, %sub3A_805 : vector<16xf32>
        %add3A_821 = arith.constant 2.1858087E-4 : f32
        %add3A_822 = vector.broadcast %add3A_821 : f32 to vector<16xf32>
        %add3A_823 = arith.addf %mul3A_820, %add3A_822 : vector<16xf32>
        %mul3A_824 = arith.mulf %add3A_823, %sub3A_805 : vector<16xf32>
        %add3A_825 = arith.constant -0.00125372503 : f32
        %add3A_826 = vector.broadcast %add3A_825 : f32 to vector<16xf32>
        %add3A_827 = arith.addf %mul3A_824, %add3A_826 : vector<16xf32>
        %mul3A_828 = arith.mulf %add3A_827, %sub3A_805 : vector<16xf32>
        %add3A_829 = arith.constant -0.00417768164 : f32
        %add3A_830 = vector.broadcast %add3A_829 : f32 to vector<16xf32>
        %add3A_831 = arith.addf %mul3A_828, %add3A_830 : vector<16xf32>
        %mul3A_832 = arith.mulf %add3A_831, %sub3A_805 : vector<16xf32>
        %add3A_833 = arith.constant 0.246640727 : f32
        %add3A_834 = vector.broadcast %add3A_833 : f32 to vector<16xf32>
        %add3A_835 = arith.addf %mul3A_832, %add3A_834 : vector<16xf32>
        %mul3A_836 = arith.mulf %add3A_835, %sub3A_805 : vector<16xf32>
        %add3A_837 = arith.constant 1.50140941 : f32
        %add3A_838 = vector.broadcast %add3A_837 : f32 to vector<16xf32>
        %add3A_839 = arith.addf %mul3A_836, %add3A_838 : vector<16xf32>
        %max3A_840 = arith.constant 0.000000e+00 : f32
        %max3A_841 = vector.broadcast %max3A_840 : f32 to vector<16xf32>
        %max3A_842 = arith.maximumf %mul3A_802, %max3A_841 : vector<16xf32>
        %bitcast_convert_type3A_843 = tpu.bitcast %max3A_842 : vector<16xf32> -> vector<16xi32>
        %shift_right_logical3A_844 = arith.constant 1 : i32
        %shift_right_logical3A_845 = vector.broadcast %shift_right_logical3A_844 : i32 to vector<16xi32>
        %shift_right_logical3A_846 = arith.shrui %bitcast_convert_type3A_843, %shift_right_logical3A_845 : vector<16xi32>
        %sub3A_847 = arith.constant 1597463007 : i32
        %sub3A_848 = vector.broadcast %sub3A_847 : i32 to vector<16xi32>
        %sub3A_849 = arith.subi %sub3A_848, %shift_right_logical3A_846 : vector<16xi32>
        %bitcast_convert_type3A_850 = tpu.bitcast %sub3A_849 : vector<16xi32> -> vector<16xf32>
        %mul3A_851 = arith.constant 5.000000e-01 : f32
        %mul3A_852 = vector.broadcast %mul3A_851 : f32 to vector<16xf32>
        %mul3A_853 = arith.mulf %mul3A_852, %max3A_842 : vector<16xf32>
        %mul3A_854 = arith.mulf %mul3A_853, %bitcast_convert_type3A_850 : vector<16xf32>
        %mul3A_855 = arith.mulf %mul3A_854, %bitcast_convert_type3A_850 : vector<16xf32>
        %sub3A_856 = arith.constant 1.500000e+00 : f32
        %sub3A_857 = vector.broadcast %sub3A_856 : f32 to vector<16xf32>
        %sub3A_858 = arith.subf %sub3A_857, %mul3A_855 : vector<16xf32>
        %mul3A_859 = arith.mulf %bitcast_convert_type3A_850, %sub3A_858 : vector<16xf32>
        %mul3A_860 = arith.mulf %mul3A_853, %mul3A_859 : vector<16xf32>
        %mul3A_861 = arith.mulf %mul3A_860, %mul3A_859 : vector<16xf32>
        %sub3A_862 = arith.constant 1.500000e+00 : f32
        %sub3A_863 = vector.broadcast %sub3A_862 : f32 to vector<16xf32>
        %sub3A_864 = arith.subf %sub3A_863, %mul3A_861 : vector<16xf32>
        %mul3A_865 = arith.mulf %mul3A_859, %sub3A_864 : vector<16xf32>
        %mul3A_866 = arith.mulf %mul3A_853, %mul3A_865 : vector<16xf32>
        %mul3A_867 = arith.mulf %mul3A_866, %mul3A_865 : vector<16xf32>
        %sub3A_868 = arith.constant 1.500000e+00 : f32
        %sub3A_869 = vector.broadcast %sub3A_868 : f32 to vector<16xf32>
        %sub3A_870 = arith.subf %sub3A_869, %mul3A_867 : vector<16xf32>
        %mul3A_871 = arith.mulf %mul3A_865, %sub3A_870 : vector<16xf32>
        %mul3A_872 = arith.mulf %max3A_842, %mul3A_871 : vector<16xf32>
        %sub3A_873 = arith.constant 3.000000e+00 : f32
        %sub3A_874 = vector.broadcast %sub3A_873 : f32 to vector<16xf32>
        %sub3A_875 = arith.subf %mul3A_872, %sub3A_874 : vector<16xf32>
        %broadcast_in_dim3A_876 = arith.constant -2.00214257E-4 : f32
        %broadcast_in_dim3A_877 = vector.broadcast %broadcast_in_dim3A_876 : f32 to vector<16xf32>
        %mul3A_878 = arith.mulf %broadcast_in_dim3A_877, %sub3A_875 : vector<16xf32>
        %add3A_879 = arith.constant 1.00950558E-4 : f32
        %add3A_880 = vector.broadcast %add3A_879 : f32 to vector<16xf32>
        %add3A_881 = arith.addf %mul3A_878, %add3A_880 : vector<16xf32>
        %mul3A_882 = arith.mulf %add3A_881, %sub3A_875 : vector<16xf32>
        %add3A_883 = arith.constant 0.00134934322 : f32
        %add3A_884 = vector.broadcast %add3A_883 : f32 to vector<16xf32>
        %add3A_885 = arith.addf %mul3A_882, %add3A_884 : vector<16xf32>
        %mul3A_886 = arith.mulf %add3A_885, %sub3A_875 : vector<16xf32>
        %add3A_887 = arith.constant -0.00367342844 : f32
        %add3A_888 = vector.broadcast %add3A_887 : f32 to vector<16xf32>
        %add3A_889 = arith.addf %mul3A_886, %add3A_888 : vector<16xf32>
        %mul3A_890 = arith.mulf %add3A_889, %sub3A_875 : vector<16xf32>
        %add3A_891 = arith.constant 0.00573950773 : f32
        %add3A_892 = vector.broadcast %add3A_891 : f32 to vector<16xf32>
        %add3A_893 = arith.addf %mul3A_890, %add3A_892 : vector<16xf32>
        %mul3A_894 = arith.mulf %add3A_893, %sub3A_875 : vector<16xf32>
        %add3A_895 = arith.constant -0.0076224613 : f32
        %add3A_896 = vector.broadcast %add3A_895 : f32 to vector<16xf32>
        %add3A_897 = arith.addf %mul3A_894, %add3A_896 : vector<16xf32>
        %mul3A_898 = arith.mulf %add3A_897, %sub3A_875 : vector<16xf32>
        %add3A_899 = arith.constant 0.00943887047 : f32
        %add3A_900 = vector.broadcast %add3A_899 : f32 to vector<16xf32>
        %add3A_901 = arith.addf %mul3A_898, %add3A_900 : vector<16xf32>
        %mul3A_902 = arith.mulf %add3A_901, %sub3A_875 : vector<16xf32>
        %add3A_903 = arith.constant 1.00167406 : f32
        %add3A_904 = vector.broadcast %add3A_903 : f32 to vector<16xf32>
        %add3A_905 = arith.addf %mul3A_902, %add3A_904 : vector<16xf32>
        %mul3A_906 = arith.mulf %add3A_905, %sub3A_875 : vector<16xf32>
        %add3A_907 = arith.constant 2.83297682 : f32
        %add3A_908 = vector.broadcast %add3A_907 : f32 to vector<16xf32>
        %add3A_909 = arith.addf %mul3A_906, %add3A_908 : vector<16xf32>
        %lt3A_910 = arith.constant 5.000000e+00 : f32
        %lt3A_911 = vector.broadcast %lt3A_910 : f32 to vector<16xf32>
        %lt3A_912 = arith.cmpf olt, %mul3A_802, %lt3A_911 : vector<16xf32>
        %select_n3A_913 = arith.select %lt3A_912, %add3A_839, %add3A_909 : vector<16xi1>, vector<16xf32>
        %mul3A_914 = arith.mulf %select_n3A_913, %max3A_753 : vector<16xf32>
        %mul3A_915 = arith.mulf %gather3A_517, %mul3A_914 : vector<16xf32>
        %add3A_916 = arith.addf %gather3A_507, %mul3A_915 : vector<16xf32>
        %swap3A_917 = arith.index_cast %mul3A_474 : i32 to index
        %swap3A_918 = tpu.vector_load %arg9[%swap3A_917] {strides = array<i32>} : memref<2048xf32, #tpu.memory_space<vmem>>, vector<16xf32>,
        %swap3A_919 = vector.shape_cast %swap3A_918 : vector<16xf32> to vector<16xf32>
        %swap3A_920 = vector.shape_cast %add3A_916 : vector<16xf32> to vector<16xf32>
        tpu.vector_store %arg9[%swap3A_917], %swap3A_920 {strides = array<i32>} : memref<2048xf32, #tpu.memory_space<vmem>>, vector<16xf32>,
        %mul3A_921 = arith.constant 4 : i32
        %mul3A_922 = arith.muli %scan3A_31, %mul3A_921 : i32
        %add3A_923 = arith.constant 2 : i32
        %add3A_924 = arith.addi %mul3A_922, %add3A_923 : i32
        %mul3A_925 = arith.constant 16 : i32
        %mul3A_926 = arith.muli %add3A_924, %mul3A_925 : i32
        %get3A_927 = arith.index_cast %mul3A_926 : i32 to index
        %get3A_928 = tpu.vector_load %arg8[%get3A_927] {strides = array<i32>} : memref<2048xi32, #tpu.memory_space<vmem>>, vector<16xi32>,
        %get3A_929 = vector.shape_cast %get3A_928 : vector<16xi32> to vector<16xi32>
        %lt3A_930 = arith.constant 0 : i32
        %lt3A_931 = vector.broadcast %lt3A_930 : i32 to vector<16xi32>
        %lt3A_932 = arith.cmpi slt, %get3A_929, %lt3A_931 : vector<16xi32>
        %add3A_933 = arith.constant 16 : i32
        %add3A_934 = vector.broadcast %add3A_933 : i32 to vector<16xi32>
        %add3A_935 = arith.addi %get3A_929, %add3A_934 : vector<16xi32>
        %select_n3A_936 = arith.select %lt3A_932, %add3A_935, %get3A_929 : vector<16xi1>, vector<16xi32>
        %broadcast_in_dim3A_937 = vector.shape_cast %select_n3A_936 : vector<16xi32> to vector<16x1xi32>
        %gather3A_938 = vector.shape_cast %broadcast_in_dim3A_937 : vector<16x1xi32> to vector<16xi32>
        %gather3A_939 = tpu.dynamic_gather %get3A_2[%gather3A_938] in [0] : vector<16xi32>, vector<16xi32> -> vector<16xi32>
        %lt3A_940 = arith.constant 0 : i32
        %lt3A_941 = vector.broadcast %lt3A_940 : i32 to vector<16xi32>
        %lt3A_942 = arith.cmpi slt, %get3A_929, %lt3A_941 : vector<16xi32>
        %add3A_943 = arith.constant 16 : i32
        %add3A_944 = vector.broadcast %add3A_943 : i32 to vector<16xi32>
        %add3A_945 = arith.addi %get3A_929, %add3A_944 : vector<16xi32>
        %select_n3A_946 = arith.select %lt3A_942, %add3A_945, %get3A_929 : vector<16xi1>, vector<16xi32>
        %broadcast_in_dim3A_947 = vector.shape_cast %select_n3A_946 : vector<16xi32> to vector<16x1xi32>
        %gather3A_948 = vector.shape_cast %broadcast_in_dim3A_947 : vector<16x1xi32> to vector<16xi32>
        %gather3A_949 = tpu.dynamic_gather %get3A_5[%gather3A_948] in [0] : vector<16xi32>, vector<16xi32> -> vector<16xi32>
        %lt3A_950 = arith.constant 0 : i32
        %lt3A_951 = vector.broadcast %lt3A_950 : i32 to vector<16xi32>
        %lt3A_952 = arith.cmpi slt, %get3A_929, %lt3A_951 : vector<16xi32>
        %add3A_953 = arith.constant 16 : i32
        %add3A_954 = vector.broadcast %add3A_953 : i32 to vector<16xi32>
        %add3A_955 = arith.addi %get3A_929, %add3A_954 : vector<16xi32>
        %select_n3A_956 = arith.select %lt3A_952, %add3A_955, %get3A_929 : vector<16xi1>, vector<16xi32>
        %broadcast_in_dim3A_957 = vector.shape_cast %select_n3A_956 : vector<16xi32> to vector<16x1xi32>
        %gather3A_958 = vector.shape_cast %broadcast_in_dim3A_957 : vector<16x1xi32> to vector<16xi32>
        %gather3A_959 = tpu.dynamic_gather %get3A_8[%gather3A_958] in [0] : vector<16xf32>, vector<16xi32> -> vector<16xf32>
        %lt3A_960 = arith.constant 0 : i32
        %lt3A_961 = vector.broadcast %lt3A_960 : i32 to vector<16xi32>
        %lt3A_962 = arith.cmpi slt, %get3A_929, %lt3A_961 : vector<16xi32>
        %add3A_963 = arith.constant 16 : i32
        %add3A_964 = vector.broadcast %add3A_963 : i32 to vector<16xi32>
        %add3A_965 = arith.addi %get3A_929, %add3A_964 : vector<16xi32>
        %select_n3A_966 = arith.select %lt3A_962, %add3A_965, %get3A_929 : vector<16xi1>, vector<16xi32>
        %broadcast_in_dim3A_967 = vector.shape_cast %select_n3A_966 : vector<16xi32> to vector<16x1xi32>
        %gather3A_968 = vector.shape_cast %broadcast_in_dim3A_967 : vector<16x1xi32> to vector<16xi32>
        %gather3A_969 = tpu.dynamic_gather %get3A_11[%gather3A_968] in [0] : vector<16xf32>, vector<16xi32> -> vector<16xf32>
        %add3A_970 = arith.constant 3145728 : i32
        %add3A_971 = arith.addi %add3A_970, %add3A_22 : i32
        %add3A_972 = arith.addi %add3A_971, %mul3A_926 : i32
        %iota3A_973 = tpu.iota {dimensions = array<i32: 0>} : vector<16xi32>
        %add3A_974 = vector.broadcast %add3A_972 : i32 to vector<16xi32>
        %add3A_975 = arith.addi %add3A_974, %iota3A_973 : vector<16xi32>
        %add3A_976 = arith.addi %add3A_975, %gather3A_949 : vector<16xi32>
        %xor3A_977 = arith.xori %gather3A_939, %gather3A_949 : vector<16xi32>
        %xor3A_978 = arith.constant 466688986 : i32
        %xor3A_979 = vector.broadcast %xor3A_978 : i32 to vector<16xi32>
        %xor3A_980 = arith.xori %xor3A_977, %xor3A_979 : vector<16xi32>
        %add3A_981 = arith.addi %gather3A_939, %add3A_976 : vector<16xi32>
        %shift_left3A_982 = arith.constant 13 : i32
        %shift_left3A_983 = vector.broadcast %shift_left3A_982 : i32 to vector<16xi32>
        %shift_left3A_984 = arith.shli %add3A_976, %shift_left3A_983 : vector<16xi32>
        %shift_right_logical3A_985 = arith.constant 19 : i32
        %shift_right_logical3A_986 = vector.broadcast %shift_right_logical3A_985 : i32 to vector<16xi32>
        %shift_right_logical3A_987 = arith.shrui %add3A_976, %shift_right_logical3A_986 : vector<16xi32>
        %or3A_988 = arith.ori %shift_left3A_984, %shift_right_logical3A_987 : vector<16xi32>
        %xor3A_989 = arith.xori %or3A_988, %add3A_981 : vector<16xi32>
        %add3A_990 = arith.addi %add3A_981, %xor3A_989 : vector<16xi32>
        %shift_left3A_991 = arith.constant 15 : i32
        %shift_left3A_992 = vector.broadcast %shift_left3A_991 : i32 to vector<16xi32>
        %shift_left3A_993 = arith.shli %xor3A_989, %shift_left3A_992 : vector<16xi32>
        %shift_right_logical3A_994 = arith.constant 17 : i32
        %shift_right_logical3A_995 = vector.broadcast %shift_right_logical3A_994 : i32 to vector<16xi32>
        %shift_right_logical3A_996 = arith.shrui %xor3A_989, %shift_right_logical3A_995 : vector<16xi32>
        %or3A_997 = arith.ori %shift_left3A_993, %shift_right_logical3A_996 : vector<16xi32>
        %xor3A_998 = arith.xori %or3A_997, %add3A_990 : vector<16xi32>
        %add3A_999 = arith.addi %add3A_990, %xor3A_998 : vector<16xi32>
        %shift_left3A_1000 = arith.constant 26 : i32
        %shift_left3A_1001 = vector.broadcast %shift_left3A_1000 : i32 to vector<16xi32>
        %shift_left3A_1002 = arith.shli %xor3A_998, %shift_left3A_1001 : vector<16xi32>
        %shift_right_logical3A_1003 = arith.constant 6 : i32
        %shift_right_logical3A_1004 = vector.broadcast %shift_right_logical3A_1003 : i32 to vector<16xi32>
        %shift_right_logical3A_1005 = arith.shrui %xor3A_998, %shift_right_logical3A_1004 : vector<16xi32>
        %or3A_1006 = arith.ori %shift_left3A_1002, %shift_right_logical3A_1005 : vector<16xi32>
        %xor3A_1007 = arith.xori %or3A_1006, %add3A_999 : vector<16xi32>
        %add3A_1008 = arith.addi %add3A_999, %xor3A_1007 : vector<16xi32>
        %shift_left3A_1009 = arith.constant 6 : i32
        %shift_left3A_1010 = vector.broadcast %shift_left3A_1009 : i32 to vector<16xi32>
        %shift_left3A_1011 = arith.shli %xor3A_1007, %shift_left3A_1010 : vector<16xi32>
        %shift_right_logical3A_1012 = arith.constant 26 : i32
        %shift_right_logical3A_1013 = vector.broadcast %shift_right_logical3A_1012 : i32 to vector<16xi32>
        %shift_right_logical3A_1014 = arith.shrui %xor3A_1007, %shift_right_logical3A_1013 : vector<16xi32>
        %or3A_1015 = arith.ori %shift_left3A_1011, %shift_right_logical3A_1014 : vector<16xi32>
        %xor3A_1016 = arith.xori %or3A_1015, %add3A_1008 : vector<16xi32>
        %add3A_1017 = arith.addi %add3A_1008, %gather3A_949 : vector<16xi32>
        %add3A_1018 = arith.addi %xor3A_1016, %xor3A_980 : vector<16xi32>
        %add3A_1019 = arith.constant 1 : i32
        %add3A_1020 = vector.broadcast %add3A_1019 : i32 to vector<16xi32>
        %add3A_1021 = arith.addi %add3A_1018, %add3A_1020 : vector<16xi32>
        %add3A_1022 = arith.addi %add3A_1017, %add3A_1021 : vector<16xi32>
        %shift_left3A_1023 = arith.constant 17 : i32
        %shift_left3A_1024 = vector.broadcast %shift_left3A_1023 : i32 to vector<16xi32>
        %shift_left3A_1025 = arith.shli %add3A_1021, %shift_left3A_1024 : vector<16xi32>
        %shift_right_logical3A_1026 = arith.constant 15 : i32
        %shift_right_logical3A_1027 = vector.broadcast %shift_right_logical3A_1026 : i32 to vector<16xi32>
        %shift_right_logical3A_1028 = arith.shrui %add3A_1021, %shift_right_logical3A_1027 : vector<16xi32>
        %or3A_1029 = arith.ori %shift_left3A_1025, %shift_right_logical3A_1028 : vector<16xi32>
        %xor3A_1030 = arith.xori %or3A_1029, %add3A_1022 : vector<16xi32>
        %add3A_1031 = arith.addi %add3A_1022, %xor3A_1030 : vector<16xi32>
        %shift_left3A_1032 = arith.constant 29 : i32
        %shift_left3A_1033 = vector.broadcast %shift_left3A_1032 : i32 to vector<16xi32>
        %shift_left3A_1034 = arith.shli %xor3A_1030, %shift_left3A_1033 : vector<16xi32>
        %shift_right_logical3A_1035 = arith.constant 3 : i32
        %shift_right_logical3A_1036 = vector.broadcast %shift_right_logical3A_1035 : i32 to vector<16xi32>
        %shift_right_logical3A_1037 = arith.shrui %xor3A_1030, %shift_right_logical3A_1036 : vector<16xi32>
        %or3A_1038 = arith.ori %shift_left3A_1034, %shift_right_logical3A_1037 : vector<16xi32>
        %xor3A_1039 = arith.xori %or3A_1038, %add3A_1031 : vector<16xi32>
        %add3A_1040 = arith.addi %add3A_1031, %xor3A_1039 : vector<16xi32>
        %shift_left3A_1041 = arith.constant 16 : i32
        %shift_left3A_1042 = vector.broadcast %shift_left3A_1041 : i32 to vector<16xi32>
        %shift_left3A_1043 = arith.shli %xor3A_1039, %shift_left3A_1042 : vector<16xi32>
        %shift_right_logical3A_1044 = arith.constant 16 : i32
        %shift_right_logical3A_1045 = vector.broadcast %shift_right_logical3A_1044 : i32 to vector<16xi32>
        %shift_right_logical3A_1046 = arith.shrui %xor3A_1039, %shift_right_logical3A_1045 : vector<16xi32>
        %or3A_1047 = arith.ori %shift_left3A_1043, %shift_right_logical3A_1046 : vector<16xi32>
        %xor3A_1048 = arith.xori %or3A_1047, %add3A_1040 : vector<16xi32>
        %add3A_1049 = arith.addi %add3A_1040, %xor3A_1048 : vector<16xi32>
        %shift_left3A_1050 = arith.constant 24 : i32
        %shift_left3A_1051 = vector.broadcast %shift_left3A_1050 : i32 to vector<16xi32>
        %shift_left3A_1052 = arith.shli %xor3A_1048, %shift_left3A_1051 : vector<16xi32>
        %shift_right_logical3A_1053 = arith.constant 8 : i32
        %shift_right_logical3A_1054 = vector.broadcast %shift_right_logical3A_1053 : i32 to vector<16xi32>
        %shift_right_logical3A_1055 = arith.shrui %xor3A_1048, %shift_right_logical3A_1054 : vector<16xi32>
        %or3A_1056 = arith.ori %shift_left3A_1052, %shift_right_logical3A_1055 : vector<16xi32>
        %xor3A_1057 = arith.xori %or3A_1056, %add3A_1049 : vector<16xi32>
        %add3A_1058 = arith.addi %add3A_1049, %xor3A_980 : vector<16xi32>
        %add3A_1059 = arith.addi %xor3A_1057, %gather3A_939 : vector<16xi32>
        %add3A_1060 = arith.constant 2 : i32
        %add3A_1061 = vector.broadcast %add3A_1060 : i32 to vector<16xi32>
        %add3A_1062 = arith.addi %add3A_1059, %add3A_1061 : vector<16xi32>
        %add3A_1063 = arith.addi %add3A_1058, %add3A_1062 : vector<16xi32>
        %shift_left3A_1064 = arith.constant 13 : i32
        %shift_left3A_1065 = vector.broadcast %shift_left3A_1064 : i32 to vector<16xi32>
        %shift_left3A_1066 = arith.shli %add3A_1062, %shift_left3A_1065 : vector<16xi32>
        %shift_right_logical3A_1067 = arith.constant 19 : i32
        %shift_right_logical3A_1068 = vector.broadcast %shift_right_logical3A_1067 : i32 to vector<16xi32>
        %shift_right_logical3A_1069 = arith.shrui %add3A_1062, %shift_right_logical3A_1068 : vector<16xi32>
        %or3A_1070 = arith.ori %shift_left3A_1066, %shift_right_logical3A_1069 : vector<16xi32>
        %xor3A_1071 = arith.xori %or3A_1070, %add3A_1063 : vector<16xi32>
        %add3A_1072 = arith.addi %add3A_1063, %xor3A_1071 : vector<16xi32>
        %shift_left3A_1073 = arith.constant 15 : i32
        %shift_left3A_1074 = vector.broadcast %shift_left3A_1073 : i32 to vector<16xi32>
        %shift_left3A_1075 = arith.shli %xor3A_1071, %shift_left3A_1074 : vector<16xi32>
        %shift_right_logical3A_1076 = arith.constant 17 : i32
        %shift_right_logical3A_1077 = vector.broadcast %shift_right_logical3A_1076 : i32 to vector<16xi32>
        %shift_right_logical3A_1078 = arith.shrui %xor3A_1071, %shift_right_logical3A_1077 : vector<16xi32>
        %or3A_1079 = arith.ori %shift_left3A_1075, %shift_right_logical3A_1078 : vector<16xi32>
        %xor3A_1080 = arith.xori %or3A_1079, %add3A_1072 : vector<16xi32>
        %add3A_1081 = arith.addi %add3A_1072, %xor3A_1080 : vector<16xi32>
        %shift_left3A_1082 = arith.constant 26 : i32
        %shift_left3A_1083 = vector.broadcast %shift_left3A_1082 : i32 to vector<16xi32>
        %shift_left3A_1084 = arith.shli %xor3A_1080, %shift_left3A_1083 : vector<16xi32>
        %shift_right_logical3A_1085 = arith.constant 6 : i32
        %shift_right_logical3A_1086 = vector.broadcast %shift_right_logical3A_1085 : i32 to vector<16xi32>
        %shift_right_logical3A_1087 = arith.shrui %xor3A_1080, %shift_right_logical3A_1086 : vector<16xi32>
        %or3A_1088 = arith.ori %shift_left3A_1084, %shift_right_logical3A_1087 : vector<16xi32>
        %xor3A_1089 = arith.xori %or3A_1088, %add3A_1081 : vector<16xi32>
        %add3A_1090 = arith.addi %add3A_1081, %xor3A_1089 : vector<16xi32>
        %shift_left3A_1091 = arith.constant 6 : i32
        %shift_left3A_1092 = vector.broadcast %shift_left3A_1091 : i32 to vector<16xi32>
        %shift_left3A_1093 = arith.shli %xor3A_1089, %shift_left3A_1092 : vector<16xi32>
        %shift_right_logical3A_1094 = arith.constant 26 : i32
        %shift_right_logical3A_1095 = vector.broadcast %shift_right_logical3A_1094 : i32 to vector<16xi32>
        %shift_right_logical3A_1096 = arith.shrui %xor3A_1089, %shift_right_logical3A_1095 : vector<16xi32>
        %or3A_1097 = arith.ori %shift_left3A_1093, %shift_right_logical3A_1096 : vector<16xi32>
        %xor3A_1098 = arith.xori %or3A_1097, %add3A_1090 : vector<16xi32>
        %add3A_1099 = arith.addi %add3A_1090, %gather3A_939 : vector<16xi32>
        %add3A_1100 = arith.addi %xor3A_1098, %gather3A_949 : vector<16xi32>
        %add3A_1101 = arith.constant 3 : i32
        %add3A_1102 = vector.broadcast %add3A_1101 : i32 to vector<16xi32>
        %add3A_1103 = arith.addi %add3A_1100, %add3A_1102 : vector<16xi32>
        %add3A_1104 = arith.addi %add3A_1099, %add3A_1103 : vector<16xi32>
        %shift_left3A_1105 = arith.constant 17 : i32
        %shift_left3A_1106 = vector.broadcast %shift_left3A_1105 : i32 to vector<16xi32>
        %shift_left3A_1107 = arith.shli %add3A_1103, %shift_left3A_1106 : vector<16xi32>
        %shift_right_logical3A_1108 = arith.constant 15 : i32
        %shift_right_logical3A_1109 = vector.broadcast %shift_right_logical3A_1108 : i32 to vector<16xi32>
        %shift_right_logical3A_1110 = arith.shrui %add3A_1103, %shift_right_logical3A_1109 : vector<16xi32>
        %or3A_1111 = arith.ori %shift_left3A_1107, %shift_right_logical3A_1110 : vector<16xi32>
        %xor3A_1112 = arith.xori %or3A_1111, %add3A_1104 : vector<16xi32>
        %add3A_1113 = arith.addi %add3A_1104, %xor3A_1112 : vector<16xi32>
        %shift_left3A_1114 = arith.constant 29 : i32
        %shift_left3A_1115 = vector.broadcast %shift_left3A_1114 : i32 to vector<16xi32>
        %shift_left3A_1116 = arith.shli %xor3A_1112, %shift_left3A_1115 : vector<16xi32>
        %shift_right_logical3A_1117 = arith.constant 3 : i32
        %shift_right_logical3A_1118 = vector.broadcast %shift_right_logical3A_1117 : i32 to vector<16xi32>
        %shift_right_logical3A_1119 = arith.shrui %xor3A_1112, %shift_right_logical3A_1118 : vector<16xi32>
        %or3A_1120 = arith.ori %shift_left3A_1116, %shift_right_logical3A_1119 : vector<16xi32>
        %xor3A_1121 = arith.xori %or3A_1120, %add3A_1113 : vector<16xi32>
        %add3A_1122 = arith.addi %add3A_1113, %xor3A_1121 : vector<16xi32>
        %shift_left3A_1123 = arith.constant 16 : i32
        %shift_left3A_1124 = vector.broadcast %shift_left3A_1123 : i32 to vector<16xi32>
        %shift_left3A_1125 = arith.shli %xor3A_1121, %shift_left3A_1124 : vector<16xi32>
        %shift_right_logical3A_1126 = arith.constant 16 : i32
        %shift_right_logical3A_1127 = vector.broadcast %shift_right_logical3A_1126 : i32 to vector<16xi32>
        %shift_right_logical3A_1128 = arith.shrui %xor3A_1121, %shift_right_logical3A_1127 : vector<16xi32>
        %or3A_1129 = arith.ori %shift_left3A_1125, %shift_right_logical3A_1128 : vector<16xi32>
        %xor3A_1130 = arith.xori %or3A_1129, %add3A_1122 : vector<16xi32>
        %add3A_1131 = arith.addi %add3A_1122, %xor3A_1130 : vector<16xi32>
        %shift_left3A_1132 = arith.constant 24 : i32
        %shift_left3A_1133 = vector.broadcast %shift_left3A_1132 : i32 to vector<16xi32>
        %shift_left3A_1134 = arith.shli %xor3A_1130, %shift_left3A_1133 : vector<16xi32>
        %shift_right_logical3A_1135 = arith.constant 8 : i32
        %shift_right_logical3A_1136 = vector.broadcast %shift_right_logical3A_1135 : i32 to vector<16xi32>
        %shift_right_logical3A_1137 = arith.shrui %xor3A_1130, %shift_right_logical3A_1136 : vector<16xi32>
        %or3A_1138 = arith.ori %shift_left3A_1134, %shift_right_logical3A_1137 : vector<16xi32>
        %xor3A_1139 = arith.xori %or3A_1138, %add3A_1131 : vector<16xi32>
        %add3A_1140 = arith.addi %add3A_1131, %gather3A_949 : vector<16xi32>
        %add3A_1141 = arith.addi %xor3A_1139, %xor3A_980 : vector<16xi32>
        %add3A_1142 = arith.constant 4 : i32
        %add3A_1143 = vector.broadcast %add3A_1142 : i32 to vector<16xi32>
        %add3A_1144 = arith.addi %add3A_1141, %add3A_1143 : vector<16xi32>
        %add3A_1145 = arith.addi %add3A_1140, %add3A_1144 : vector<16xi32>
        %shift_left3A_1146 = arith.constant 13 : i32
        %shift_left3A_1147 = vector.broadcast %shift_left3A_1146 : i32 to vector<16xi32>
        %shift_left3A_1148 = arith.shli %add3A_1144, %shift_left3A_1147 : vector<16xi32>
        %shift_right_logical3A_1149 = arith.constant 19 : i32
        %shift_right_logical3A_1150 = vector.broadcast %shift_right_logical3A_1149 : i32 to vector<16xi32>
        %shift_right_logical3A_1151 = arith.shrui %add3A_1144, %shift_right_logical3A_1150 : vector<16xi32>
        %or3A_1152 = arith.ori %shift_left3A_1148, %shift_right_logical3A_1151 : vector<16xi32>
        %xor3A_1153 = arith.xori %or3A_1152, %add3A_1145 : vector<16xi32>
        %add3A_1154 = arith.addi %add3A_1145, %xor3A_1153 : vector<16xi32>
        %shift_left3A_1155 = arith.constant 15 : i32
        %shift_left3A_1156 = vector.broadcast %shift_left3A_1155 : i32 to vector<16xi32>
        %shift_left3A_1157 = arith.shli %xor3A_1153, %shift_left3A_1156 : vector<16xi32>
        %shift_right_logical3A_1158 = arith.constant 17 : i32
        %shift_right_logical3A_1159 = vector.broadcast %shift_right_logical3A_1158 : i32 to vector<16xi32>
        %shift_right_logical3A_1160 = arith.shrui %xor3A_1153, %shift_right_logical3A_1159 : vector<16xi32>
        %or3A_1161 = arith.ori %shift_left3A_1157, %shift_right_logical3A_1160 : vector<16xi32>
        %xor3A_1162 = arith.xori %or3A_1161, %add3A_1154 : vector<16xi32>
        %add3A_1163 = arith.addi %add3A_1154, %xor3A_1162 : vector<16xi32>
        %shift_left3A_1164 = arith.constant 26 : i32
        %shift_left3A_1165 = vector.broadcast %shift_left3A_1164 : i32 to vector<16xi32>
        %shift_left3A_1166 = arith.shli %xor3A_1162, %shift_left3A_1165 : vector<16xi32>
        %shift_right_logical3A_1167 = arith.constant 6 : i32
        %shift_right_logical3A_1168 = vector.broadcast %shift_right_logical3A_1167 : i32 to vector<16xi32>
        %shift_right_logical3A_1169 = arith.shrui %xor3A_1162, %shift_right_logical3A_1168 : vector<16xi32>
        %or3A_1170 = arith.ori %shift_left3A_1166, %shift_right_logical3A_1169 : vector<16xi32>
        %xor3A_1171 = arith.xori %or3A_1170, %add3A_1163 : vector<16xi32>
        %add3A_1172 = arith.addi %add3A_1163, %xor3A_1171 : vector<16xi32>
        %shift_left3A_1173 = arith.constant 6 : i32
        %shift_left3A_1174 = vector.broadcast %shift_left3A_1173 : i32 to vector<16xi32>
        %shift_left3A_1175 = arith.shli %xor3A_1171, %shift_left3A_1174 : vector<16xi32>
        %shift_right_logical3A_1176 = arith.constant 26 : i32
        %shift_right_logical3A_1177 = vector.broadcast %shift_right_logical3A_1176 : i32 to vector<16xi32>
        %shift_right_logical3A_1178 = arith.shrui %xor3A_1171, %shift_right_logical3A_1177 : vector<16xi32>
        %or3A_1179 = arith.ori %shift_left3A_1175, %shift_right_logical3A_1178 : vector<16xi32>
        %xor3A_1180 = arith.xori %or3A_1179, %add3A_1172 : vector<16xi32>
        %add3A_1181 = arith.addi %add3A_1172, %xor3A_980 : vector<16xi32>
        %add3A_1182 = arith.addi %xor3A_1180, %gather3A_939 : vector<16xi32>
        %add3A_1183 = arith.constant 5 : i32
        %add3A_1184 = vector.broadcast %add3A_1183 : i32 to vector<16xi32>
        %add3A_1185 = arith.addi %add3A_1182, %add3A_1184 : vector<16xi32>
        %xor3A_1186 = arith.xori %add3A_1181, %add3A_1185 : vector<16xi32>
        %shift_right_logical3A_1187 = arith.constant 9 : i32
        %shift_right_logical3A_1188 = vector.broadcast %shift_right_logical3A_1187 : i32 to vector<16xi32>
        %shift_right_logical3A_1189 = arith.shrui %xor3A_1186, %shift_right_logical3A_1188 : vector<16xi32>
        %or3A_1190 = arith.constant 1065353216 : i32
        %or3A_1191 = vector.broadcast %or3A_1190 : i32 to vector<16xi32>
        %or3A_1192 = arith.ori %shift_right_logical3A_1189, %or3A_1191 : vector<16xi32>
        %bitcast_convert_type3A_1193 = tpu.bitcast %or3A_1192 : vector<16xi32> -> vector<16xf32>
        %sub3A_1194 = arith.constant 1.000000e+00 : f32
        %sub3A_1195 = vector.broadcast %sub3A_1194 : f32 to vector<16xf32>
        %sub3A_1196 = arith.subf %bitcast_convert_type3A_1193, %sub3A_1195 : vector<16xf32>
        %mul3A_1197 = arith.constant 2.000000e+00 : f32
        %mul3A_1198 = vector.broadcast %mul3A_1197 : f32 to vector<16xf32>
        %mul3A_1199 = arith.mulf %sub3A_1196, %mul3A_1198 : vector<16xf32>
        %add3A_1200 = arith.constant -0.99999994 : f32
        %add3A_1201 = vector.broadcast %add3A_1200 : f32 to vector<16xf32>
        %add3A_1202 = arith.addf %mul3A_1199, %add3A_1201 : vector<16xf32>
        %max3A_1203 = arith.constant -0.99999994 : f32
        %max3A_1204 = vector.broadcast %max3A_1203 : f32 to vector<16xf32>
        %max3A_1205 = arith.maximumf %max3A_1204, %add3A_1202 : vector<16xf32>
        %mul3A_1206 = arith.mulf %max3A_1205, %max3A_1205 : vector<16xf32>
        %sub3A_1207 = arith.constant 1.000000e+00 : f32
        %sub3A_1208 = vector.broadcast %sub3A_1207 : f32 to vector<16xf32>
        %sub3A_1209 = arith.subf %sub3A_1208, %mul3A_1206 : vector<16xf32>
        %bitcast_convert_type3A_1210 = tpu.bitcast %sub3A_1209 : vector<16xf32> -> vector<16xi32>
        %shift_right_logical3A_1211 = arith.constant 23 : i32
        %shift_right_logical3A_1212 = vector.broadcast %shift_right_logical3A_1211 : i32 to vector<16xi32>
        %shift_right_logical3A_1213 = arith.shrui %bitcast_convert_type3A_1210, %shift_right_logical3A_1212 : vector<16xi32>
        %sub3A_1214 = arith.constant 127 : i32
        %sub3A_1215 = vector.broadcast %sub3A_1214 : i32 to vector<16xi32>
        %sub3A_1216 = arith.subi %shift_right_logical3A_1213, %sub3A_1215 : vector<16xi32>
        %and3A_1217 = arith.constant 8388607 : i32
        %and3A_1218 = vector.broadcast %and3A_1217 : i32 to vector<16xi32>
        %and3A_1219 = arith.andi %bitcast_convert_type3A_1210, %and3A_1218 : vector<16xi32>
        %or3A_1220 = arith.constant 1065353216 : i32
        %or3A_1221 = vector.broadcast %or3A_1220 : i32 to vector<16xi32>
        %or3A_1222 = arith.ori %and3A_1219, %or3A_1221 : vector<16xi32>
        %bitcast_convert_type3A_1223 = tpu.bitcast %or3A_1222 : vector<16xi32> -> vector<16xf32>
        %broadcast_in_dim3A_1224 = arith.constant -0.0248256065 : f32
        %broadcast_in_dim3A_1225 = vector.broadcast %broadcast_in_dim3A_1224 : f32 to vector<16xf32>
        %mul3A_1226 = arith.mulf %broadcast_in_dim3A_1225, %bitcast_convert_type3A_1223 : vector<16xf32>
        %add3A_1227 = arith.constant 0.266858816 : f32
        %add3A_1228 = vector.broadcast %add3A_1227 : f32 to vector<16xf32>
        %add3A_1229 = arith.addf %mul3A_1226, %add3A_1228 : vector<16xf32>
        %mul3A_1230 = arith.mulf %add3A_1229, %bitcast_convert_type3A_1223 : vector<16xf32>
        %add3A_1231 = arith.constant -1.23426318 : f32
        %add3A_1232 = vector.broadcast %add3A_1231 : f32 to vector<16xf32>
        %add3A_1233 = arith.addf %mul3A_1230, %add3A_1232 : vector<16xf32>
        %mul3A_1234 = arith.mulf %add3A_1233, %bitcast_convert_type3A_1223 : vector<16xf32>
        %add3A_1235 = arith.constant 3.21883273 : f32
        %add3A_1236 = vector.broadcast %add3A_1235 : f32 to vector<16xf32>
        %add3A_1237 = arith.addf %mul3A_1234, %add3A_1236 : vector<16xf32>
        %mul3A_1238 = arith.mulf %add3A_1237, %bitcast_convert_type3A_1223 : vector<16xf32>
        %add3A_1239 = arith.constant -5.26411057 : f32
        %add3A_1240 = vector.broadcast %add3A_1239 : f32 to vector<16xf32>
        %add3A_1241 = arith.addf %mul3A_1238, %add3A_1240 : vector<16xf32>
        %mul3A_1242 = arith.mulf %add3A_1241, %bitcast_convert_type3A_1223 : vector<16xf32>
        %add3A_1243 = arith.constant 6.065830e+00 : f32
        %add3A_1244 = vector.broadcast %add3A_1243 : f32 to vector<16xf32>
        %add3A_1245 = arith.addf %mul3A_1242, %add3A_1244 : vector<16xf32>
        %mul3A_1246 = arith.mulf %add3A_1245, %bitcast_convert_type3A_1223 : vector<16xf32>
        %add3A_1247 = arith.constant -3.02831745 : f32
        %add3A_1248 = vector.broadcast %add3A_1247 : f32 to vector<16xf32>
        %add3A_1249 = arith.addf %mul3A_1246, %add3A_1248 : vector<16xf32>
        %convert_element_type3A_1250 = arith.sitofp %sub3A_1216 : vector<16xi32> to vector<16xf32>
        %add3A_1251 = arith.addf %convert_element_type3A_1250, %add3A_1249 : vector<16xf32>
        %mul3A_1252 = arith.constant -0.693147182 : f32
        %mul3A_1253 = vector.broadcast %mul3A_1252 : f32 to vector<16xf32>
        %mul3A_1254 = arith.mulf %mul3A_1253, %add3A_1251 : vector<16xf32>
        %sub3A_1255 = arith.constant 2.500000e+00 : f32
        %sub3A_1256 = vector.broadcast %sub3A_1255 : f32 to vector<16xf32>
        %sub3A_1257 = arith.subf %mul3A_1254, %sub3A_1256 : vector<16xf32>
        %broadcast_in_dim3A_1258 = arith.constant 2.81022636E-8 : f32
        %broadcast_in_dim3A_1259 = vector.broadcast %broadcast_in_dim3A_1258 : f32 to vector<16xf32>
        %mul3A_1260 = arith.mulf %broadcast_in_dim3A_1259, %sub3A_1257 : vector<16xf32>
        %add3A_1261 = arith.constant 3.43273939E-7 : f32
        %add3A_1262 = vector.broadcast %add3A_1261 : f32 to vector<16xf32>
        %add3A_1263 = arith.addf %mul3A_1260, %add3A_1262 : vector<16xf32>
        %mul3A_1264 = arith.mulf %add3A_1263, %sub3A_1257 : vector<16xf32>
        %add3A_1265 = arith.constant -3.5233877E-6 : f32
        %add3A_1266 = vector.broadcast %add3A_1265 : f32 to vector<16xf32>
        %add3A_1267 = arith.addf %mul3A_1264, %add3A_1266 : vector<16xf32>
        %mul3A_1268 = arith.mulf %add3A_1267, %sub3A_1257 : vector<16xf32>
        %add3A_1269 = arith.constant -4.39150654E-6 : f32
        %add3A_1270 = vector.broadcast %add3A_1269 : f32 to vector<16xf32>
        %add3A_1271 = arith.addf %mul3A_1268, %add3A_1270 : vector<16xf32>
        %mul3A_1272 = arith.mulf %add3A_1271, %sub3A_1257 : vector<16xf32>
        %add3A_1273 = arith.constant 2.1858087E-4 : f32
        %add3A_1274 = vector.broadcast %add3A_1273 : f32 to vector<16xf32>
        %add3A_1275 = arith.addf %mul3A_1272, %add3A_1274 : vector<16xf32>
        %mul3A_1276 = arith.mulf %add3A_1275, %sub3A_1257 : vector<16xf32>
        %add3A_1277 = arith.constant -0.00125372503 : f32
        %add3A_1278 = vector.broadcast %add3A_1277 : f32 to vector<16xf32>
        %add3A_1279 = arith.addf %mul3A_1276, %add3A_1278 : vector<16xf32>
        %mul3A_1280 = arith.mulf %add3A_1279, %sub3A_1257 : vector<16xf32>
        %add3A_1281 = arith.constant -0.00417768164 : f32
        %add3A_1282 = vector.broadcast %add3A_1281 : f32 to vector<16xf32>
        %add3A_1283 = arith.addf %mul3A_1280, %add3A_1282 : vector<16xf32>
        %mul3A_1284 = arith.mulf %add3A_1283, %sub3A_1257 : vector<16xf32>
        %add3A_1285 = arith.constant 0.246640727 : f32
        %add3A_1286 = vector.broadcast %add3A_1285 : f32 to vector<16xf32>
        %add3A_1287 = arith.addf %mul3A_1284, %add3A_1286 : vector<16xf32>
        %mul3A_1288 = arith.mulf %add3A_1287, %sub3A_1257 : vector<16xf32>
        %add3A_1289 = arith.constant 1.50140941 : f32
        %add3A_1290 = vector.broadcast %add3A_1289 : f32 to vector<16xf32>
        %add3A_1291 = arith.addf %mul3A_1288, %add3A_1290 : vector<16xf32>
        %max3A_1292 = arith.constant 0.000000e+00 : f32
        %max3A_1293 = vector.broadcast %max3A_1292 : f32 to vector<16xf32>
        %max3A_1294 = arith.maximumf %mul3A_1254, %max3A_1293 : vector<16xf32>
        %bitcast_convert_type3A_1295 = tpu.bitcast %max3A_1294 : vector<16xf32> -> vector<16xi32>
        %shift_right_logical3A_1296 = arith.constant 1 : i32
        %shift_right_logical3A_1297 = vector.broadcast %shift_right_logical3A_1296 : i32 to vector<16xi32>
        %shift_right_logical3A_1298 = arith.shrui %bitcast_convert_type3A_1295, %shift_right_logical3A_1297 : vector<16xi32>
        %sub3A_1299 = arith.constant 1597463007 : i32
        %sub3A_1300 = vector.broadcast %sub3A_1299 : i32 to vector<16xi32>
        %sub3A_1301 = arith.subi %sub3A_1300, %shift_right_logical3A_1298 : vector<16xi32>
        %bitcast_convert_type3A_1302 = tpu.bitcast %sub3A_1301 : vector<16xi32> -> vector<16xf32>
        %mul3A_1303 = arith.constant 5.000000e-01 : f32
        %mul3A_1304 = vector.broadcast %mul3A_1303 : f32 to vector<16xf32>
        %mul3A_1305 = arith.mulf %mul3A_1304, %max3A_1294 : vector<16xf32>
        %mul3A_1306 = arith.mulf %mul3A_1305, %bitcast_convert_type3A_1302 : vector<16xf32>
        %mul3A_1307 = arith.mulf %mul3A_1306, %bitcast_convert_type3A_1302 : vector<16xf32>
        %sub3A_1308 = arith.constant 1.500000e+00 : f32
        %sub3A_1309 = vector.broadcast %sub3A_1308 : f32 to vector<16xf32>
        %sub3A_1310 = arith.subf %sub3A_1309, %mul3A_1307 : vector<16xf32>
        %mul3A_1311 = arith.mulf %bitcast_convert_type3A_1302, %sub3A_1310 : vector<16xf32>
        %mul3A_1312 = arith.mulf %mul3A_1305, %mul3A_1311 : vector<16xf32>
        %mul3A_1313 = arith.mulf %mul3A_1312, %mul3A_1311 : vector<16xf32>
        %sub3A_1314 = arith.constant 1.500000e+00 : f32
        %sub3A_1315 = vector.broadcast %sub3A_1314 : f32 to vector<16xf32>
        %sub3A_1316 = arith.subf %sub3A_1315, %mul3A_1313 : vector<16xf32>
        %mul3A_1317 = arith.mulf %mul3A_1311, %sub3A_1316 : vector<16xf32>
        %mul3A_1318 = arith.mulf %mul3A_1305, %mul3A_1317 : vector<16xf32>
        %mul3A_1319 = arith.mulf %mul3A_1318, %mul3A_1317 : vector<16xf32>
        %sub3A_1320 = arith.constant 1.500000e+00 : f32
        %sub3A_1321 = vector.broadcast %sub3A_1320 : f32 to vector<16xf32>
        %sub3A_1322 = arith.subf %sub3A_1321, %mul3A_1319 : vector<16xf32>
        %mul3A_1323 = arith.mulf %mul3A_1317, %sub3A_1322 : vector<16xf32>
        %mul3A_1324 = arith.mulf %max3A_1294, %mul3A_1323 : vector<16xf32>
        %sub3A_1325 = arith.constant 3.000000e+00 : f32
        %sub3A_1326 = vector.broadcast %sub3A_1325 : f32 to vector<16xf32>
        %sub3A_1327 = arith.subf %mul3A_1324, %sub3A_1326 : vector<16xf32>
        %broadcast_in_dim3A_1328 = arith.constant -2.00214257E-4 : f32
        %broadcast_in_dim3A_1329 = vector.broadcast %broadcast_in_dim3A_1328 : f32 to vector<16xf32>
        %mul3A_1330 = arith.mulf %broadcast_in_dim3A_1329, %sub3A_1327 : vector<16xf32>
        %add3A_1331 = arith.constant 1.00950558E-4 : f32
        %add3A_1332 = vector.broadcast %add3A_1331 : f32 to vector<16xf32>
        %add3A_1333 = arith.addf %mul3A_1330, %add3A_1332 : vector<16xf32>
        %mul3A_1334 = arith.mulf %add3A_1333, %sub3A_1327 : vector<16xf32>
        %add3A_1335 = arith.constant 0.00134934322 : f32
        %add3A_1336 = vector.broadcast %add3A_1335 : f32 to vector<16xf32>
        %add3A_1337 = arith.addf %mul3A_1334, %add3A_1336 : vector<16xf32>
        %mul3A_1338 = arith.mulf %add3A_1337, %sub3A_1327 : vector<16xf32>
        %add3A_1339 = arith.constant -0.00367342844 : f32
        %add3A_1340 = vector.broadcast %add3A_1339 : f32 to vector<16xf32>
        %add3A_1341 = arith.addf %mul3A_1338, %add3A_1340 : vector<16xf32>
        %mul3A_1342 = arith.mulf %add3A_1341, %sub3A_1327 : vector<16xf32>
        %add3A_1343 = arith.constant 0.00573950773 : f32
        %add3A_1344 = vector.broadcast %add3A_1343 : f32 to vector<16xf32>
        %add3A_1345 = arith.addf %mul3A_1342, %add3A_1344 : vector<16xf32>
        %mul3A_1346 = arith.mulf %add3A_1345, %sub3A_1327 : vector<16xf32>
        %add3A_1347 = arith.constant -0.0076224613 : f32
        %add3A_1348 = vector.broadcast %add3A_1347 : f32 to vector<16xf32>
        %add3A_1349 = arith.addf %mul3A_1346, %add3A_1348 : vector<16xf32>
        %mul3A_1350 = arith.mulf %add3A_1349, %sub3A_1327 : vector<16xf32>
        %add3A_1351 = arith.constant 0.00943887047 : f32
        %add3A_1352 = vector.broadcast %add3A_1351 : f32 to vector<16xf32>
        %add3A_1353 = arith.addf %mul3A_1350, %add3A_1352 : vector<16xf32>
        %mul3A_1354 = arith.mulf %add3A_1353, %sub3A_1327 : vector<16xf32>
        %add3A_1355 = arith.constant 1.00167406 : f32
        %add3A_1356 = vector.broadcast %add3A_1355 : f32 to vector<16xf32>
        %add3A_1357 = arith.addf %mul3A_1354, %add3A_1356 : vector<16xf32>
        %mul3A_1358 = arith.mulf %add3A_1357, %sub3A_1327 : vector<16xf32>
        %add3A_1359 = arith.constant 2.83297682 : f32
        %add3A_1360 = vector.broadcast %add3A_1359 : f32 to vector<16xf32>
        %add3A_1361 = arith.addf %mul3A_1358, %add3A_1360 : vector<16xf32>
        %lt3A_1362 = arith.constant 5.000000e+00 : f32
        %lt3A_1363 = vector.broadcast %lt3A_1362 : f32 to vector<16xf32>
        %lt3A_1364 = arith.cmpf olt, %mul3A_1254, %lt3A_1363 : vector<16xf32>
        %select_n3A_1365 = arith.select %lt3A_1364, %add3A_1291, %add3A_1361 : vector<16xi1>, vector<16xf32>
        %mul3A_1366 = arith.mulf %select_n3A_1365, %max3A_1205 : vector<16xf32>
        %mul3A_1367 = arith.mulf %gather3A_969, %mul3A_1366 : vector<16xf32>
        %add3A_1368 = arith.addf %gather3A_959, %mul3A_1367 : vector<16xf32>
        %swap3A_1369 = arith.index_cast %mul3A_926 : i32 to index
        %swap3A_1370 = tpu.vector_load %arg9[%swap3A_1369] {strides = array<i32>} : memref<2048xf32, #tpu.memory_space<vmem>>, vector<16xf32>,
        %swap3A_1371 = vector.shape_cast %swap3A_1370 : vector<16xf32> to vector<16xf32>
        %swap3A_1372 = vector.shape_cast %add3A_1368 : vector<16xf32> to vector<16xf32>
        tpu.vector_store %arg9[%swap3A_1369], %swap3A_1372 {strides = array<i32>} : memref<2048xf32, #tpu.memory_space<vmem>>, vector<16xf32>,
        %mul3A_1373 = arith.constant 4 : i32
        %mul3A_1374 = arith.muli %scan3A_31, %mul3A_1373 : i32
        %add3A_1375 = arith.constant 3 : i32
        %add3A_1376 = arith.addi %mul3A_1374, %add3A_1375 : i32
        %mul3A_1377 = arith.constant 16 : i32
        %mul3A_1378 = arith.muli %add3A_1376, %mul3A_1377 : i32
        %get3A_1379 = arith.index_cast %mul3A_1378 : i32 to index
        %get3A_1380 = tpu.vector_load %arg8[%get3A_1379] {strides = array<i32>} : memref<2048xi32, #tpu.memory_space<vmem>>, vector<16xi32>,
        %get3A_1381 = vector.shape_cast %get3A_1380 : vector<16xi32> to vector<16xi32>
        %lt3A_1382 = arith.constant 0 : i32
        %lt3A_1383 = vector.broadcast %lt3A_1382 : i32 to vector<16xi32>
        %lt3A_1384 = arith.cmpi slt, %get3A_1381, %lt3A_1383 : vector<16xi32>
        %add3A_1385 = arith.constant 16 : i32
        %add3A_1386 = vector.broadcast %add3A_1385 : i32 to vector<16xi32>
        %add3A_1387 = arith.addi %get3A_1381, %add3A_1386 : vector<16xi32>
        %select_n3A_1388 = arith.select %lt3A_1384, %add3A_1387, %get3A_1381 : vector<16xi1>, vector<16xi32>
        %broadcast_in_dim3A_1389 = vector.shape_cast %select_n3A_1388 : vector<16xi32> to vector<16x1xi32>
        %gather3A_1390 = vector.shape_cast %broadcast_in_dim3A_1389 : vector<16x1xi32> to vector<16xi32>
        %gather3A_1391 = tpu.dynamic_gather %get3A_2[%gather3A_1390] in [0] : vector<16xi32>, vector<16xi32> -> vector<16xi32>
        %lt3A_1392 = arith.constant 0 : i32
        %lt3A_1393 = vector.broadcast %lt3A_1392 : i32 to vector<16xi32>
        %lt3A_1394 = arith.cmpi slt, %get3A_1381, %lt3A_1393 : vector<16xi32>
        %add3A_1395 = arith.constant 16 : i32
        %add3A_1396 = vector.broadcast %add3A_1395 : i32 to vector<16xi32>
        %add3A_1397 = arith.addi %get3A_1381, %add3A_1396 : vector<16xi32>
        %select_n3A_1398 = arith.select %lt3A_1394, %add3A_1397, %get3A_1381 : vector<16xi1>, vector<16xi32>
        %broadcast_in_dim3A_1399 = vector.shape_cast %select_n3A_1398 : vector<16xi32> to vector<16x1xi32>
        %gather3A_1400 = vector.shape_cast %broadcast_in_dim3A_1399 : vector<16x1xi32> to vector<16xi32>
        %gather3A_1401 = tpu.dynamic_gather %get3A_5[%gather3A_1400] in [0] : vector<16xi32>, vector<16xi32> -> vector<16xi32>
        %lt3A_1402 = arith.constant 0 : i32
        %lt3A_1403 = vector.broadcast %lt3A_1402 : i32 to vector<16xi32>
        %lt3A_1404 = arith.cmpi slt, %get3A_1381, %lt3A_1403 : vector<16xi32>
        %add3A_1405 = arith.constant 16 : i32
        %add3A_1406 = vector.broadcast %add3A_1405 : i32 to vector<16xi32>
        %add3A_1407 = arith.addi %get3A_1381, %add3A_1406 : vector<16xi32>
        %select_n3A_1408 = arith.select %lt3A_1404, %add3A_1407, %get3A_1381 : vector<16xi1>, vector<16xi32>
        %broadcast_in_dim3A_1409 = vector.shape_cast %select_n3A_1408 : vector<16xi32> to vector<16x1xi32>
        %gather3A_1410 = vector.shape_cast %broadcast_in_dim3A_1409 : vector<16x1xi32> to vector<16xi32>
        %gather3A_1411 = tpu.dynamic_gather %get3A_8[%gather3A_1410] in [0] : vector<16xf32>, vector<16xi32> -> vector<16xf32>
        %lt3A_1412 = arith.constant 0 : i32
        %lt3A_1413 = vector.broadcast %lt3A_1412 : i32 to vector<16xi32>
        %lt3A_1414 = arith.cmpi slt, %get3A_1381, %lt3A_1413 : vector<16xi32>
        %add3A_1415 = arith.constant 16 : i32
        %add3A_1416 = vector.broadcast %add3A_1415 : i32 to vector<16xi32>
        %add3A_1417 = arith.addi %get3A_1381, %add3A_1416 : vector<16xi32>
        %select_n3A_1418 = arith.select %lt3A_1414, %add3A_1417, %get3A_1381 : vector<16xi1>, vector<16xi32>
        %broadcast_in_dim3A_1419 = vector.shape_cast %select_n3A_1418 : vector<16xi32> to vector<16x1xi32>
        %gather3A_1420 = vector.shape_cast %broadcast_in_dim3A_1419 : vector<16x1xi32> to vector<16xi32>
        %gather3A_1421 = tpu.dynamic_gather %get3A_11[%gather3A_1420] in [0] : vector<16xf32>, vector<16xi32> -> vector<16xf32>
        %add3A_1422 = arith.constant 3145728 : i32
        %add3A_1423 = arith.addi %add3A_1422, %add3A_22 : i32
        %add3A_1424 = arith.addi %add3A_1423, %mul3A_1378 : i32
        %iota3A_1425 = tpu.iota {dimensions = array<i32: 0>} : vector<16xi32>
        %add3A_1426 = vector.broadcast %add3A_1424 : i32 to vector<16xi32>
        %add3A_1427 = arith.addi %add3A_1426, %iota3A_1425 : vector<16xi32>
        %add3A_1428 = arith.addi %add3A_1427, %gather3A_1401 : vector<16xi32>
        %xor3A_1429 = arith.xori %gather3A_1391, %gather3A_1401 : vector<16xi32>
        %xor3A_1430 = arith.constant 466688986 : i32
        %xor3A_1431 = vector.broadcast %xor3A_1430 : i32 to vector<16xi32>
        %xor3A_1432 = arith.xori %xor3A_1429, %xor3A_1431 : vector<16xi32>
        %add3A_1433 = arith.addi %gather3A_1391, %add3A_1428 : vector<16xi32>
        %shift_left3A_1434 = arith.constant 13 : i32
        %shift_left3A_1435 = vector.broadcast %shift_left3A_1434 : i32 to vector<16xi32>
        %shift_left3A_1436 = arith.shli %add3A_1428, %shift_left3A_1435 : vector<16xi32>
        %shift_right_logical3A_1437 = arith.constant 19 : i32
        %shift_right_logical3A_1438 = vector.broadcast %shift_right_logical3A_1437 : i32 to vector<16xi32>
        %shift_right_logical3A_1439 = arith.shrui %add3A_1428, %shift_right_logical3A_1438 : vector<16xi32>
        %or3A_1440 = arith.ori %shift_left3A_1436, %shift_right_logical3A_1439 : vector<16xi32>
        %xor3A_1441 = arith.xori %or3A_1440, %add3A_1433 : vector<16xi32>
        %add3A_1442 = arith.addi %add3A_1433, %xor3A_1441 : vector<16xi32>
        %shift_left3A_1443 = arith.constant 15 : i32
        %shift_left3A_1444 = vector.broadcast %shift_left3A_1443 : i32 to vector<16xi32>
        %shift_left3A_1445 = arith.shli %xor3A_1441, %shift_left3A_1444 : vector<16xi32>
        %shift_right_logical3A_1446 = arith.constant 17 : i32
        %shift_right_logical3A_1447 = vector.broadcast %shift_right_logical3A_1446 : i32 to vector<16xi32>
        %shift_right_logical3A_1448 = arith.shrui %xor3A_1441, %shift_right_logical3A_1447 : vector<16xi32>
        %or3A_1449 = arith.ori %shift_left3A_1445, %shift_right_logical3A_1448 : vector<16xi32>
        %xor3A_1450 = arith.xori %or3A_1449, %add3A_1442 : vector<16xi32>
        %add3A_1451 = arith.addi %add3A_1442, %xor3A_1450 : vector<16xi32>
        %shift_left3A_1452 = arith.constant 26 : i32
        %shift_left3A_1453 = vector.broadcast %shift_left3A_1452 : i32 to vector<16xi32>
        %shift_left3A_1454 = arith.shli %xor3A_1450, %shift_left3A_1453 : vector<16xi32>
        %shift_right_logical3A_1455 = arith.constant 6 : i32
        %shift_right_logical3A_1456 = vector.broadcast %shift_right_logical3A_1455 : i32 to vector<16xi32>
        %shift_right_logical3A_1457 = arith.shrui %xor3A_1450, %shift_right_logical3A_1456 : vector<16xi32>
        %or3A_1458 = arith.ori %shift_left3A_1454, %shift_right_logical3A_1457 : vector<16xi32>
        %xor3A_1459 = arith.xori %or3A_1458, %add3A_1451 : vector<16xi32>
        %add3A_1460 = arith.addi %add3A_1451, %xor3A_1459 : vector<16xi32>
        %shift_left3A_1461 = arith.constant 6 : i32
        %shift_left3A_1462 = vector.broadcast %shift_left3A_1461 : i32 to vector<16xi32>
        %shift_left3A_1463 = arith.shli %xor3A_1459, %shift_left3A_1462 : vector<16xi32>
        %shift_right_logical3A_1464 = arith.constant 26 : i32
        %shift_right_logical3A_1465 = vector.broadcast %shift_right_logical3A_1464 : i32 to vector<16xi32>
        %shift_right_logical3A_1466 = arith.shrui %xor3A_1459, %shift_right_logical3A_1465 : vector<16xi32>
        %or3A_1467 = arith.ori %shift_left3A_1463, %shift_right_logical3A_1466 : vector<16xi32>
        %xor3A_1468 = arith.xori %or3A_1467, %add3A_1460 : vector<16xi32>
        %add3A_1469 = arith.addi %add3A_1460, %gather3A_1401 : vector<16xi32>
        %add3A_1470 = arith.addi %xor3A_1468, %xor3A_1432 : vector<16xi32>
        %add3A_1471 = arith.constant 1 : i32
        %add3A_1472 = vector.broadcast %add3A_1471 : i32 to vector<16xi32>
        %add3A_1473 = arith.addi %add3A_1470, %add3A_1472 : vector<16xi32>
        %add3A_1474 = arith.addi %add3A_1469, %add3A_1473 : vector<16xi32>
        %shift_left3A_1475 = arith.constant 17 : i32
        %shift_left3A_1476 = vector.broadcast %shift_left3A_1475 : i32 to vector<16xi32>
        %shift_left3A_1477 = arith.shli %add3A_1473, %shift_left3A_1476 : vector<16xi32>
        %shift_right_logical3A_1478 = arith.constant 15 : i32
        %shift_right_logical3A_1479 = vector.broadcast %shift_right_logical3A_1478 : i32 to vector<16xi32>
        %shift_right_logical3A_1480 = arith.shrui %add3A_1473, %shift_right_logical3A_1479 : vector<16xi32>
        %or3A_1481 = arith.ori %shift_left3A_1477, %shift_right_logical3A_1480 : vector<16xi32>
        %xor3A_1482 = arith.xori %or3A_1481, %add3A_1474 : vector<16xi32>
        %add3A_1483 = arith.addi %add3A_1474, %xor3A_1482 : vector<16xi32>
        %shift_left3A_1484 = arith.constant 29 : i32
        %shift_left3A_1485 = vector.broadcast %shift_left3A_1484 : i32 to vector<16xi32>
        %shift_left3A_1486 = arith.shli %xor3A_1482, %shift_left3A_1485 : vector<16xi32>
        %shift_right_logical3A_1487 = arith.constant 3 : i32
        %shift_right_logical3A_1488 = vector.broadcast %shift_right_logical3A_1487 : i32 to vector<16xi32>
        %shift_right_logical3A_1489 = arith.shrui %xor3A_1482, %shift_right_logical3A_1488 : vector<16xi32>
        %or3A_1490 = arith.ori %shift_left3A_1486, %shift_right_logical3A_1489 : vector<16xi32>
        %xor3A_1491 = arith.xori %or3A_1490, %add3A_1483 : vector<16xi32>
        %add3A_1492 = arith.addi %add3A_1483, %xor3A_1491 : vector<16xi32>
        %shift_left3A_1493 = arith.constant 16 : i32
        %shift_left3A_1494 = vector.broadcast %shift_left3A_1493 : i32 to vector<16xi32>
        %shift_left3A_1495 = arith.shli %xor3A_1491, %shift_left3A_1494 : vector<16xi32>
        %shift_right_logical3A_1496 = arith.constant 16 : i32
        %shift_right_logical3A_1497 = vector.broadcast %shift_right_logical3A_1496 : i32 to vector<16xi32>
        %shift_right_logical3A_1498 = arith.shrui %xor3A_1491, %shift_right_logical3A_1497 : vector<16xi32>
        %or3A_1499 = arith.ori %shift_left3A_1495, %shift_right_logical3A_1498 : vector<16xi32>
        %xor3A_1500 = arith.xori %or3A_1499, %add3A_1492 : vector<16xi32>
        %add3A_1501 = arith.addi %add3A_1492, %xor3A_1500 : vector<16xi32>
        %shift_left3A_1502 = arith.constant 24 : i32
        %shift_left3A_1503 = vector.broadcast %shift_left3A_1502 : i32 to vector<16xi32>
        %shift_left3A_1504 = arith.shli %xor3A_1500, %shift_left3A_1503 : vector<16xi32>
        %shift_right_logical3A_1505 = arith.constant 8 : i32
        %shift_right_logical3A_1506 = vector.broadcast %shift_right_logical3A_1505 : i32 to vector<16xi32>
        %shift_right_logical3A_1507 = arith.shrui %xor3A_1500, %shift_right_logical3A_1506 : vector<16xi32>
        %or3A_1508 = arith.ori %shift_left3A_1504, %shift_right_logical3A_1507 : vector<16xi32>
        %xor3A_1509 = arith.xori %or3A_1508, %add3A_1501 : vector<16xi32>
        %add3A_1510 = arith.addi %add3A_1501, %xor3A_1432 : vector<16xi32>
        %add3A_1511 = arith.addi %xor3A_1509, %gather3A_1391 : vector<16xi32>
        %add3A_1512 = arith.constant 2 : i32
        %add3A_1513 = vector.broadcast %add3A_1512 : i32 to vector<16xi32>
        %add3A_1514 = arith.addi %add3A_1511, %add3A_1513 : vector<16xi32>
        %add3A_1515 = arith.addi %add3A_1510, %add3A_1514 : vector<16xi32>
        %shift_left3A_1516 = arith.constant 13 : i32
        %shift_left3A_1517 = vector.broadcast %shift_left3A_1516 : i32 to vector<16xi32>
        %shift_left3A_1518 = arith.shli %add3A_1514, %shift_left3A_1517 : vector<16xi32>
        %shift_right_logical3A_1519 = arith.constant 19 : i32
        %shift_right_logical3A_1520 = vector.broadcast %shift_right_logical3A_1519 : i32 to vector<16xi32>
        %shift_right_logical3A_1521 = arith.shrui %add3A_1514, %shift_right_logical3A_1520 : vector<16xi32>
        %or3A_1522 = arith.ori %shift_left3A_1518, %shift_right_logical3A_1521 : vector<16xi32>
        %xor3A_1523 = arith.xori %or3A_1522, %add3A_1515 : vector<16xi32>
        %add3A_1524 = arith.addi %add3A_1515, %xor3A_1523 : vector<16xi32>
        %shift_left3A_1525 = arith.constant 15 : i32
        %shift_left3A_1526 = vector.broadcast %shift_left3A_1525 : i32 to vector<16xi32>
        %shift_left3A_1527 = arith.shli %xor3A_1523, %shift_left3A_1526 : vector<16xi32>
        %shift_right_logical3A_1528 = arith.constant 17 : i32
        %shift_right_logical3A_1529 = vector.broadcast %shift_right_logical3A_1528 : i32 to vector<16xi32>
        %shift_right_logical3A_1530 = arith.shrui %xor3A_1523, %shift_right_logical3A_1529 : vector<16xi32>
        %or3A_1531 = arith.ori %shift_left3A_1527, %shift_right_logical3A_1530 : vector<16xi32>
        %xor3A_1532 = arith.xori %or3A_1531, %add3A_1524 : vector<16xi32>
        %add3A_1533 = arith.addi %add3A_1524, %xor3A_1532 : vector<16xi32>
        %shift_left3A_1534 = arith.constant 26 : i32
        %shift_left3A_1535 = vector.broadcast %shift_left3A_1534 : i32 to vector<16xi32>
        %shift_left3A_1536 = arith.shli %xor3A_1532, %shift_left3A_1535 : vector<16xi32>
        %shift_right_logical3A_1537 = arith.constant 6 : i32
        %shift_right_logical3A_1538 = vector.broadcast %shift_right_logical3A_1537 : i32 to vector<16xi32>
        %shift_right_logical3A_1539 = arith.shrui %xor3A_1532, %shift_right_logical3A_1538 : vector<16xi32>
        %or3A_1540 = arith.ori %shift_left3A_1536, %shift_right_logical3A_1539 : vector<16xi32>
        %xor3A_1541 = arith.xori %or3A_1540, %add3A_1533 : vector<16xi32>
        %add3A_1542 = arith.addi %add3A_1533, %xor3A_1541 : vector<16xi32>
        %shift_left3A_1543 = arith.constant 6 : i32
        %shift_left3A_1544 = vector.broadcast %shift_left3A_1543 : i32 to vector<16xi32>
        %shift_left3A_1545 = arith.shli %xor3A_1541, %shift_left3A_1544 : vector<16xi32>
        %shift_right_logical3A_1546 = arith.constant 26 : i32
        %shift_right_logical3A_1547 = vector.broadcast %shift_right_logical3A_1546 : i32 to vector<16xi32>
        %shift_right_logical3A_1548 = arith.shrui %xor3A_1541, %shift_right_logical3A_1547 : vector<16xi32>
        %or3A_1549 = arith.ori %shift_left3A_1545, %shift_right_logical3A_1548 : vector<16xi32>
        %xor3A_1550 = arith.xori %or3A_1549, %add3A_1542 : vector<16xi32>
        %add3A_1551 = arith.addi %add3A_1542, %gather3A_1391 : vector<16xi32>
        %add3A_1552 = arith.addi %xor3A_1550, %gather3A_1401 : vector<16xi32>
        %add3A_1553 = arith.constant 3 : i32
        %add3A_1554 = vector.broadcast %add3A_1553 : i32 to vector<16xi32>
        %add3A_1555 = arith.addi %add3A_1552, %add3A_1554 : vector<16xi32>
        %add3A_1556 = arith.addi %add3A_1551, %add3A_1555 : vector<16xi32>
        %shift_left3A_1557 = arith.constant 17 : i32
        %shift_left3A_1558 = vector.broadcast %shift_left3A_1557 : i32 to vector<16xi32>
        %shift_left3A_1559 = arith.shli %add3A_1555, %shift_left3A_1558 : vector<16xi32>
        %shift_right_logical3A_1560 = arith.constant 15 : i32
        %shift_right_logical3A_1561 = vector.broadcast %shift_right_logical3A_1560 : i32 to vector<16xi32>
        %shift_right_logical3A_1562 = arith.shrui %add3A_1555, %shift_right_logical3A_1561 : vector<16xi32>
        %or3A_1563 = arith.ori %shift_left3A_1559, %shift_right_logical3A_1562 : vector<16xi32>
        %xor3A_1564 = arith.xori %or3A_1563, %add3A_1556 : vector<16xi32>
        %add3A_1565 = arith.addi %add3A_1556, %xor3A_1564 : vector<16xi32>
        %shift_left3A_1566 = arith.constant 29 : i32
        %shift_left3A_1567 = vector.broadcast %shift_left3A_1566 : i32 to vector<16xi32>
        %shift_left3A_1568 = arith.shli %xor3A_1564, %shift_left3A_1567 : vector<16xi32>
        %shift_right_logical3A_1569 = arith.constant 3 : i32
        %shift_right_logical3A_1570 = vector.broadcast %shift_right_logical3A_1569 : i32 to vector<16xi32>
        %shift_right_logical3A_1571 = arith.shrui %xor3A_1564, %shift_right_logical3A_1570 : vector<16xi32>
        %or3A_1572 = arith.ori %shift_left3A_1568, %shift_right_logical3A_1571 : vector<16xi32>
        %xor3A_1573 = arith.xori %or3A_1572, %add3A_1565 : vector<16xi32>
        %add3A_1574 = arith.addi %add3A_1565, %xor3A_1573 : vector<16xi32>
        %shift_left3A_1575 = arith.constant 16 : i32
        %shift_left3A_1576 = vector.broadcast %shift_left3A_1575 : i32 to vector<16xi32>
        %shift_left3A_1577 = arith.shli %xor3A_1573, %shift_left3A_1576 : vector<16xi32>
        %shift_right_logical3A_1578 = arith.constant 16 : i32
        %shift_right_logical3A_1579 = vector.broadcast %shift_right_logical3A_1578 : i32 to vector<16xi32>
        %shift_right_logical3A_1580 = arith.shrui %xor3A_1573, %shift_right_logical3A_1579 : vector<16xi32>
        %or3A_1581 = arith.ori %shift_left3A_1577, %shift_right_logical3A_1580 : vector<16xi32>
        %xor3A_1582 = arith.xori %or3A_1581, %add3A_1574 : vector<16xi32>
        %add3A_1583 = arith.addi %add3A_1574, %xor3A_1582 : vector<16xi32>
        %shift_left3A_1584 = arith.constant 24 : i32
        %shift_left3A_1585 = vector.broadcast %shift_left3A_1584 : i32 to vector<16xi32>
        %shift_left3A_1586 = arith.shli %xor3A_1582, %shift_left3A_1585 : vector<16xi32>
        %shift_right_logical3A_1587 = arith.constant 8 : i32
        %shift_right_logical3A_1588 = vector.broadcast %shift_right_logical3A_1587 : i32 to vector<16xi32>
        %shift_right_logical3A_1589 = arith.shrui %xor3A_1582, %shift_right_logical3A_1588 : vector<16xi32>
        %or3A_1590 = arith.ori %shift_left3A_1586, %shift_right_logical3A_1589 : vector<16xi32>
        %xor3A_1591 = arith.xori %or3A_1590, %add3A_1583 : vector<16xi32>
        %add3A_1592 = arith.addi %add3A_1583, %gather3A_1401 : vector<16xi32>
        %add3A_1593 = arith.addi %xor3A_1591, %xor3A_1432 : vector<16xi32>
        %add3A_1594 = arith.constant 4 : i32
        %add3A_1595 = vector.broadcast %add3A_1594 : i32 to vector<16xi32>
        %add3A_1596 = arith.addi %add3A_1593, %add3A_1595 : vector<16xi32>
        %add3A_1597 = arith.addi %add3A_1592, %add3A_1596 : vector<16xi32>
        %shift_left3A_1598 = arith.constant 13 : i32
        %shift_left3A_1599 = vector.broadcast %shift_left3A_1598 : i32 to vector<16xi32>
        %shift_left3A_1600 = arith.shli %add3A_1596, %shift_left3A_1599 : vector<16xi32>
        %shift_right_logical3A_1601 = arith.constant 19 : i32
        %shift_right_logical3A_1602 = vector.broadcast %shift_right_logical3A_1601 : i32 to vector<16xi32>
        %shift_right_logical3A_1603 = arith.shrui %add3A_1596, %shift_right_logical3A_1602 : vector<16xi32>
        %or3A_1604 = arith.ori %shift_left3A_1600, %shift_right_logical3A_1603 : vector<16xi32>
        %xor3A_1605 = arith.xori %or3A_1604, %add3A_1597 : vector<16xi32>
        %add3A_1606 = arith.addi %add3A_1597, %xor3A_1605 : vector<16xi32>
        %shift_left3A_1607 = arith.constant 15 : i32
        %shift_left3A_1608 = vector.broadcast %shift_left3A_1607 : i32 to vector<16xi32>
        %shift_left3A_1609 = arith.shli %xor3A_1605, %shift_left3A_1608 : vector<16xi32>
        %shift_right_logical3A_1610 = arith.constant 17 : i32
        %shift_right_logical3A_1611 = vector.broadcast %shift_right_logical3A_1610 : i32 to vector<16xi32>
        %shift_right_logical3A_1612 = arith.shrui %xor3A_1605, %shift_right_logical3A_1611 : vector<16xi32>
        %or3A_1613 = arith.ori %shift_left3A_1609, %shift_right_logical3A_1612 : vector<16xi32>
        %xor3A_1614 = arith.xori %or3A_1613, %add3A_1606 : vector<16xi32>
        %add3A_1615 = arith.addi %add3A_1606, %xor3A_1614 : vector<16xi32>
        %shift_left3A_1616 = arith.constant 26 : i32
        %shift_left3A_1617 = vector.broadcast %shift_left3A_1616 : i32 to vector<16xi32>
        %shift_left3A_1618 = arith.shli %xor3A_1614, %shift_left3A_1617 : vector<16xi32>
        %shift_right_logical3A_1619 = arith.constant 6 : i32
        %shift_right_logical3A_1620 = vector.broadcast %shift_right_logical3A_1619 : i32 to vector<16xi32>
        %shift_right_logical3A_1621 = arith.shrui %xor3A_1614, %shift_right_logical3A_1620 : vector<16xi32>
        %or3A_1622 = arith.ori %shift_left3A_1618, %shift_right_logical3A_1621 : vector<16xi32>
        %xor3A_1623 = arith.xori %or3A_1622, %add3A_1615 : vector<16xi32>
        %add3A_1624 = arith.addi %add3A_1615, %xor3A_1623 : vector<16xi32>
        %shift_left3A_1625 = arith.constant 6 : i32
        %shift_left3A_1626 = vector.broadcast %shift_left3A_1625 : i32 to vector<16xi32>
        %shift_left3A_1627 = arith.shli %xor3A_1623, %shift_left3A_1626 : vector<16xi32>
        %shift_right_logical3A_1628 = arith.constant 26 : i32
        %shift_right_logical3A_1629 = vector.broadcast %shift_right_logical3A_1628 : i32 to vector<16xi32>
        %shift_right_logical3A_1630 = arith.shrui %xor3A_1623, %shift_right_logical3A_1629 : vector<16xi32>
        %or3A_1631 = arith.ori %shift_left3A_1627, %shift_right_logical3A_1630 : vector<16xi32>
        %xor3A_1632 = arith.xori %or3A_1631, %add3A_1624 : vector<16xi32>
        %add3A_1633 = arith.addi %add3A_1624, %xor3A_1432 : vector<16xi32>
        %add3A_1634 = arith.addi %xor3A_1632, %gather3A_1391 : vector<16xi32>
        %add3A_1635 = arith.constant 5 : i32
        %add3A_1636 = vector.broadcast %add3A_1635 : i32 to vector<16xi32>
        %add3A_1637 = arith.addi %add3A_1634, %add3A_1636 : vector<16xi32>
        %xor3A_1638 = arith.xori %add3A_1633, %add3A_1637 : vector<16xi32>
        %shift_right_logical3A_1639 = arith.constant 9 : i32
        %shift_right_logical3A_1640 = vector.broadcast %shift_right_logical3A_1639 : i32 to vector<16xi32>
        %shift_right_logical3A_1641 = arith.shrui %xor3A_1638, %shift_right_logical3A_1640 : vector<16xi32>
        %or3A_1642 = arith.constant 1065353216 : i32
        %or3A_1643 = vector.broadcast %or3A_1642 : i32 to vector<16xi32>
        %or3A_1644 = arith.ori %shift_right_logical3A_1641, %or3A_1643 : vector<16xi32>
        %bitcast_convert_type3A_1645 = tpu.bitcast %or3A_1644 : vector<16xi32> -> vector<16xf32>
        %sub3A_1646 = arith.constant 1.000000e+00 : f32
        %sub3A_1647 = vector.broadcast %sub3A_1646 : f32 to vector<16xf32>
        %sub3A_1648 = arith.subf %bitcast_convert_type3A_1645, %sub3A_1647 : vector<16xf32>
        %mul3A_1649 = arith.constant 2.000000e+00 : f32
        %mul3A_1650 = vector.broadcast %mul3A_1649 : f32 to vector<16xf32>
        %mul3A_1651 = arith.mulf %sub3A_1648, %mul3A_1650 : vector<16xf32>
        %add3A_1652 = arith.constant -0.99999994 : f32
        %add3A_1653 = vector.broadcast %add3A_1652 : f32 to vector<16xf32>
        %add3A_1654 = arith.addf %mul3A_1651, %add3A_1653 : vector<16xf32>
        %max3A_1655 = arith.constant -0.99999994 : f32
        %max3A_1656 = vector.broadcast %max3A_1655 : f32 to vector<16xf32>
        %max3A_1657 = arith.maximumf %max3A_1656, %add3A_1654 : vector<16xf32>
        %mul3A_1658 = arith.mulf %max3A_1657, %max3A_1657 : vector<16xf32>
        %sub3A_1659 = arith.constant 1.000000e+00 : f32
        %sub3A_1660 = vector.broadcast %sub3A_1659 : f32 to vector<16xf32>
        %sub3A_1661 = arith.subf %sub3A_1660, %mul3A_1658 : vector<16xf32>
        %bitcast_convert_type3A_1662 = tpu.bitcast %sub3A_1661 : vector<16xf32> -> vector<16xi32>
        %shift_right_logical3A_1663 = arith.constant 23 : i32
        %shift_right_logical3A_1664 = vector.broadcast %shift_right_logical3A_1663 : i32 to vector<16xi32>
        %shift_right_logical3A_1665 = arith.shrui %bitcast_convert_type3A_1662, %shift_right_logical3A_1664 : vector<16xi32>
        %sub3A_1666 = arith.constant 127 : i32
        %sub3A_1667 = vector.broadcast %sub3A_1666 : i32 to vector<16xi32>
        %sub3A_1668 = arith.subi %shift_right_logical3A_1665, %sub3A_1667 : vector<16xi32>
        %and3A_1669 = arith.constant 8388607 : i32
        %and3A_1670 = vector.broadcast %and3A_1669 : i32 to vector<16xi32>
        %and3A_1671 = arith.andi %bitcast_convert_type3A_1662, %and3A_1670 : vector<16xi32>
        %or3A_1672 = arith.constant 1065353216 : i32
        %or3A_1673 = vector.broadcast %or3A_1672 : i32 to vector<16xi32>
        %or3A_1674 = arith.ori %and3A_1671, %or3A_1673 : vector<16xi32>
        %bitcast_convert_type3A_1675 = tpu.bitcast %or3A_1674 : vector<16xi32> -> vector<16xf32>
        %broadcast_in_dim3A_1676 = arith.constant -0.0248256065 : f32
        %broadcast_in_dim3A_1677 = vector.broadcast %broadcast_in_dim3A_1676 : f32 to vector<16xf32>
        %mul3A_1678 = arith.mulf %broadcast_in_dim3A_1677, %bitcast_convert_type3A_1675 : vector<16xf32>
        %add3A_1679 = arith.constant 0.266858816 : f32
        %add3A_1680 = vector.broadcast %add3A_1679 : f32 to vector<16xf32>
        %add3A_1681 = arith.addf %mul3A_1678, %add3A_1680 : vector<16xf32>
        %mul3A_1682 = arith.mulf %add3A_1681, %bitcast_convert_type3A_1675 : vector<16xf32>
        %add3A_1683 = arith.constant -1.23426318 : f32
        %add3A_1684 = vector.broadcast %add3A_1683 : f32 to vector<16xf32>
        %add3A_1685 = arith.addf %mul3A_1682, %add3A_1684 : vector<16xf32>
        %mul3A_1686 = arith.mulf %add3A_1685, %bitcast_convert_type3A_1675 : vector<16xf32>
        %add3A_1687 = arith.constant 3.21883273 : f32
        %add3A_1688 = vector.broadcast %add3A_1687 : f32 to vector<16xf32>
        %add3A_1689 = arith.addf %mul3A_1686, %add3A_1688 : vector<16xf32>
        %mul3A_1690 = arith.mulf %add3A_1689, %bitcast_convert_type3A_1675 : vector<16xf32>
        %add3A_1691 = arith.constant -5.26411057 : f32
        %add3A_1692 = vector.broadcast %add3A_1691 : f32 to vector<16xf32>
        %add3A_1693 = arith.addf %mul3A_1690, %add3A_1692 : vector<16xf32>
        %mul3A_1694 = arith.mulf %add3A_1693, %bitcast_convert_type3A_1675 : vector<16xf32>
        %add3A_1695 = arith.constant 6.065830e+00 : f32
        %add3A_1696 = vector.broadcast %add3A_1695 : f32 to vector<16xf32>
        %add3A_1697 = arith.addf %mul3A_1694, %add3A_1696 : vector<16xf32>
        %mul3A_1698 = arith.mulf %add3A_1697, %bitcast_convert_type3A_1675 : vector<16xf32>
        %add3A_1699 = arith.constant -3.02831745 : f32
        %add3A_1700 = vector.broadcast %add3A_1699 : f32 to vector<16xf32>
        %add3A_1701 = arith.addf %mul3A_1698, %add3A_1700 : vector<16xf32>
        %convert_element_type3A_1702 = arith.sitofp %sub3A_1668 : vector<16xi32> to vector<16xf32>
        %add3A_1703 = arith.addf %convert_element_type3A_1702, %add3A_1701 : vector<16xf32>
        %mul3A_1704 = arith.constant -0.693147182 : f32
        %mul3A_1705 = vector.broadcast %mul3A_1704 : f32 to vector<16xf32>
        %mul3A_1706 = arith.mulf %mul3A_1705, %add3A_1703 : vector<16xf32>
        %sub3A_1707 = arith.constant 2.500000e+00 : f32
        %sub3A_1708 = vector.broadcast %sub3A_1707 : f32 to vector<16xf32>
        %sub3A_1709 = arith.subf %mul3A_1706, %sub3A_1708 : vector<16xf32>
        %broadcast_in_dim3A_1710 = arith.constant 2.81022636E-8 : f32
        %broadcast_in_dim3A_1711 = vector.broadcast %broadcast_in_dim3A_1710 : f32 to vector<16xf32>
        %mul3A_1712 = arith.mulf %broadcast_in_dim3A_1711, %sub3A_1709 : vector<16xf32>
        %add3A_1713 = arith.constant 3.43273939E-7 : f32
        %add3A_1714 = vector.broadcast %add3A_1713 : f32 to vector<16xf32>
        %add3A_1715 = arith.addf %mul3A_1712, %add3A_1714 : vector<16xf32>
        %mul3A_1716 = arith.mulf %add3A_1715, %sub3A_1709 : vector<16xf32>
        %add3A_1717 = arith.constant -3.5233877E-6 : f32
        %add3A_1718 = vector.broadcast %add3A_1717 : f32 to vector<16xf32>
        %add3A_1719 = arith.addf %mul3A_1716, %add3A_1718 : vector<16xf32>
        %mul3A_1720 = arith.mulf %add3A_1719, %sub3A_1709 : vector<16xf32>
        %add3A_1721 = arith.constant -4.39150654E-6 : f32
        %add3A_1722 = vector.broadcast %add3A_1721 : f32 to vector<16xf32>
        %add3A_1723 = arith.addf %mul3A_1720, %add3A_1722 : vector<16xf32>
        %mul3A_1724 = arith.mulf %add3A_1723, %sub3A_1709 : vector<16xf32>
        %add3A_1725 = arith.constant 2.1858087E-4 : f32
        %add3A_1726 = vector.broadcast %add3A_1725 : f32 to vector<16xf32>
        %add3A_1727 = arith.addf %mul3A_1724, %add3A_1726 : vector<16xf32>
        %mul3A_1728 = arith.mulf %add3A_1727, %sub3A_1709 : vector<16xf32>
        %add3A_1729 = arith.constant -0.00125372503 : f32
        %add3A_1730 = vector.broadcast %add3A_1729 : f32 to vector<16xf32>
        %add3A_1731 = arith.addf %mul3A_1728, %add3A_1730 : vector<16xf32>
        %mul3A_1732 = arith.mulf %add3A_1731, %sub3A_1709 : vector<16xf32>
        %add3A_1733 = arith.constant -0.00417768164 : f32
        %add3A_1734 = vector.broadcast %add3A_1733 : f32 to vector<16xf32>
        %add3A_1735 = arith.addf %mul3A_1732, %add3A_1734 : vector<16xf32>
        %mul3A_1736 = arith.mulf %add3A_1735, %sub3A_1709 : vector<16xf32>
        %add3A_1737 = arith.constant 0.246640727 : f32
        %add3A_1738 = vector.broadcast %add3A_1737 : f32 to vector<16xf32>
        %add3A_1739 = arith.addf %mul3A_1736, %add3A_1738 : vector<16xf32>
        %mul3A_1740 = arith.mulf %add3A_1739, %sub3A_1709 : vector<16xf32>
        %add3A_1741 = arith.constant 1.50140941 : f32
        %add3A_1742 = vector.broadcast %add3A_1741 : f32 to vector<16xf32>
        %add3A_1743 = arith.addf %mul3A_1740, %add3A_1742 : vector<16xf32>
        %max3A_1744 = arith.constant 0.000000e+00 : f32
        %max3A_1745 = vector.broadcast %max3A_1744 : f32 to vector<16xf32>
        %max3A_1746 = arith.maximumf %mul3A_1706, %max3A_1745 : vector<16xf32>
        %bitcast_convert_type3A_1747 = tpu.bitcast %max3A_1746 : vector<16xf32> -> vector<16xi32>
        %shift_right_logical3A_1748 = arith.constant 1 : i32
        %shift_right_logical3A_1749 = vector.broadcast %shift_right_logical3A_1748 : i32 to vector<16xi32>
        %shift_right_logical3A_1750 = arith.shrui %bitcast_convert_type3A_1747, %shift_right_logical3A_1749 : vector<16xi32>
        %sub3A_1751 = arith.constant 1597463007 : i32
        %sub3A_1752 = vector.broadcast %sub3A_1751 : i32 to vector<16xi32>
        %sub3A_1753 = arith.subi %sub3A_1752, %shift_right_logical3A_1750 : vector<16xi32>
        %bitcast_convert_type3A_1754 = tpu.bitcast %sub3A_1753 : vector<16xi32> -> vector<16xf32>
        %mul3A_1755 = arith.constant 5.000000e-01 : f32
        %mul3A_1756 = vector.broadcast %mul3A_1755 : f32 to vector<16xf32>
        %mul3A_1757 = arith.mulf %mul3A_1756, %max3A_1746 : vector<16xf32>
        %mul3A_1758 = arith.mulf %mul3A_1757, %bitcast_convert_type3A_1754 : vector<16xf32>
        %mul3A_1759 = arith.mulf %mul3A_1758, %bitcast_convert_type3A_1754 : vector<16xf32>
        %sub3A_1760 = arith.constant 1.500000e+00 : f32
        %sub3A_1761 = vector.broadcast %sub3A_1760 : f32 to vector<16xf32>
        %sub3A_1762 = arith.subf %sub3A_1761, %mul3A_1759 : vector<16xf32>
        %mul3A_1763 = arith.mulf %bitcast_convert_type3A_1754, %sub3A_1762 : vector<16xf32>
        %mul3A_1764 = arith.mulf %mul3A_1757, %mul3A_1763 : vector<16xf32>
        %mul3A_1765 = arith.mulf %mul3A_1764, %mul3A_1763 : vector<16xf32>
        %sub3A_1766 = arith.constant 1.500000e+00 : f32
        %sub3A_1767 = vector.broadcast %sub3A_1766 : f32 to vector<16xf32>
        %sub3A_1768 = arith.subf %sub3A_1767, %mul3A_1765 : vector<16xf32>
        %mul3A_1769 = arith.mulf %mul3A_1763, %sub3A_1768 : vector<16xf32>
        %mul3A_1770 = arith.mulf %mul3A_1757, %mul3A_1769 : vector<16xf32>
        %mul3A_1771 = arith.mulf %mul3A_1770, %mul3A_1769 : vector<16xf32>
        %sub3A_1772 = arith.constant 1.500000e+00 : f32
        %sub3A_1773 = vector.broadcast %sub3A_1772 : f32 to vector<16xf32>
        %sub3A_1774 = arith.subf %sub3A_1773, %mul3A_1771 : vector<16xf32>
        %mul3A_1775 = arith.mulf %mul3A_1769, %sub3A_1774 : vector<16xf32>
        %mul3A_1776 = arith.mulf %max3A_1746, %mul3A_1775 : vector<16xf32>
        %sub3A_1777 = arith.constant 3.000000e+00 : f32
        %sub3A_1778 = vector.broadcast %sub3A_1777 : f32 to vector<16xf32>
        %sub3A_1779 = arith.subf %mul3A_1776, %sub3A_1778 : vector<16xf32>
        %broadcast_in_dim3A_1780 = arith.constant -2.00214257E-4 : f32
        %broadcast_in_dim3A_1781 = vector.broadcast %broadcast_in_dim3A_1780 : f32 to vector<16xf32>
        %mul3A_1782 = arith.mulf %broadcast_in_dim3A_1781, %sub3A_1779 : vector<16xf32>
        %add3A_1783 = arith.constant 1.00950558E-4 : f32
        %add3A_1784 = vector.broadcast %add3A_1783 : f32 to vector<16xf32>
        %add3A_1785 = arith.addf %mul3A_1782, %add3A_1784 : vector<16xf32>
        %mul3A_1786 = arith.mulf %add3A_1785, %sub3A_1779 : vector<16xf32>
        %add3A_1787 = arith.constant 0.00134934322 : f32
        %add3A_1788 = vector.broadcast %add3A_1787 : f32 to vector<16xf32>
        %add3A_1789 = arith.addf %mul3A_1786, %add3A_1788 : vector<16xf32>
        %mul3A_1790 = arith.mulf %add3A_1789, %sub3A_1779 : vector<16xf32>
        %add3A_1791 = arith.constant -0.00367342844 : f32
        %add3A_1792 = vector.broadcast %add3A_1791 : f32 to vector<16xf32>
        %add3A_1793 = arith.addf %mul3A_1790, %add3A_1792 : vector<16xf32>
        %mul3A_1794 = arith.mulf %add3A_1793, %sub3A_1779 : vector<16xf32>
        %add3A_1795 = arith.constant 0.00573950773 : f32
        %add3A_1796 = vector.broadcast %add3A_1795 : f32 to vector<16xf32>
        %add3A_1797 = arith.addf %mul3A_1794, %add3A_1796 : vector<16xf32>
        %mul3A_1798 = arith.mulf %add3A_1797, %sub3A_1779 : vector<16xf32>
        %add3A_1799 = arith.constant -0.0076224613 : f32
        %add3A_1800 = vector.broadcast %add3A_1799 : f32 to vector<16xf32>
        %add3A_1801 = arith.addf %mul3A_1798, %add3A_1800 : vector<16xf32>
        %mul3A_1802 = arith.mulf %add3A_1801, %sub3A_1779 : vector<16xf32>
        %add3A_1803 = arith.constant 0.00943887047 : f32
        %add3A_1804 = vector.broadcast %add3A_1803 : f32 to vector<16xf32>
        %add3A_1805 = arith.addf %mul3A_1802, %add3A_1804 : vector<16xf32>
        %mul3A_1806 = arith.mulf %add3A_1805, %sub3A_1779 : vector<16xf32>
        %add3A_1807 = arith.constant 1.00167406 : f32
        %add3A_1808 = vector.broadcast %add3A_1807 : f32 to vector<16xf32>
        %add3A_1809 = arith.addf %mul3A_1806, %add3A_1808 : vector<16xf32>
        %mul3A_1810 = arith.mulf %add3A_1809, %sub3A_1779 : vector<16xf32>
        %add3A_1811 = arith.constant 2.83297682 : f32
        %add3A_1812 = vector.broadcast %add3A_1811 : f32 to vector<16xf32>
        %add3A_1813 = arith.addf %mul3A_1810, %add3A_1812 : vector<16xf32>
        %lt3A_1814 = arith.constant 5.000000e+00 : f32
        %lt3A_1815 = vector.broadcast %lt3A_1814 : f32 to vector<16xf32>
        %lt3A_1816 = arith.cmpf olt, %mul3A_1706, %lt3A_1815 : vector<16xf32>
        %select_n3A_1817 = arith.select %lt3A_1816, %add3A_1743, %add3A_1813 : vector<16xi1>, vector<16xf32>
        %mul3A_1818 = arith.mulf %select_n3A_1817, %max3A_1657 : vector<16xf32>
        %mul3A_1819 = arith.mulf %gather3A_1421, %mul3A_1818 : vector<16xf32>
        %add3A_1820 = arith.addf %gather3A_1411, %mul3A_1819 : vector<16xf32>
        %swap3A_1821 = arith.index_cast %mul3A_1378 : i32 to index
        %swap3A_1822 = tpu.vector_load %arg9[%swap3A_1821] {strides = array<i32>} : memref<2048xf32, #tpu.memory_space<vmem>>, vector<16xf32>,
        %swap3A_1823 = vector.shape_cast %swap3A_1822 : vector<16xf32> to vector<16xf32>
        %swap3A_1824 = vector.shape_cast %add3A_1820 : vector<16xf32> to vector<16xf32>
        tpu.vector_store %arg9[%swap3A_1821], %swap3A_1824 {strides = array<i32>} : memref<2048xf32, #tpu.memory_space<vmem>>, vector<16xf32>,
      }
      %scan3A_30 = arith.constant 32 : i32
      "tpu.region"() ({
        %run_scoped3A = tpu.sem_alloc : memref<!tpu.dma_semaphore, #tpu.memory_space<semaphore_mem>>
        %dma_start3A = tpu.memref_slice %arg7[%add3A_22] : memref<1048576xf32, #tpu.memory_space<hbm>> -> memref<2048xf32, #tpu.memory_space<hbm>>
        %dma_start3A_31 = tpu.memref_slice %arg7[%add3A_22] : memref<1048576xf32, #tpu.memory_space<hbm>> -> memref<2048xf32, #tpu.memory_space<hbm>>
        tpu.enqueue_dma source(%arg9 : memref<2048xf32, #tpu.memory_space<vmem>>) target(%dma_start3A_31 : memref<2048xf32, #tpu.memory_space<hbm>>) target_semaphore(%run_scoped3A : memref<!tpu.dma_semaphore, #tpu.memory_space<semaphore_mem>>)
        %dma_wait3A = tpu.memref_slice %arg7[%add3A_22] : memref<1048576xf32, #tpu.memory_space<hbm>> -> memref<2048xf32, #tpu.memory_space<hbm>>
        %dma_wait3A_32 = tpu.memref_slice %arg7[%add3A_22] : memref<1048576xf32, #tpu.memory_space<hbm>> -> memref<2048xf32, #tpu.memory_space<hbm>>
        tpu.wait_dma2 semaphore(%run_scoped3A : memref<!tpu.dma_semaphore, #tpu.memory_space<semaphore_mem>>) src(%arg9 : memref<2048xf32, #tpu.memory_space<vmem>>) dst(%dma_wait3A_32 : memref<2048xf32, #tpu.memory_space<hbm>>)
        tpu.yield
      }) : () -> ()
    }
    %scan3A_18 = arith.constant 16 : i32
    return
  }
}

module attributes {stable_mosaic.version = 14 : i64} {
  func.func @_presence_body(%arg0: i32, %arg1: memref<11x10xf32, #tpu.memory_space<smem>>, %arg2: memref<11x10xf32, #tpu.memory_space<smem>>, %arg3: memref<10xi32, #tpu.memory_space<smem>>, %arg4: memref<10xi32, #tpu.memory_space<smem>>, %arg5: memref<128x8192xi32, #tpu.memory_space<vmem>>, %arg6: memref<8x128xi32, #tpu.memory_space<vmem>>, %arg7: memref<16xi32, #tpu.memory_space<smem>>, %arg8: memref<16xi32, #tpu.memory_space<smem>>, %arg9: memref<16xf32, #tpu.memory_space<smem>>, %arg10: memref<16xf32, #tpu.memory_space<smem>>) attributes {dimension_semantics = [#tpu.dimension_semantics<arbitrary>], iteration_bounds = array<i64: 4>, scalar_prefetch = 0 : i64, scratch_operands = 0 : i64, tpu.core_type = #tpu.core_type<tc>, window_params = [{transform_indices = @transform_0, window_bounds = array<i64: 11, 10>}, {transform_indices = @transform_1, window_bounds = array<i64: 11, 10>}, {transform_indices = @transform_2, window_bounds = array<i64: 10>}, {transform_indices = @transform_3, window_bounds = array<i64: 10>}, {transform_indices = @transform_4, window_bounds = array<i64: 128, 8192>}, {pipeline_mode = #tpu.pipeline_mode<synchronous>, transform_indices = @transform_5, window_bounds = array<i64: 8, 128>}, {transform_indices = @transform_6, window_bounds = array<i64: 16>}, {transform_indices = @transform_7, window_bounds = array<i64: 16>}, {transform_indices = @transform_8, window_bounds = array<i64: 16>}, {transform_indices = @transform_9, window_bounds = array<i64: 16>}]} {
    %eq3A = arith.constant 0 : i32
    %eq3A_0 = arith.cmpi eq, %arg0, %eq3A : i32
    %convert_element_type3A = arith.extui %eq3A_0 : i1 to i32
    %cond3A = arith.constant 0 : i32
    %cond3A_1 = arith.cmpi ne, %convert_element_type3A, %cond3A : i32
    scf.if %cond3A_1 {
      %broadcast_in_dim3A = arith.constant 0 : i32
      %broadcast_in_dim3A_45 = vector.broadcast %broadcast_in_dim3A : i32 to vector<8x128xi32>
      %swap3A_46 = arith.constant 0 : index
      %swap3A_47 = arith.constant 0 : index
      %swap3A_48 = vector.load %arg6[%swap3A_46, %swap3A_47] : memref<8x128xi32, #tpu.memory_space<vmem>>, vector<8x128xi32>
      tpu.vector_store %arg6[%swap3A_46, %swap3A_47], %broadcast_in_dim3A_45 {strides = array<i32>} : memref<8x128xi32, #tpu.memory_space<vmem>>, vector<8x128xi32>,
    } else {
    }
    %get3A = arith.constant 0 : index
    %get3A_2 = arith.constant 0 : index
    %get3A_3 = vector.load %arg5[%get3A, %get3A_2] : memref<128x8192xi32, #tpu.memory_space<vmem>>, vector<128x8192xi32>
    %shift_left3A = arith.constant 1 : i32
    %shift_left3A_4 = vector.broadcast %shift_left3A : i32 to vector<128x8192xi32>
    %shift_left3A_5 = arith.shli %shift_left3A_4, %get3A_3 : vector<128x8192xi32>
    %slice3A = vector.extract_strided_slice %shift_left3A_5 {offsets = [0, 0], sizes = [64, 8192], strides = [1, 1]} : vector<128x8192xi32> to vector<64x8192xi32>
    %slice3A_6 = vector.extract_strided_slice %shift_left3A_5 {offsets = [64, 0], sizes = [64, 8192], strides = [1, 1]} : vector<128x8192xi32> to vector<64x8192xi32>
    %or3A = arith.ori %slice3A, %slice3A_6 : vector<64x8192xi32>
    %slice3A_7 = vector.extract_strided_slice %or3A {offsets = [0, 0], sizes = [32, 8192], strides = [1, 1]} : vector<64x8192xi32> to vector<32x8192xi32>
    %slice3A_8 = vector.extract_strided_slice %or3A {offsets = [32, 0], sizes = [32, 8192], strides = [1, 1]} : vector<64x8192xi32> to vector<32x8192xi32>
    %or3A_9 = arith.ori %slice3A_7, %slice3A_8 : vector<32x8192xi32>
    %slice3A_10 = vector.extract_strided_slice %or3A_9 {offsets = [0, 0], sizes = [16, 8192], strides = [1, 1]} : vector<32x8192xi32> to vector<16x8192xi32>
    %slice3A_11 = vector.extract_strided_slice %or3A_9 {offsets = [16, 0], sizes = [16, 8192], strides = [1, 1]} : vector<32x8192xi32> to vector<16x8192xi32>
    %or3A_12 = arith.ori %slice3A_10, %slice3A_11 : vector<16x8192xi32>
    %slice3A_13 = vector.extract_strided_slice %or3A_12 {offsets = [0, 0], sizes = [8, 8192], strides = [1, 1]} : vector<16x8192xi32> to vector<8x8192xi32>
    %slice3A_14 = vector.extract_strided_slice %or3A_12 {offsets = [8, 0], sizes = [8, 8192], strides = [1, 1]} : vector<16x8192xi32> to vector<8x8192xi32>
    %or3A_15 = arith.ori %slice3A_13, %slice3A_14 : vector<8x8192xi32>
    %slice3A_16 = vector.extract_strided_slice %or3A_15 {offsets = [0, 0], sizes = [8, 4096], strides = [1, 1]} : vector<8x8192xi32> to vector<8x4096xi32>
    %slice3A_17 = vector.extract_strided_slice %or3A_15 {offsets = [0, 4096], sizes = [8, 4096], strides = [1, 1]} : vector<8x8192xi32> to vector<8x4096xi32>
    %or3A_18 = arith.ori %slice3A_16, %slice3A_17 : vector<8x4096xi32>
    %slice3A_19 = vector.extract_strided_slice %or3A_18 {offsets = [0, 0], sizes = [8, 2048], strides = [1, 1]} : vector<8x4096xi32> to vector<8x2048xi32>
    %slice3A_20 = vector.extract_strided_slice %or3A_18 {offsets = [0, 2048], sizes = [8, 2048], strides = [1, 1]} : vector<8x4096xi32> to vector<8x2048xi32>
    %or3A_21 = arith.ori %slice3A_19, %slice3A_20 : vector<8x2048xi32>
    %slice3A_22 = vector.extract_strided_slice %or3A_21 {offsets = [0, 0], sizes = [8, 1024], strides = [1, 1]} : vector<8x2048xi32> to vector<8x1024xi32>
    %slice3A_23 = vector.extract_strided_slice %or3A_21 {offsets = [0, 1024], sizes = [8, 1024], strides = [1, 1]} : vector<8x2048xi32> to vector<8x1024xi32>
    %or3A_24 = arith.ori %slice3A_22, %slice3A_23 : vector<8x1024xi32>
    %slice3A_25 = vector.extract_strided_slice %or3A_24 {offsets = [0, 0], sizes = [8, 512], strides = [1, 1]} : vector<8x1024xi32> to vector<8x512xi32>
    %slice3A_26 = vector.extract_strided_slice %or3A_24 {offsets = [0, 512], sizes = [8, 512], strides = [1, 1]} : vector<8x1024xi32> to vector<8x512xi32>
    %or3A_27 = arith.ori %slice3A_25, %slice3A_26 : vector<8x512xi32>
    %slice3A_28 = vector.extract_strided_slice %or3A_27 {offsets = [0, 0], sizes = [8, 256], strides = [1, 1]} : vector<8x512xi32> to vector<8x256xi32>
    %slice3A_29 = vector.extract_strided_slice %or3A_27 {offsets = [0, 256], sizes = [8, 256], strides = [1, 1]} : vector<8x512xi32> to vector<8x256xi32>
    %or3A_30 = arith.ori %slice3A_28, %slice3A_29 : vector<8x256xi32>
    %slice3A_31 = vector.extract_strided_slice %or3A_30 {offsets = [0, 0], sizes = [8, 128], strides = [1, 1]} : vector<8x256xi32> to vector<8x128xi32>
    %slice3A_32 = vector.extract_strided_slice %or3A_30 {offsets = [0, 128], sizes = [8, 128], strides = [1, 1]} : vector<8x256xi32> to vector<8x128xi32>
    %or3A_33 = arith.ori %slice3A_31, %slice3A_32 : vector<8x128xi32>
    %get3A_34 = arith.constant 0 : index
    %get3A_35 = arith.constant 0 : index
    %get3A_36 = vector.load %arg6[%get3A_34, %get3A_35] : memref<8x128xi32, #tpu.memory_space<vmem>>, vector<8x128xi32>
    %or3A_37 = arith.ori %get3A_36, %or3A_33 : vector<8x128xi32>
    %swap3A = arith.constant 0 : index
    %swap3A_38 = arith.constant 0 : index
    %swap3A_39 = vector.load %arg6[%swap3A, %swap3A_38] : memref<8x128xi32, #tpu.memory_space<vmem>>, vector<8x128xi32>
    tpu.vector_store %arg6[%swap3A, %swap3A_38], %or3A_37 {strides = array<i32>} : memref<8x128xi32, #tpu.memory_space<vmem>>, vector<8x128xi32>,
    %eq3A_40 = arith.constant 3 : i32
    %eq3A_41 = arith.cmpi eq, %arg0, %eq3A_40 : i32
    %convert_element_type3A_42 = arith.extui %eq3A_41 : i1 to i32
    %cond3A_43 = arith.constant 0 : i32
    %cond3A_44 = arith.cmpi ne, %convert_element_type3A_42, %cond3A_43 : i32
    scf.if %cond3A_44 {
      %get3A_45 = arith.constant 0 : index
      %get3A_46 = arith.constant 0 : index
      %get3A_47 = vector.load %arg6[%get3A_45, %get3A_46] : memref<8x128xi32, #tpu.memory_space<vmem>>, vector<8x128xi32>
      %and3A = arith.constant 1 : i32
      %and3A_48 = vector.broadcast %and3A : i32 to vector<8x128xi32>
      %and3A_49 = arith.andi %get3A_47, %and3A_48 : vector<8x128xi32>
      %ne3A = arith.constant 0 : i32
      %ne3A_50 = vector.broadcast %ne3A : i32 to vector<8x128xi32>
      %ne3A_51 = arith.cmpi ne, %and3A_49, %ne3A_50 : vector<8x128xi32>
      %reduce_or3A = arith.constant 1.000000e+00 : f32
      %reduce_or3A_52 = arith.constant 0.000000e+00 : f32
      %reduce_or3A_53 = vector.broadcast %reduce_or3A : f32 to vector<8x128xf32>
      %reduce_or3A_54 = vector.broadcast %reduce_or3A_52 : f32 to vector<8x128xf32>
      %reduce_or3A_55 = arith.select %ne3A_51, %reduce_or3A_53, %reduce_or3A_54 : vector<8x128xi1>, vector<8x128xf32>
      %reduce_or3A_56 = vector.shape_cast %reduce_or3A_55 : vector<8x128xf32> to vector<1x8x128xf32>
      %reduce_or3A_57 = arith.constant dense<0xFF800000> : vector<1xf32>
      %reduce_or3A_58 = vector.multi_reduction <maximumf>, %reduce_or3A_56, %reduce_or3A_57 [1, 2] : vector<1x8x128xf32> to vector<1xf32>
      %reduce_or3A_59 = vector.shape_cast %reduce_or3A_58 : vector<1xf32> to vector<1x1x1xf32>
      %reduce_or3A_60 = vector.extract %reduce_or3A_59[0, 0, 0] : f32 from vector<1x1x1xf32>
      %reduce_or3A_61 = arith.constant 0.000000e+00 : f32
      %reduce_or3A_62 = arith.cmpf ogt, %reduce_or3A_60, %reduce_or3A_61 : f32
      %convert_element_type3A_63 = arith.extui %reduce_or3A_62 : i1 to i32
      %and3A_64 = arith.constant 2 : i32
      %and3A_65 = vector.broadcast %and3A_64 : i32 to vector<8x128xi32>
      %and3A_66 = arith.andi %get3A_47, %and3A_65 : vector<8x128xi32>
      %ne3A_67 = arith.constant 0 : i32
      %ne3A_68 = vector.broadcast %ne3A_67 : i32 to vector<8x128xi32>
      %ne3A_69 = arith.cmpi ne, %and3A_66, %ne3A_68 : vector<8x128xi32>
      %reduce_or3A_70 = arith.constant 1.000000e+00 : f32
      %reduce_or3A_71 = arith.constant 0.000000e+00 : f32
      %reduce_or3A_72 = vector.broadcast %reduce_or3A_70 : f32 to vector<8x128xf32>
      %reduce_or3A_73 = vector.broadcast %reduce_or3A_71 : f32 to vector<8x128xf32>
      %reduce_or3A_74 = arith.select %ne3A_69, %reduce_or3A_72, %reduce_or3A_73 : vector<8x128xi1>, vector<8x128xf32>
      %reduce_or3A_75 = vector.shape_cast %reduce_or3A_74 : vector<8x128xf32> to vector<1x8x128xf32>
      %reduce_or3A_76 = arith.constant dense<0xFF800000> : vector<1xf32>
      %reduce_or3A_77 = vector.multi_reduction <maximumf>, %reduce_or3A_75, %reduce_or3A_76 [1, 2] : vector<1x8x128xf32> to vector<1xf32>
      %reduce_or3A_78 = vector.shape_cast %reduce_or3A_77 : vector<1xf32> to vector<1x1x1xf32>
      %reduce_or3A_79 = vector.extract %reduce_or3A_78[0, 0, 0] : f32 from vector<1x1x1xf32>
      %reduce_or3A_80 = arith.constant 0.000000e+00 : f32
      %reduce_or3A_81 = arith.cmpf ogt, %reduce_or3A_79, %reduce_or3A_80 : f32
      %convert_element_type3A_82 = arith.extui %reduce_or3A_81 : i1 to i32
      %and3A_83 = arith.constant 4 : i32
      %and3A_84 = vector.broadcast %and3A_83 : i32 to vector<8x128xi32>
      %and3A_85 = arith.andi %get3A_47, %and3A_84 : vector<8x128xi32>
      %ne3A_86 = arith.constant 0 : i32
      %ne3A_87 = vector.broadcast %ne3A_86 : i32 to vector<8x128xi32>
      %ne3A_88 = arith.cmpi ne, %and3A_85, %ne3A_87 : vector<8x128xi32>
      %reduce_or3A_89 = arith.constant 1.000000e+00 : f32
      %reduce_or3A_90 = arith.constant 0.000000e+00 : f32
      %reduce_or3A_91 = vector.broadcast %reduce_or3A_89 : f32 to vector<8x128xf32>
      %reduce_or3A_92 = vector.broadcast %reduce_or3A_90 : f32 to vector<8x128xf32>
      %reduce_or3A_93 = arith.select %ne3A_88, %reduce_or3A_91, %reduce_or3A_92 : vector<8x128xi1>, vector<8x128xf32>
      %reduce_or3A_94 = vector.shape_cast %reduce_or3A_93 : vector<8x128xf32> to vector<1x8x128xf32>
      %reduce_or3A_95 = arith.constant dense<0xFF800000> : vector<1xf32>
      %reduce_or3A_96 = vector.multi_reduction <maximumf>, %reduce_or3A_94, %reduce_or3A_95 [1, 2] : vector<1x8x128xf32> to vector<1xf32>
      %reduce_or3A_97 = vector.shape_cast %reduce_or3A_96 : vector<1xf32> to vector<1x1x1xf32>
      %reduce_or3A_98 = vector.extract %reduce_or3A_97[0, 0, 0] : f32 from vector<1x1x1xf32>
      %reduce_or3A_99 = arith.constant 0.000000e+00 : f32
      %reduce_or3A_100 = arith.cmpf ogt, %reduce_or3A_98, %reduce_or3A_99 : f32
      %convert_element_type3A_101 = arith.extui %reduce_or3A_100 : i1 to i32
      %and3A_102 = arith.constant 8 : i32
      %and3A_103 = vector.broadcast %and3A_102 : i32 to vector<8x128xi32>
      %and3A_104 = arith.andi %get3A_47, %and3A_103 : vector<8x128xi32>
      %ne3A_105 = arith.constant 0 : i32
      %ne3A_106 = vector.broadcast %ne3A_105 : i32 to vector<8x128xi32>
      %ne3A_107 = arith.cmpi ne, %and3A_104, %ne3A_106 : vector<8x128xi32>
      %reduce_or3A_108 = arith.constant 1.000000e+00 : f32
      %reduce_or3A_109 = arith.constant 0.000000e+00 : f32
      %reduce_or3A_110 = vector.broadcast %reduce_or3A_108 : f32 to vector<8x128xf32>
      %reduce_or3A_111 = vector.broadcast %reduce_or3A_109 : f32 to vector<8x128xf32>
      %reduce_or3A_112 = arith.select %ne3A_107, %reduce_or3A_110, %reduce_or3A_111 : vector<8x128xi1>, vector<8x128xf32>
      %reduce_or3A_113 = vector.shape_cast %reduce_or3A_112 : vector<8x128xf32> to vector<1x8x128xf32>
      %reduce_or3A_114 = arith.constant dense<0xFF800000> : vector<1xf32>
      %reduce_or3A_115 = vector.multi_reduction <maximumf>, %reduce_or3A_113, %reduce_or3A_114 [1, 2] : vector<1x8x128xf32> to vector<1xf32>
      %reduce_or3A_116 = vector.shape_cast %reduce_or3A_115 : vector<1xf32> to vector<1x1x1xf32>
      %reduce_or3A_117 = vector.extract %reduce_or3A_116[0, 0, 0] : f32 from vector<1x1x1xf32>
      %reduce_or3A_118 = arith.constant 0.000000e+00 : f32
      %reduce_or3A_119 = arith.cmpf ogt, %reduce_or3A_117, %reduce_or3A_118 : f32
      %convert_element_type3A_120 = arith.extui %reduce_or3A_119 : i1 to i32
      %and3A_121 = arith.constant 16 : i32
      %and3A_122 = vector.broadcast %and3A_121 : i32 to vector<8x128xi32>
      %and3A_123 = arith.andi %get3A_47, %and3A_122 : vector<8x128xi32>
      %ne3A_124 = arith.constant 0 : i32
      %ne3A_125 = vector.broadcast %ne3A_124 : i32 to vector<8x128xi32>
      %ne3A_126 = arith.cmpi ne, %and3A_123, %ne3A_125 : vector<8x128xi32>
      %reduce_or3A_127 = arith.constant 1.000000e+00 : f32
      %reduce_or3A_128 = arith.constant 0.000000e+00 : f32
      %reduce_or3A_129 = vector.broadcast %reduce_or3A_127 : f32 to vector<8x128xf32>
      %reduce_or3A_130 = vector.broadcast %reduce_or3A_128 : f32 to vector<8x128xf32>
      %reduce_or3A_131 = arith.select %ne3A_126, %reduce_or3A_129, %reduce_or3A_130 : vector<8x128xi1>, vector<8x128xf32>
      %reduce_or3A_132 = vector.shape_cast %reduce_or3A_131 : vector<8x128xf32> to vector<1x8x128xf32>
      %reduce_or3A_133 = arith.constant dense<0xFF800000> : vector<1xf32>
      %reduce_or3A_134 = vector.multi_reduction <maximumf>, %reduce_or3A_132, %reduce_or3A_133 [1, 2] : vector<1x8x128xf32> to vector<1xf32>
      %reduce_or3A_135 = vector.shape_cast %reduce_or3A_134 : vector<1xf32> to vector<1x1x1xf32>
      %reduce_or3A_136 = vector.extract %reduce_or3A_135[0, 0, 0] : f32 from vector<1x1x1xf32>
      %reduce_or3A_137 = arith.constant 0.000000e+00 : f32
      %reduce_or3A_138 = arith.cmpf ogt, %reduce_or3A_136, %reduce_or3A_137 : f32
      %convert_element_type3A_139 = arith.extui %reduce_or3A_138 : i1 to i32
      %and3A_140 = arith.constant 32 : i32
      %and3A_141 = vector.broadcast %and3A_140 : i32 to vector<8x128xi32>
      %and3A_142 = arith.andi %get3A_47, %and3A_141 : vector<8x128xi32>
      %ne3A_143 = arith.constant 0 : i32
      %ne3A_144 = vector.broadcast %ne3A_143 : i32 to vector<8x128xi32>
      %ne3A_145 = arith.cmpi ne, %and3A_142, %ne3A_144 : vector<8x128xi32>
      %reduce_or3A_146 = arith.constant 1.000000e+00 : f32
      %reduce_or3A_147 = arith.constant 0.000000e+00 : f32
      %reduce_or3A_148 = vector.broadcast %reduce_or3A_146 : f32 to vector<8x128xf32>
      %reduce_or3A_149 = vector.broadcast %reduce_or3A_147 : f32 to vector<8x128xf32>
      %reduce_or3A_150 = arith.select %ne3A_145, %reduce_or3A_148, %reduce_or3A_149 : vector<8x128xi1>, vector<8x128xf32>
      %reduce_or3A_151 = vector.shape_cast %reduce_or3A_150 : vector<8x128xf32> to vector<1x8x128xf32>
      %reduce_or3A_152 = arith.constant dense<0xFF800000> : vector<1xf32>
      %reduce_or3A_153 = vector.multi_reduction <maximumf>, %reduce_or3A_151, %reduce_or3A_152 [1, 2] : vector<1x8x128xf32> to vector<1xf32>
      %reduce_or3A_154 = vector.shape_cast %reduce_or3A_153 : vector<1xf32> to vector<1x1x1xf32>
      %reduce_or3A_155 = vector.extract %reduce_or3A_154[0, 0, 0] : f32 from vector<1x1x1xf32>
      %reduce_or3A_156 = arith.constant 0.000000e+00 : f32
      %reduce_or3A_157 = arith.cmpf ogt, %reduce_or3A_155, %reduce_or3A_156 : f32
      %convert_element_type3A_158 = arith.extui %reduce_or3A_157 : i1 to i32
      %and3A_159 = arith.constant 64 : i32
      %and3A_160 = vector.broadcast %and3A_159 : i32 to vector<8x128xi32>
      %and3A_161 = arith.andi %get3A_47, %and3A_160 : vector<8x128xi32>
      %ne3A_162 = arith.constant 0 : i32
      %ne3A_163 = vector.broadcast %ne3A_162 : i32 to vector<8x128xi32>
      %ne3A_164 = arith.cmpi ne, %and3A_161, %ne3A_163 : vector<8x128xi32>
      %reduce_or3A_165 = arith.constant 1.000000e+00 : f32
      %reduce_or3A_166 = arith.constant 0.000000e+00 : f32
      %reduce_or3A_167 = vector.broadcast %reduce_or3A_165 : f32 to vector<8x128xf32>
      %reduce_or3A_168 = vector.broadcast %reduce_or3A_166 : f32 to vector<8x128xf32>
      %reduce_or3A_169 = arith.select %ne3A_164, %reduce_or3A_167, %reduce_or3A_168 : vector<8x128xi1>, vector<8x128xf32>
      %reduce_or3A_170 = vector.shape_cast %reduce_or3A_169 : vector<8x128xf32> to vector<1x8x128xf32>
      %reduce_or3A_171 = arith.constant dense<0xFF800000> : vector<1xf32>
      %reduce_or3A_172 = vector.multi_reduction <maximumf>, %reduce_or3A_170, %reduce_or3A_171 [1, 2] : vector<1x8x128xf32> to vector<1xf32>
      %reduce_or3A_173 = vector.shape_cast %reduce_or3A_172 : vector<1xf32> to vector<1x1x1xf32>
      %reduce_or3A_174 = vector.extract %reduce_or3A_173[0, 0, 0] : f32 from vector<1x1x1xf32>
      %reduce_or3A_175 = arith.constant 0.000000e+00 : f32
      %reduce_or3A_176 = arith.cmpf ogt, %reduce_or3A_174, %reduce_or3A_175 : f32
      %convert_element_type3A_177 = arith.extui %reduce_or3A_176 : i1 to i32
      %and3A_178 = arith.constant 128 : i32
      %and3A_179 = vector.broadcast %and3A_178 : i32 to vector<8x128xi32>
      %and3A_180 = arith.andi %get3A_47, %and3A_179 : vector<8x128xi32>
      %ne3A_181 = arith.constant 0 : i32
      %ne3A_182 = vector.broadcast %ne3A_181 : i32 to vector<8x128xi32>
      %ne3A_183 = arith.cmpi ne, %and3A_180, %ne3A_182 : vector<8x128xi32>
      %reduce_or3A_184 = arith.constant 1.000000e+00 : f32
      %reduce_or3A_185 = arith.constant 0.000000e+00 : f32
      %reduce_or3A_186 = vector.broadcast %reduce_or3A_184 : f32 to vector<8x128xf32>
      %reduce_or3A_187 = vector.broadcast %reduce_or3A_185 : f32 to vector<8x128xf32>
      %reduce_or3A_188 = arith.select %ne3A_183, %reduce_or3A_186, %reduce_or3A_187 : vector<8x128xi1>, vector<8x128xf32>
      %reduce_or3A_189 = vector.shape_cast %reduce_or3A_188 : vector<8x128xf32> to vector<1x8x128xf32>
      %reduce_or3A_190 = arith.constant dense<0xFF800000> : vector<1xf32>
      %reduce_or3A_191 = vector.multi_reduction <maximumf>, %reduce_or3A_189, %reduce_or3A_190 [1, 2] : vector<1x8x128xf32> to vector<1xf32>
      %reduce_or3A_192 = vector.shape_cast %reduce_or3A_191 : vector<1xf32> to vector<1x1x1xf32>
      %reduce_or3A_193 = vector.extract %reduce_or3A_192[0, 0, 0] : f32 from vector<1x1x1xf32>
      %reduce_or3A_194 = arith.constant 0.000000e+00 : f32
      %reduce_or3A_195 = arith.cmpf ogt, %reduce_or3A_193, %reduce_or3A_194 : f32
      %convert_element_type3A_196 = arith.extui %reduce_or3A_195 : i1 to i32
      %and3A_197 = arith.constant 256 : i32
      %and3A_198 = vector.broadcast %and3A_197 : i32 to vector<8x128xi32>
      %and3A_199 = arith.andi %get3A_47, %and3A_198 : vector<8x128xi32>
      %ne3A_200 = arith.constant 0 : i32
      %ne3A_201 = vector.broadcast %ne3A_200 : i32 to vector<8x128xi32>
      %ne3A_202 = arith.cmpi ne, %and3A_199, %ne3A_201 : vector<8x128xi32>
      %reduce_or3A_203 = arith.constant 1.000000e+00 : f32
      %reduce_or3A_204 = arith.constant 0.000000e+00 : f32
      %reduce_or3A_205 = vector.broadcast %reduce_or3A_203 : f32 to vector<8x128xf32>
      %reduce_or3A_206 = vector.broadcast %reduce_or3A_204 : f32 to vector<8x128xf32>
      %reduce_or3A_207 = arith.select %ne3A_202, %reduce_or3A_205, %reduce_or3A_206 : vector<8x128xi1>, vector<8x128xf32>
      %reduce_or3A_208 = vector.shape_cast %reduce_or3A_207 : vector<8x128xf32> to vector<1x8x128xf32>
      %reduce_or3A_209 = arith.constant dense<0xFF800000> : vector<1xf32>
      %reduce_or3A_210 = vector.multi_reduction <maximumf>, %reduce_or3A_208, %reduce_or3A_209 [1, 2] : vector<1x8x128xf32> to vector<1xf32>
      %reduce_or3A_211 = vector.shape_cast %reduce_or3A_210 : vector<1xf32> to vector<1x1x1xf32>
      %reduce_or3A_212 = vector.extract %reduce_or3A_211[0, 0, 0] : f32 from vector<1x1x1xf32>
      %reduce_or3A_213 = arith.constant 0.000000e+00 : f32
      %reduce_or3A_214 = arith.cmpf ogt, %reduce_or3A_212, %reduce_or3A_213 : f32
      %convert_element_type3A_215 = arith.extui %reduce_or3A_214 : i1 to i32
      %and3A_216 = arith.constant 512 : i32
      %and3A_217 = vector.broadcast %and3A_216 : i32 to vector<8x128xi32>
      %and3A_218 = arith.andi %get3A_47, %and3A_217 : vector<8x128xi32>
      %ne3A_219 = arith.constant 0 : i32
      %ne3A_220 = vector.broadcast %ne3A_219 : i32 to vector<8x128xi32>
      %ne3A_221 = arith.cmpi ne, %and3A_218, %ne3A_220 : vector<8x128xi32>
      %reduce_or3A_222 = arith.constant 1.000000e+00 : f32
      %reduce_or3A_223 = arith.constant 0.000000e+00 : f32
      %reduce_or3A_224 = vector.broadcast %reduce_or3A_222 : f32 to vector<8x128xf32>
      %reduce_or3A_225 = vector.broadcast %reduce_or3A_223 : f32 to vector<8x128xf32>
      %reduce_or3A_226 = arith.select %ne3A_221, %reduce_or3A_224, %reduce_or3A_225 : vector<8x128xi1>, vector<8x128xf32>
      %reduce_or3A_227 = vector.shape_cast %reduce_or3A_226 : vector<8x128xf32> to vector<1x8x128xf32>
      %reduce_or3A_228 = arith.constant dense<0xFF800000> : vector<1xf32>
      %reduce_or3A_229 = vector.multi_reduction <maximumf>, %reduce_or3A_227, %reduce_or3A_228 [1, 2] : vector<1x8x128xf32> to vector<1xf32>
      %reduce_or3A_230 = vector.shape_cast %reduce_or3A_229 : vector<1xf32> to vector<1x1x1xf32>
      %reduce_or3A_231 = vector.extract %reduce_or3A_230[0, 0, 0] : f32 from vector<1x1x1xf32>
      %reduce_or3A_232 = arith.constant 0.000000e+00 : f32
      %reduce_or3A_233 = arith.cmpf ogt, %reduce_or3A_231, %reduce_or3A_232 : f32
      %convert_element_type3A_234 = arith.extui %reduce_or3A_233 : i1 to i32
      %add3A = arith.addi %convert_element_type3A_63, %convert_element_type3A_82 : i32
      %add3A_235 = arith.addi %add3A, %convert_element_type3A_101 : i32
      %add3A_236 = arith.addi %add3A_235, %convert_element_type3A_120 : i32
      %add3A_237 = arith.addi %add3A_236, %convert_element_type3A_139 : i32
      %add3A_238 = arith.addi %add3A_237, %convert_element_type3A_158 : i32
      %add3A_239 = arith.addi %add3A_238, %convert_element_type3A_177 : i32
      %add3A_240 = arith.addi %add3A_239, %convert_element_type3A_196 : i32
      %add3A_241 = arith.addi %add3A_240, %convert_element_type3A_215 : i32
      %add3A_242 = arith.addi %add3A_241, %convert_element_type3A_234 : i32
      %add3A_243 = arith.constant -1 : i32
      %add3A_244 = arith.addi %add3A_243, %convert_element_type3A_63 : i32
      %max3A = arith.constant 0 : i32
      %max3A_245 = arith.maxsi %add3A_244, %max3A : i32
      %get3A_246 = arith.index_cast %max3A_245 : i32 to index
      %get3A_247 = memref.load %arg3[%get3A_246] : memref<10xi32, #tpu.memory_space<smem>>
      %swap3A_248 = arith.constant 0 : index
      %swap3A_249 = memref.load %arg7[%swap3A_248] : memref<16xi32, #tpu.memory_space<smem>>
      memref.store %get3A_247, %arg7[%swap3A_248] : memref<16xi32, #tpu.memory_space<smem>>
      %get3A_250 = arith.index_cast %max3A_245 : i32 to index
      %get3A_251 = memref.load %arg4[%get3A_250] : memref<10xi32, #tpu.memory_space<smem>>
      %swap3A_252 = arith.constant 0 : index
      %swap3A_253 = memref.load %arg8[%swap3A_252] : memref<16xi32, #tpu.memory_space<smem>>
      memref.store %get3A_251, %arg8[%swap3A_252] : memref<16xi32, #tpu.memory_space<smem>>
      %get3A_254 = arith.index_cast %add3A_242 : i32 to index
      %get3A_255 = arith.index_cast %max3A_245 : i32 to index
      %get3A_256 = memref.load %arg1[%get3A_254, %get3A_255] : memref<11x10xf32, #tpu.memory_space<smem>>
      %swap3A_257 = arith.constant 0 : index
      %swap3A_258 = memref.load %arg9[%swap3A_257] : memref<16xf32, #tpu.memory_space<smem>>
      memref.store %get3A_256, %arg9[%swap3A_257] : memref<16xf32, #tpu.memory_space<smem>>
      %get3A_259 = arith.index_cast %add3A_242 : i32 to index
      %get3A_260 = arith.index_cast %max3A_245 : i32 to index
      %get3A_261 = memref.load %arg2[%get3A_259, %get3A_260] : memref<11x10xf32, #tpu.memory_space<smem>>
      %mul3A = arith.constant 1.41421354 : f32
      %mul3A_262 = arith.mulf %get3A_261, %mul3A : f32
      %swap3A_263 = arith.constant 0 : index
      %swap3A_264 = memref.load %arg10[%swap3A_263] : memref<16xf32, #tpu.memory_space<smem>>
      memref.store %mul3A_262, %arg10[%swap3A_263] : memref<16xf32, #tpu.memory_space<smem>>
      %add3A_265 = arith.addi %add3A_244, %convert_element_type3A_82 : i32
      %max3A_266 = arith.constant 0 : i32
      %max3A_267 = arith.maxsi %add3A_265, %max3A_266 : i32
      %get3A_268 = arith.index_cast %max3A_267 : i32 to index
      %get3A_269 = memref.load %arg3[%get3A_268] : memref<10xi32, #tpu.memory_space<smem>>
      %swap3A_270 = arith.constant 1 : index
      %swap3A_271 = memref.load %arg7[%swap3A_270] : memref<16xi32, #tpu.memory_space<smem>>
      memref.store %get3A_269, %arg7[%swap3A_270] : memref<16xi32, #tpu.memory_space<smem>>
      %get3A_272 = arith.index_cast %max3A_267 : i32 to index
      %get3A_273 = memref.load %arg4[%get3A_272] : memref<10xi32, #tpu.memory_space<smem>>
      %swap3A_274 = arith.constant 1 : index
      %swap3A_275 = memref.load %arg8[%swap3A_274] : memref<16xi32, #tpu.memory_space<smem>>
      memref.store %get3A_273, %arg8[%swap3A_274] : memref<16xi32, #tpu.memory_space<smem>>
      %get3A_276 = arith.index_cast %add3A_242 : i32 to index
      %get3A_277 = arith.index_cast %max3A_267 : i32 to index
      %get3A_278 = memref.load %arg1[%get3A_276, %get3A_277] : memref<11x10xf32, #tpu.memory_space<smem>>
      %swap3A_279 = arith.constant 1 : index
      %swap3A_280 = memref.load %arg9[%swap3A_279] : memref<16xf32, #tpu.memory_space<smem>>
      memref.store %get3A_278, %arg9[%swap3A_279] : memref<16xf32, #tpu.memory_space<smem>>
      %get3A_281 = arith.index_cast %add3A_242 : i32 to index
      %get3A_282 = arith.index_cast %max3A_267 : i32 to index
      %get3A_283 = memref.load %arg2[%get3A_281, %get3A_282] : memref<11x10xf32, #tpu.memory_space<smem>>
      %mul3A_284 = arith.constant 1.41421354 : f32
      %mul3A_285 = arith.mulf %get3A_283, %mul3A_284 : f32
      %swap3A_286 = arith.constant 1 : index
      %swap3A_287 = memref.load %arg10[%swap3A_286] : memref<16xf32, #tpu.memory_space<smem>>
      memref.store %mul3A_285, %arg10[%swap3A_286] : memref<16xf32, #tpu.memory_space<smem>>
      %add3A_288 = arith.addi %add3A_265, %convert_element_type3A_101 : i32
      %max3A_289 = arith.constant 0 : i32
      %max3A_290 = arith.maxsi %add3A_288, %max3A_289 : i32
      %get3A_291 = arith.index_cast %max3A_290 : i32 to index
      %get3A_292 = memref.load %arg3[%get3A_291] : memref<10xi32, #tpu.memory_space<smem>>
      %swap3A_293 = arith.constant 2 : index
      %swap3A_294 = memref.load %arg7[%swap3A_293] : memref<16xi32, #tpu.memory_space<smem>>
      memref.store %get3A_292, %arg7[%swap3A_293] : memref<16xi32, #tpu.memory_space<smem>>
      %get3A_295 = arith.index_cast %max3A_290 : i32 to index
      %get3A_296 = memref.load %arg4[%get3A_295] : memref<10xi32, #tpu.memory_space<smem>>
      %swap3A_297 = arith.constant 2 : index
      %swap3A_298 = memref.load %arg8[%swap3A_297] : memref<16xi32, #tpu.memory_space<smem>>
      memref.store %get3A_296, %arg8[%swap3A_297] : memref<16xi32, #tpu.memory_space<smem>>
      %get3A_299 = arith.index_cast %add3A_242 : i32 to index
      %get3A_300 = arith.index_cast %max3A_290 : i32 to index
      %get3A_301 = memref.load %arg1[%get3A_299, %get3A_300] : memref<11x10xf32, #tpu.memory_space<smem>>
      %swap3A_302 = arith.constant 2 : index
      %swap3A_303 = memref.load %arg9[%swap3A_302] : memref<16xf32, #tpu.memory_space<smem>>
      memref.store %get3A_301, %arg9[%swap3A_302] : memref<16xf32, #tpu.memory_space<smem>>
      %get3A_304 = arith.index_cast %add3A_242 : i32 to index
      %get3A_305 = arith.index_cast %max3A_290 : i32 to index
      %get3A_306 = memref.load %arg2[%get3A_304, %get3A_305] : memref<11x10xf32, #tpu.memory_space<smem>>
      %mul3A_307 = arith.constant 1.41421354 : f32
      %mul3A_308 = arith.mulf %get3A_306, %mul3A_307 : f32
      %swap3A_309 = arith.constant 2 : index
      %swap3A_310 = memref.load %arg10[%swap3A_309] : memref<16xf32, #tpu.memory_space<smem>>
      memref.store %mul3A_308, %arg10[%swap3A_309] : memref<16xf32, #tpu.memory_space<smem>>
      %add3A_311 = arith.addi %add3A_288, %convert_element_type3A_120 : i32
      %max3A_312 = arith.constant 0 : i32
      %max3A_313 = arith.maxsi %add3A_311, %max3A_312 : i32
      %get3A_314 = arith.index_cast %max3A_313 : i32 to index
      %get3A_315 = memref.load %arg3[%get3A_314] : memref<10xi32, #tpu.memory_space<smem>>
      %swap3A_316 = arith.constant 3 : index
      %swap3A_317 = memref.load %arg7[%swap3A_316] : memref<16xi32, #tpu.memory_space<smem>>
      memref.store %get3A_315, %arg7[%swap3A_316] : memref<16xi32, #tpu.memory_space<smem>>
      %get3A_318 = arith.index_cast %max3A_313 : i32 to index
      %get3A_319 = memref.load %arg4[%get3A_318] : memref<10xi32, #tpu.memory_space<smem>>
      %swap3A_320 = arith.constant 3 : index
      %swap3A_321 = memref.load %arg8[%swap3A_320] : memref<16xi32, #tpu.memory_space<smem>>
      memref.store %get3A_319, %arg8[%swap3A_320] : memref<16xi32, #tpu.memory_space<smem>>
      %get3A_322 = arith.index_cast %add3A_242 : i32 to index
      %get3A_323 = arith.index_cast %max3A_313 : i32 to index
      %get3A_324 = memref.load %arg1[%get3A_322, %get3A_323] : memref<11x10xf32, #tpu.memory_space<smem>>
      %swap3A_325 = arith.constant 3 : index
      %swap3A_326 = memref.load %arg9[%swap3A_325] : memref<16xf32, #tpu.memory_space<smem>>
      memref.store %get3A_324, %arg9[%swap3A_325] : memref<16xf32, #tpu.memory_space<smem>>
      %get3A_327 = arith.index_cast %add3A_242 : i32 to index
      %get3A_328 = arith.index_cast %max3A_313 : i32 to index
      %get3A_329 = memref.load %arg2[%get3A_327, %get3A_328] : memref<11x10xf32, #tpu.memory_space<smem>>
      %mul3A_330 = arith.constant 1.41421354 : f32
      %mul3A_331 = arith.mulf %get3A_329, %mul3A_330 : f32
      %swap3A_332 = arith.constant 3 : index
      %swap3A_333 = memref.load %arg10[%swap3A_332] : memref<16xf32, #tpu.memory_space<smem>>
      memref.store %mul3A_331, %arg10[%swap3A_332] : memref<16xf32, #tpu.memory_space<smem>>
      %add3A_334 = arith.addi %add3A_311, %convert_element_type3A_139 : i32
      %max3A_335 = arith.constant 0 : i32
      %max3A_336 = arith.maxsi %add3A_334, %max3A_335 : i32
      %get3A_337 = arith.index_cast %max3A_336 : i32 to index
      %get3A_338 = memref.load %arg3[%get3A_337] : memref<10xi32, #tpu.memory_space<smem>>
      %swap3A_339 = arith.constant 4 : index
      %swap3A_340 = memref.load %arg7[%swap3A_339] : memref<16xi32, #tpu.memory_space<smem>>
      memref.store %get3A_338, %arg7[%swap3A_339] : memref<16xi32, #tpu.memory_space<smem>>
      %get3A_341 = arith.index_cast %max3A_336 : i32 to index
      %get3A_342 = memref.load %arg4[%get3A_341] : memref<10xi32, #tpu.memory_space<smem>>
      %swap3A_343 = arith.constant 4 : index
      %swap3A_344 = memref.load %arg8[%swap3A_343] : memref<16xi32, #tpu.memory_space<smem>>
      memref.store %get3A_342, %arg8[%swap3A_343] : memref<16xi32, #tpu.memory_space<smem>>
      %get3A_345 = arith.index_cast %add3A_242 : i32 to index
      %get3A_346 = arith.index_cast %max3A_336 : i32 to index
      %get3A_347 = memref.load %arg1[%get3A_345, %get3A_346] : memref<11x10xf32, #tpu.memory_space<smem>>
      %swap3A_348 = arith.constant 4 : index
      %swap3A_349 = memref.load %arg9[%swap3A_348] : memref<16xf32, #tpu.memory_space<smem>>
      memref.store %get3A_347, %arg9[%swap3A_348] : memref<16xf32, #tpu.memory_space<smem>>
      %get3A_350 = arith.index_cast %add3A_242 : i32 to index
      %get3A_351 = arith.index_cast %max3A_336 : i32 to index
      %get3A_352 = memref.load %arg2[%get3A_350, %get3A_351] : memref<11x10xf32, #tpu.memory_space<smem>>
      %mul3A_353 = arith.constant 1.41421354 : f32
      %mul3A_354 = arith.mulf %get3A_352, %mul3A_353 : f32
      %swap3A_355 = arith.constant 4 : index
      %swap3A_356 = memref.load %arg10[%swap3A_355] : memref<16xf32, #tpu.memory_space<smem>>
      memref.store %mul3A_354, %arg10[%swap3A_355] : memref<16xf32, #tpu.memory_space<smem>>
      %add3A_357 = arith.addi %add3A_334, %convert_element_type3A_158 : i32
      %max3A_358 = arith.constant 0 : i32
      %max3A_359 = arith.maxsi %add3A_357, %max3A_358 : i32
      %get3A_360 = arith.index_cast %max3A_359 : i32 to index
      %get3A_361 = memref.load %arg3[%get3A_360] : memref<10xi32, #tpu.memory_space<smem>>
      %swap3A_362 = arith.constant 5 : index
      %swap3A_363 = memref.load %arg7[%swap3A_362] : memref<16xi32, #tpu.memory_space<smem>>
      memref.store %get3A_361, %arg7[%swap3A_362] : memref<16xi32, #tpu.memory_space<smem>>
      %get3A_364 = arith.index_cast %max3A_359 : i32 to index
      %get3A_365 = memref.load %arg4[%get3A_364] : memref<10xi32, #tpu.memory_space<smem>>
      %swap3A_366 = arith.constant 5 : index
      %swap3A_367 = memref.load %arg8[%swap3A_366] : memref<16xi32, #tpu.memory_space<smem>>
      memref.store %get3A_365, %arg8[%swap3A_366] : memref<16xi32, #tpu.memory_space<smem>>
      %get3A_368 = arith.index_cast %add3A_242 : i32 to index
      %get3A_369 = arith.index_cast %max3A_359 : i32 to index
      %get3A_370 = memref.load %arg1[%get3A_368, %get3A_369] : memref<11x10xf32, #tpu.memory_space<smem>>
      %swap3A_371 = arith.constant 5 : index
      %swap3A_372 = memref.load %arg9[%swap3A_371] : memref<16xf32, #tpu.memory_space<smem>>
      memref.store %get3A_370, %arg9[%swap3A_371] : memref<16xf32, #tpu.memory_space<smem>>
      %get3A_373 = arith.index_cast %add3A_242 : i32 to index
      %get3A_374 = arith.index_cast %max3A_359 : i32 to index
      %get3A_375 = memref.load %arg2[%get3A_373, %get3A_374] : memref<11x10xf32, #tpu.memory_space<smem>>
      %mul3A_376 = arith.constant 1.41421354 : f32
      %mul3A_377 = arith.mulf %get3A_375, %mul3A_376 : f32
      %swap3A_378 = arith.constant 5 : index
      %swap3A_379 = memref.load %arg10[%swap3A_378] : memref<16xf32, #tpu.memory_space<smem>>
      memref.store %mul3A_377, %arg10[%swap3A_378] : memref<16xf32, #tpu.memory_space<smem>>
      %add3A_380 = arith.addi %add3A_357, %convert_element_type3A_177 : i32
      %max3A_381 = arith.constant 0 : i32
      %max3A_382 = arith.maxsi %add3A_380, %max3A_381 : i32
      %get3A_383 = arith.index_cast %max3A_382 : i32 to index
      %get3A_384 = memref.load %arg3[%get3A_383] : memref<10xi32, #tpu.memory_space<smem>>
      %swap3A_385 = arith.constant 6 : index
      %swap3A_386 = memref.load %arg7[%swap3A_385] : memref<16xi32, #tpu.memory_space<smem>>
      memref.store %get3A_384, %arg7[%swap3A_385] : memref<16xi32, #tpu.memory_space<smem>>
      %get3A_387 = arith.index_cast %max3A_382 : i32 to index
      %get3A_388 = memref.load %arg4[%get3A_387] : memref<10xi32, #tpu.memory_space<smem>>
      %swap3A_389 = arith.constant 6 : index
      %swap3A_390 = memref.load %arg8[%swap3A_389] : memref<16xi32, #tpu.memory_space<smem>>
      memref.store %get3A_388, %arg8[%swap3A_389] : memref<16xi32, #tpu.memory_space<smem>>
      %get3A_391 = arith.index_cast %add3A_242 : i32 to index
      %get3A_392 = arith.index_cast %max3A_382 : i32 to index
      %get3A_393 = memref.load %arg1[%get3A_391, %get3A_392] : memref<11x10xf32, #tpu.memory_space<smem>>
      %swap3A_394 = arith.constant 6 : index
      %swap3A_395 = memref.load %arg9[%swap3A_394] : memref<16xf32, #tpu.memory_space<smem>>
      memref.store %get3A_393, %arg9[%swap3A_394] : memref<16xf32, #tpu.memory_space<smem>>
      %get3A_396 = arith.index_cast %add3A_242 : i32 to index
      %get3A_397 = arith.index_cast %max3A_382 : i32 to index
      %get3A_398 = memref.load %arg2[%get3A_396, %get3A_397] : memref<11x10xf32, #tpu.memory_space<smem>>
      %mul3A_399 = arith.constant 1.41421354 : f32
      %mul3A_400 = arith.mulf %get3A_398, %mul3A_399 : f32
      %swap3A_401 = arith.constant 6 : index
      %swap3A_402 = memref.load %arg10[%swap3A_401] : memref<16xf32, #tpu.memory_space<smem>>
      memref.store %mul3A_400, %arg10[%swap3A_401] : memref<16xf32, #tpu.memory_space<smem>>
      %add3A_403 = arith.addi %add3A_380, %convert_element_type3A_196 : i32
      %max3A_404 = arith.constant 0 : i32
      %max3A_405 = arith.maxsi %add3A_403, %max3A_404 : i32
      %get3A_406 = arith.index_cast %max3A_405 : i32 to index
      %get3A_407 = memref.load %arg3[%get3A_406] : memref<10xi32, #tpu.memory_space<smem>>
      %swap3A_408 = arith.constant 7 : index
      %swap3A_409 = memref.load %arg7[%swap3A_408] : memref<16xi32, #tpu.memory_space<smem>>
      memref.store %get3A_407, %arg7[%swap3A_408] : memref<16xi32, #tpu.memory_space<smem>>
      %get3A_410 = arith.index_cast %max3A_405 : i32 to index
      %get3A_411 = memref.load %arg4[%get3A_410] : memref<10xi32, #tpu.memory_space<smem>>
      %swap3A_412 = arith.constant 7 : index
      %swap3A_413 = memref.load %arg8[%swap3A_412] : memref<16xi32, #tpu.memory_space<smem>>
      memref.store %get3A_411, %arg8[%swap3A_412] : memref<16xi32, #tpu.memory_space<smem>>
      %get3A_414 = arith.index_cast %add3A_242 : i32 to index
      %get3A_415 = arith.index_cast %max3A_405 : i32 to index
      %get3A_416 = memref.load %arg1[%get3A_414, %get3A_415] : memref<11x10xf32, #tpu.memory_space<smem>>
      %swap3A_417 = arith.constant 7 : index
      %swap3A_418 = memref.load %arg9[%swap3A_417] : memref<16xf32, #tpu.memory_space<smem>>
      memref.store %get3A_416, %arg9[%swap3A_417] : memref<16xf32, #tpu.memory_space<smem>>
      %get3A_419 = arith.index_cast %add3A_242 : i32 to index
      %get3A_420 = arith.index_cast %max3A_405 : i32 to index
      %get3A_421 = memref.load %arg2[%get3A_419, %get3A_420] : memref<11x10xf32, #tpu.memory_space<smem>>
      %mul3A_422 = arith.constant 1.41421354 : f32
      %mul3A_423 = arith.mulf %get3A_421, %mul3A_422 : f32
      %swap3A_424 = arith.constant 7 : index
      %swap3A_425 = memref.load %arg10[%swap3A_424] : memref<16xf32, #tpu.memory_space<smem>>
      memref.store %mul3A_423, %arg10[%swap3A_424] : memref<16xf32, #tpu.memory_space<smem>>
      %add3A_426 = arith.addi %add3A_403, %convert_element_type3A_215 : i32
      %max3A_427 = arith.constant 0 : i32
      %max3A_428 = arith.maxsi %add3A_426, %max3A_427 : i32
      %get3A_429 = arith.index_cast %max3A_428 : i32 to index
      %get3A_430 = memref.load %arg3[%get3A_429] : memref<10xi32, #tpu.memory_space<smem>>
      %swap3A_431 = arith.constant 8 : index
      %swap3A_432 = memref.load %arg7[%swap3A_431] : memref<16xi32, #tpu.memory_space<smem>>
      memref.store %get3A_430, %arg7[%swap3A_431] : memref<16xi32, #tpu.memory_space<smem>>
      %get3A_433 = arith.index_cast %max3A_428 : i32 to index
      %get3A_434 = memref.load %arg4[%get3A_433] : memref<10xi32, #tpu.memory_space<smem>>
      %swap3A_435 = arith.constant 8 : index
      %swap3A_436 = memref.load %arg8[%swap3A_435] : memref<16xi32, #tpu.memory_space<smem>>
      memref.store %get3A_434, %arg8[%swap3A_435] : memref<16xi32, #tpu.memory_space<smem>>
      %get3A_437 = arith.index_cast %add3A_242 : i32 to index
      %get3A_438 = arith.index_cast %max3A_428 : i32 to index
      %get3A_439 = memref.load %arg1[%get3A_437, %get3A_438] : memref<11x10xf32, #tpu.memory_space<smem>>
      %swap3A_440 = arith.constant 8 : index
      %swap3A_441 = memref.load %arg9[%swap3A_440] : memref<16xf32, #tpu.memory_space<smem>>
      memref.store %get3A_439, %arg9[%swap3A_440] : memref<16xf32, #tpu.memory_space<smem>>
      %get3A_442 = arith.index_cast %add3A_242 : i32 to index
      %get3A_443 = arith.index_cast %max3A_428 : i32 to index
      %get3A_444 = memref.load %arg2[%get3A_442, %get3A_443] : memref<11x10xf32, #tpu.memory_space<smem>>
      %mul3A_445 = arith.constant 1.41421354 : f32
      %mul3A_446 = arith.mulf %get3A_444, %mul3A_445 : f32
      %swap3A_447 = arith.constant 8 : index
      %swap3A_448 = memref.load %arg10[%swap3A_447] : memref<16xf32, #tpu.memory_space<smem>>
      memref.store %mul3A_446, %arg10[%swap3A_447] : memref<16xf32, #tpu.memory_space<smem>>
      %add3A_449 = arith.addi %add3A_426, %convert_element_type3A_234 : i32
      %max3A_450 = arith.constant 0 : i32
      %max3A_451 = arith.maxsi %add3A_449, %max3A_450 : i32
      %get3A_452 = arith.index_cast %max3A_451 : i32 to index
      %get3A_453 = memref.load %arg3[%get3A_452] : memref<10xi32, #tpu.memory_space<smem>>
      %swap3A_454 = arith.constant 9 : index
      %swap3A_455 = memref.load %arg7[%swap3A_454] : memref<16xi32, #tpu.memory_space<smem>>
      memref.store %get3A_453, %arg7[%swap3A_454] : memref<16xi32, #tpu.memory_space<smem>>
      %get3A_456 = arith.index_cast %max3A_451 : i32 to index
      %get3A_457 = memref.load %arg4[%get3A_456] : memref<10xi32, #tpu.memory_space<smem>>
      %swap3A_458 = arith.constant 9 : index
      %swap3A_459 = memref.load %arg8[%swap3A_458] : memref<16xi32, #tpu.memory_space<smem>>
      memref.store %get3A_457, %arg8[%swap3A_458] : memref<16xi32, #tpu.memory_space<smem>>
      %get3A_460 = arith.index_cast %add3A_242 : i32 to index
      %get3A_461 = arith.index_cast %max3A_451 : i32 to index
      %get3A_462 = memref.load %arg1[%get3A_460, %get3A_461] : memref<11x10xf32, #tpu.memory_space<smem>>
      %swap3A_463 = arith.constant 9 : index
      %swap3A_464 = memref.load %arg9[%swap3A_463] : memref<16xf32, #tpu.memory_space<smem>>
      memref.store %get3A_462, %arg9[%swap3A_463] : memref<16xf32, #tpu.memory_space<smem>>
      %get3A_465 = arith.index_cast %add3A_242 : i32 to index
      %get3A_466 = arith.index_cast %max3A_451 : i32 to index
      %get3A_467 = memref.load %arg2[%get3A_465, %get3A_466] : memref<11x10xf32, #tpu.memory_space<smem>>
      %mul3A_468 = arith.constant 1.41421354 : f32
      %mul3A_469 = arith.mulf %get3A_467, %mul3A_468 : f32
      %swap3A_470 = arith.constant 9 : index
      %swap3A_471 = memref.load %arg10[%swap3A_470] : memref<16xf32, #tpu.memory_space<smem>>
      memref.store %mul3A_469, %arg10[%swap3A_470] : memref<16xf32, #tpu.memory_space<smem>>
      %swap3A_472 = arith.constant 0 : i32
      %swap3A_473 = arith.constant 10 : index
      %swap3A_474 = memref.load %arg7[%swap3A_473] : memref<16xi32, #tpu.memory_space<smem>>
      memref.store %swap3A_472, %arg7[%swap3A_473] : memref<16xi32, #tpu.memory_space<smem>>
      %swap3A_475 = arith.constant 0 : i32
      %swap3A_476 = arith.constant 10 : index
      %swap3A_477 = memref.load %arg8[%swap3A_476] : memref<16xi32, #tpu.memory_space<smem>>
      memref.store %swap3A_475, %arg8[%swap3A_476] : memref<16xi32, #tpu.memory_space<smem>>
      %swap3A_478 = arith.constant 0.000000e+00 : f32
      %swap3A_479 = arith.constant 10 : index
      %swap3A_480 = memref.load %arg9[%swap3A_479] : memref<16xf32, #tpu.memory_space<smem>>
      memref.store %swap3A_478, %arg9[%swap3A_479] : memref<16xf32, #tpu.memory_space<smem>>
      %swap3A_481 = arith.constant 0.000000e+00 : f32
      %swap3A_482 = arith.constant 10 : index
      %swap3A_483 = memref.load %arg10[%swap3A_482] : memref<16xf32, #tpu.memory_space<smem>>
      memref.store %swap3A_481, %arg10[%swap3A_482] : memref<16xf32, #tpu.memory_space<smem>>
      %swap3A_484 = arith.constant 0 : i32
      %swap3A_485 = arith.constant 11 : index
      %swap3A_486 = memref.load %arg7[%swap3A_485] : memref<16xi32, #tpu.memory_space<smem>>
      memref.store %swap3A_484, %arg7[%swap3A_485] : memref<16xi32, #tpu.memory_space<smem>>
      %swap3A_487 = arith.constant 0 : i32
      %swap3A_488 = arith.constant 11 : index
      %swap3A_489 = memref.load %arg8[%swap3A_488] : memref<16xi32, #tpu.memory_space<smem>>
      memref.store %swap3A_487, %arg8[%swap3A_488] : memref<16xi32, #tpu.memory_space<smem>>
      %swap3A_490 = arith.constant 0.000000e+00 : f32
      %swap3A_491 = arith.constant 11 : index
      %swap3A_492 = memref.load %arg9[%swap3A_491] : memref<16xf32, #tpu.memory_space<smem>>
      memref.store %swap3A_490, %arg9[%swap3A_491] : memref<16xf32, #tpu.memory_space<smem>>
      %swap3A_493 = arith.constant 0.000000e+00 : f32
      %swap3A_494 = arith.constant 11 : index
      %swap3A_495 = memref.load %arg10[%swap3A_494] : memref<16xf32, #tpu.memory_space<smem>>
      memref.store %swap3A_493, %arg10[%swap3A_494] : memref<16xf32, #tpu.memory_space<smem>>
      %swap3A_496 = arith.constant 0 : i32
      %swap3A_497 = arith.constant 12 : index
      %swap3A_498 = memref.load %arg7[%swap3A_497] : memref<16xi32, #tpu.memory_space<smem>>
      memref.store %swap3A_496, %arg7[%swap3A_497] : memref<16xi32, #tpu.memory_space<smem>>
      %swap3A_499 = arith.constant 0 : i32
      %swap3A_500 = arith.constant 12 : index
      %swap3A_501 = memref.load %arg8[%swap3A_500] : memref<16xi32, #tpu.memory_space<smem>>
      memref.store %swap3A_499, %arg8[%swap3A_500] : memref<16xi32, #tpu.memory_space<smem>>
      %swap3A_502 = arith.constant 0.000000e+00 : f32
      %swap3A_503 = arith.constant 12 : index
      %swap3A_504 = memref.load %arg9[%swap3A_503] : memref<16xf32, #tpu.memory_space<smem>>
      memref.store %swap3A_502, %arg9[%swap3A_503] : memref<16xf32, #tpu.memory_space<smem>>
      %swap3A_505 = arith.constant 0.000000e+00 : f32
      %swap3A_506 = arith.constant 12 : index
      %swap3A_507 = memref.load %arg10[%swap3A_506] : memref<16xf32, #tpu.memory_space<smem>>
      memref.store %swap3A_505, %arg10[%swap3A_506] : memref<16xf32, #tpu.memory_space<smem>>
      %swap3A_508 = arith.constant 0 : i32
      %swap3A_509 = arith.constant 13 : index
      %swap3A_510 = memref.load %arg7[%swap3A_509] : memref<16xi32, #tpu.memory_space<smem>>
      memref.store %swap3A_508, %arg7[%swap3A_509] : memref<16xi32, #tpu.memory_space<smem>>
      %swap3A_511 = arith.constant 0 : i32
      %swap3A_512 = arith.constant 13 : index
      %swap3A_513 = memref.load %arg8[%swap3A_512] : memref<16xi32, #tpu.memory_space<smem>>
      memref.store %swap3A_511, %arg8[%swap3A_512] : memref<16xi32, #tpu.memory_space<smem>>
      %swap3A_514 = arith.constant 0.000000e+00 : f32
      %swap3A_515 = arith.constant 13 : index
      %swap3A_516 = memref.load %arg9[%swap3A_515] : memref<16xf32, #tpu.memory_space<smem>>
      memref.store %swap3A_514, %arg9[%swap3A_515] : memref<16xf32, #tpu.memory_space<smem>>
      %swap3A_517 = arith.constant 0.000000e+00 : f32
      %swap3A_518 = arith.constant 13 : index
      %swap3A_519 = memref.load %arg10[%swap3A_518] : memref<16xf32, #tpu.memory_space<smem>>
      memref.store %swap3A_517, %arg10[%swap3A_518] : memref<16xf32, #tpu.memory_space<smem>>
      %swap3A_520 = arith.constant 0 : i32
      %swap3A_521 = arith.constant 14 : index
      %swap3A_522 = memref.load %arg7[%swap3A_521] : memref<16xi32, #tpu.memory_space<smem>>
      memref.store %swap3A_520, %arg7[%swap3A_521] : memref<16xi32, #tpu.memory_space<smem>>
      %swap3A_523 = arith.constant 0 : i32
      %swap3A_524 = arith.constant 14 : index
      %swap3A_525 = memref.load %arg8[%swap3A_524] : memref<16xi32, #tpu.memory_space<smem>>
      memref.store %swap3A_523, %arg8[%swap3A_524] : memref<16xi32, #tpu.memory_space<smem>>
      %swap3A_526 = arith.constant 0.000000e+00 : f32
      %swap3A_527 = arith.constant 14 : index
      %swap3A_528 = memref.load %arg9[%swap3A_527] : memref<16xf32, #tpu.memory_space<smem>>
      memref.store %swap3A_526, %arg9[%swap3A_527] : memref<16xf32, #tpu.memory_space<smem>>
      %swap3A_529 = arith.constant 0.000000e+00 : f32
      %swap3A_530 = arith.constant 14 : index
      %swap3A_531 = memref.load %arg10[%swap3A_530] : memref<16xf32, #tpu.memory_space<smem>>
      memref.store %swap3A_529, %arg10[%swap3A_530] : memref<16xf32, #tpu.memory_space<smem>>
      %swap3A_532 = arith.constant 0 : i32
      %swap3A_533 = arith.constant 15 : index
      %swap3A_534 = memref.load %arg7[%swap3A_533] : memref<16xi32, #tpu.memory_space<smem>>
      memref.store %swap3A_532, %arg7[%swap3A_533] : memref<16xi32, #tpu.memory_space<smem>>
      %swap3A_535 = arith.constant 0 : i32
      %swap3A_536 = arith.constant 15 : index
      %swap3A_537 = memref.load %arg8[%swap3A_536] : memref<16xi32, #tpu.memory_space<smem>>
      memref.store %swap3A_535, %arg8[%swap3A_536] : memref<16xi32, #tpu.memory_space<smem>>
      %swap3A_538 = arith.constant 0.000000e+00 : f32
      %swap3A_539 = arith.constant 15 : index
      %swap3A_540 = memref.load %arg9[%swap3A_539] : memref<16xf32, #tpu.memory_space<smem>>
      memref.store %swap3A_538, %arg9[%swap3A_539] : memref<16xf32, #tpu.memory_space<smem>>
      %swap3A_541 = arith.constant 0.000000e+00 : f32
      %swap3A_542 = arith.constant 15 : index
      %swap3A_543 = memref.load %arg10[%swap3A_542] : memref<16xf32, #tpu.memory_space<smem>>
      memref.store %swap3A_541, %arg10[%swap3A_542] : memref<16xf32, #tpu.memory_space<smem>>
    } else {
    }
    return
  }
  func.func @transform_0(%arg0: i32) -> (i32, i32) {
    %c0_i32 = arith.constant 0 : i32
    %c0_i32_0 = arith.constant 0 : i32
    %c0_i32_1 = arith.constant 0 : i32
    return %c0_i32, %c0_i32_0 : i32, i32
  }
  func.func @transform_1(%arg0: i32) -> (i32, i32) {
    %c0_i32 = arith.constant 0 : i32
    %c0_i32_0 = arith.constant 0 : i32
    %c0_i32_1 = arith.constant 0 : i32
    return %c0_i32, %c0_i32_0 : i32, i32
  }
  func.func @transform_2(%arg0: i32) -> i32 {
    %c0_i32 = arith.constant 0 : i32
    %c0_i32_0 = arith.constant 0 : i32
    return %c0_i32 : i32
  }
  func.func @transform_3(%arg0: i32) -> i32 {
    %c0_i32 = arith.constant 0 : i32
    %c0_i32_0 = arith.constant 0 : i32
    return %c0_i32 : i32
  }
  func.func @transform_4(%arg0: i32) -> (i32, i32) {
    %c0_i32 = arith.constant 0 : i32
    %c0_i32_0 = arith.constant 0 : i32
    return %arg0, %c0_i32 : i32, i32
  }
  func.func @transform_5(%arg0: i32) -> (i32, i32) {
    %c0_i32 = arith.constant 0 : i32
    %c0_i32_0 = arith.constant 0 : i32
    %c0_i32_1 = arith.constant 0 : i32
    return %c0_i32, %c0_i32_0 : i32, i32
  }
  func.func @transform_6(%arg0: i32) -> i32 {
    %c0_i32 = arith.constant 0 : i32
    %c0_i32_0 = arith.constant 0 : i32
    return %c0_i32 : i32
  }
  func.func @transform_7(%arg0: i32) -> i32 {
    %c0_i32 = arith.constant 0 : i32
    %c0_i32_0 = arith.constant 0 : i32
    return %c0_i32 : i32
  }
  func.func @transform_8(%arg0: i32) -> i32 {
    %c0_i32 = arith.constant 0 : i32
    %c0_i32_0 = arith.constant 0 : i32
    return %c0_i32 : i32
  }
  func.func @transform_9(%arg0: i32) -> i32 {
    %c0_i32 = arith.constant 0 : i32
    %c0_i32_0 = arith.constant 0 : i32
    return %c0_i32 : i32
  }
}

module attributes {stable_mosaic.version = 14 : i64} {
  func.func @_sample_body(%arg0: i32, %arg1: memref<16xi32, #tpu.memory_space<smem>>, %arg2: memref<16xi32, #tpu.memory_space<smem>>, %arg3: memref<16xf32, #tpu.memory_space<smem>>, %arg4: memref<16xf32, #tpu.memory_space<smem>>, %arg5: memref<64x8192xi32, #tpu.memory_space<vmem>>, %arg6: memref<64x8192xf32, #tpu.memory_space<vmem>>) attributes {dimension_semantics = [#tpu.dimension_semantics<arbitrary>], iteration_bounds = array<i64: 6>, scalar_prefetch = 0 : i64, scratch_operands = 0 : i64, tpu.core_type = #tpu.core_type<tc>, window_params = [{transform_indices = @transform_0, window_bounds = array<i64: 16>}, {transform_indices = @transform_1, window_bounds = array<i64: 16>}, {transform_indices = @transform_2, window_bounds = array<i64: 16>}, {transform_indices = @transform_3, window_bounds = array<i64: 16>}, {transform_indices = @transform_4, window_bounds = array<i64: 64, 8192>}, {transform_indices = @transform_5, window_bounds = array<i64: 64, 8192>}]} {
    %get3A = arith.constant 0 : index
    %get3A_0 = memref.load %arg1[%get3A] : memref<16xi32, #tpu.memory_space<smem>>
    %get3A_1 = arith.constant 1 : index
    %get3A_2 = memref.load %arg1[%get3A_1] : memref<16xi32, #tpu.memory_space<smem>>
    %get3A_3 = arith.constant 2 : index
    %get3A_4 = memref.load %arg1[%get3A_3] : memref<16xi32, #tpu.memory_space<smem>>
    %get3A_5 = arith.constant 3 : index
    %get3A_6 = memref.load %arg1[%get3A_5] : memref<16xi32, #tpu.memory_space<smem>>
    %get3A_7 = arith.constant 4 : index
    %get3A_8 = memref.load %arg1[%get3A_7] : memref<16xi32, #tpu.memory_space<smem>>
    %get3A_9 = arith.constant 5 : index
    %get3A_10 = memref.load %arg1[%get3A_9] : memref<16xi32, #tpu.memory_space<smem>>
    %get3A_11 = arith.constant 6 : index
    %get3A_12 = memref.load %arg1[%get3A_11] : memref<16xi32, #tpu.memory_space<smem>>
    %get3A_13 = arith.constant 7 : index
    %get3A_14 = memref.load %arg1[%get3A_13] : memref<16xi32, #tpu.memory_space<smem>>
    %get3A_15 = arith.constant 8 : index
    %get3A_16 = memref.load %arg1[%get3A_15] : memref<16xi32, #tpu.memory_space<smem>>
    %get3A_17 = arith.constant 9 : index
    %get3A_18 = memref.load %arg1[%get3A_17] : memref<16xi32, #tpu.memory_space<smem>>
    %get3A_19 = arith.constant 0 : index
    %get3A_20 = memref.load %arg2[%get3A_19] : memref<16xi32, #tpu.memory_space<smem>>
    %get3A_21 = arith.constant 1 : index
    %get3A_22 = memref.load %arg2[%get3A_21] : memref<16xi32, #tpu.memory_space<smem>>
    %get3A_23 = arith.constant 2 : index
    %get3A_24 = memref.load %arg2[%get3A_23] : memref<16xi32, #tpu.memory_space<smem>>
    %get3A_25 = arith.constant 3 : index
    %get3A_26 = memref.load %arg2[%get3A_25] : memref<16xi32, #tpu.memory_space<smem>>
    %get3A_27 = arith.constant 4 : index
    %get3A_28 = memref.load %arg2[%get3A_27] : memref<16xi32, #tpu.memory_space<smem>>
    %get3A_29 = arith.constant 5 : index
    %get3A_30 = memref.load %arg2[%get3A_29] : memref<16xi32, #tpu.memory_space<smem>>
    %get3A_31 = arith.constant 6 : index
    %get3A_32 = memref.load %arg2[%get3A_31] : memref<16xi32, #tpu.memory_space<smem>>
    %get3A_33 = arith.constant 7 : index
    %get3A_34 = memref.load %arg2[%get3A_33] : memref<16xi32, #tpu.memory_space<smem>>
    %get3A_35 = arith.constant 8 : index
    %get3A_36 = memref.load %arg2[%get3A_35] : memref<16xi32, #tpu.memory_space<smem>>
    %get3A_37 = arith.constant 9 : index
    %get3A_38 = memref.load %arg2[%get3A_37] : memref<16xi32, #tpu.memory_space<smem>>
    %get3A_39 = arith.constant 0 : index
    %get3A_40 = memref.load %arg3[%get3A_39] : memref<16xf32, #tpu.memory_space<smem>>
    %get3A_41 = arith.constant 1 : index
    %get3A_42 = memref.load %arg3[%get3A_41] : memref<16xf32, #tpu.memory_space<smem>>
    %get3A_43 = arith.constant 2 : index
    %get3A_44 = memref.load %arg3[%get3A_43] : memref<16xf32, #tpu.memory_space<smem>>
    %get3A_45 = arith.constant 3 : index
    %get3A_46 = memref.load %arg3[%get3A_45] : memref<16xf32, #tpu.memory_space<smem>>
    %get3A_47 = arith.constant 4 : index
    %get3A_48 = memref.load %arg3[%get3A_47] : memref<16xf32, #tpu.memory_space<smem>>
    %get3A_49 = arith.constant 5 : index
    %get3A_50 = memref.load %arg3[%get3A_49] : memref<16xf32, #tpu.memory_space<smem>>
    %get3A_51 = arith.constant 6 : index
    %get3A_52 = memref.load %arg3[%get3A_51] : memref<16xf32, #tpu.memory_space<smem>>
    %get3A_53 = arith.constant 7 : index
    %get3A_54 = memref.load %arg3[%get3A_53] : memref<16xf32, #tpu.memory_space<smem>>
    %get3A_55 = arith.constant 8 : index
    %get3A_56 = memref.load %arg3[%get3A_55] : memref<16xf32, #tpu.memory_space<smem>>
    %get3A_57 = arith.constant 9 : index
    %get3A_58 = memref.load %arg3[%get3A_57] : memref<16xf32, #tpu.memory_space<smem>>
    %get3A_59 = arith.constant 0 : index
    %get3A_60 = memref.load %arg4[%get3A_59] : memref<16xf32, #tpu.memory_space<smem>>
    %get3A_61 = arith.constant 1 : index
    %get3A_62 = memref.load %arg4[%get3A_61] : memref<16xf32, #tpu.memory_space<smem>>
    %get3A_63 = arith.constant 2 : index
    %get3A_64 = memref.load %arg4[%get3A_63] : memref<16xf32, #tpu.memory_space<smem>>
    %get3A_65 = arith.constant 3 : index
    %get3A_66 = memref.load %arg4[%get3A_65] : memref<16xf32, #tpu.memory_space<smem>>
    %get3A_67 = arith.constant 4 : index
    %get3A_68 = memref.load %arg4[%get3A_67] : memref<16xf32, #tpu.memory_space<smem>>
    %get3A_69 = arith.constant 5 : index
    %get3A_70 = memref.load %arg4[%get3A_69] : memref<16xf32, #tpu.memory_space<smem>>
    %get3A_71 = arith.constant 6 : index
    %get3A_72 = memref.load %arg4[%get3A_71] : memref<16xf32, #tpu.memory_space<smem>>
    %get3A_73 = arith.constant 7 : index
    %get3A_74 = memref.load %arg4[%get3A_73] : memref<16xf32, #tpu.memory_space<smem>>
    %get3A_75 = arith.constant 8 : index
    %get3A_76 = memref.load %arg4[%get3A_75] : memref<16xf32, #tpu.memory_space<smem>>
    %get3A_77 = arith.constant 9 : index
    %get3A_78 = memref.load %arg4[%get3A_77] : memref<16xf32, #tpu.memory_space<smem>>
    %get3A_79 = arith.constant 0 : index
    %get3A_80 = arith.constant 0 : index
    %get3A_81 = vector.load %arg5[%get3A_79, %get3A_80] : memref<64x8192xi32, #tpu.memory_space<vmem>>, vector<64x8192xi32>
    %broadcast_in_dim3A = vector.broadcast %get3A_0 : i32 to vector<64x8192xi32>
    %broadcast_in_dim3A_82 = vector.broadcast %get3A_20 : i32 to vector<64x8192xi32>
    %broadcast_in_dim3A_83 = vector.broadcast %get3A_40 : f32 to vector<64x8192xf32>
    %broadcast_in_dim3A_84 = vector.broadcast %get3A_60 : f32 to vector<64x8192xf32>
    %eq3A = arith.constant 1 : i32
    %eq3A_85 = vector.broadcast %eq3A : i32 to vector<64x8192xi32>
    %eq3A_86 = arith.cmpi eq, %get3A_81, %eq3A_85 : vector<64x8192xi32>
    %broadcast_in_dim3A_87 = vector.broadcast %get3A_2 : i32 to vector<64x8192xi32>
    %select_n3A = arith.select %eq3A_86, %broadcast_in_dim3A_87, %broadcast_in_dim3A : vector<64x8192xi1>, vector<64x8192xi32>
    %broadcast_in_dim3A_88 = vector.broadcast %get3A_22 : i32 to vector<64x8192xi32>
    %select_n3A_89 = arith.select %eq3A_86, %broadcast_in_dim3A_88, %broadcast_in_dim3A_82 : vector<64x8192xi1>, vector<64x8192xi32>
    %broadcast_in_dim3A_90 = vector.broadcast %get3A_42 : f32 to vector<64x8192xf32>
    %select_n3A_91 = arith.select %eq3A_86, %broadcast_in_dim3A_90, %broadcast_in_dim3A_83 : vector<64x8192xi1>, vector<64x8192xf32>
    %broadcast_in_dim3A_92 = vector.broadcast %get3A_62 : f32 to vector<64x8192xf32>
    %select_n3A_93 = arith.select %eq3A_86, %broadcast_in_dim3A_92, %broadcast_in_dim3A_84 : vector<64x8192xi1>, vector<64x8192xf32>
    %eq3A_94 = arith.constant 2 : i32
    %eq3A_95 = vector.broadcast %eq3A_94 : i32 to vector<64x8192xi32>
    %eq3A_96 = arith.cmpi eq, %get3A_81, %eq3A_95 : vector<64x8192xi32>
    %broadcast_in_dim3A_97 = vector.broadcast %get3A_4 : i32 to vector<64x8192xi32>
    %select_n3A_98 = arith.select %eq3A_96, %broadcast_in_dim3A_97, %select_n3A : vector<64x8192xi1>, vector<64x8192xi32>
    %broadcast_in_dim3A_99 = vector.broadcast %get3A_24 : i32 to vector<64x8192xi32>
    %select_n3A_100 = arith.select %eq3A_96, %broadcast_in_dim3A_99, %select_n3A_89 : vector<64x8192xi1>, vector<64x8192xi32>
    %broadcast_in_dim3A_101 = vector.broadcast %get3A_44 : f32 to vector<64x8192xf32>
    %select_n3A_102 = arith.select %eq3A_96, %broadcast_in_dim3A_101, %select_n3A_91 : vector<64x8192xi1>, vector<64x8192xf32>
    %broadcast_in_dim3A_103 = vector.broadcast %get3A_64 : f32 to vector<64x8192xf32>
    %select_n3A_104 = arith.select %eq3A_96, %broadcast_in_dim3A_103, %select_n3A_93 : vector<64x8192xi1>, vector<64x8192xf32>
    %eq3A_105 = arith.constant 3 : i32
    %eq3A_106 = vector.broadcast %eq3A_105 : i32 to vector<64x8192xi32>
    %eq3A_107 = arith.cmpi eq, %get3A_81, %eq3A_106 : vector<64x8192xi32>
    %broadcast_in_dim3A_108 = vector.broadcast %get3A_6 : i32 to vector<64x8192xi32>
    %select_n3A_109 = arith.select %eq3A_107, %broadcast_in_dim3A_108, %select_n3A_98 : vector<64x8192xi1>, vector<64x8192xi32>
    %broadcast_in_dim3A_110 = vector.broadcast %get3A_26 : i32 to vector<64x8192xi32>
    %select_n3A_111 = arith.select %eq3A_107, %broadcast_in_dim3A_110, %select_n3A_100 : vector<64x8192xi1>, vector<64x8192xi32>
    %broadcast_in_dim3A_112 = vector.broadcast %get3A_46 : f32 to vector<64x8192xf32>
    %select_n3A_113 = arith.select %eq3A_107, %broadcast_in_dim3A_112, %select_n3A_102 : vector<64x8192xi1>, vector<64x8192xf32>
    %broadcast_in_dim3A_114 = vector.broadcast %get3A_66 : f32 to vector<64x8192xf32>
    %select_n3A_115 = arith.select %eq3A_107, %broadcast_in_dim3A_114, %select_n3A_104 : vector<64x8192xi1>, vector<64x8192xf32>
    %eq3A_116 = arith.constant 4 : i32
    %eq3A_117 = vector.broadcast %eq3A_116 : i32 to vector<64x8192xi32>
    %eq3A_118 = arith.cmpi eq, %get3A_81, %eq3A_117 : vector<64x8192xi32>
    %broadcast_in_dim3A_119 = vector.broadcast %get3A_8 : i32 to vector<64x8192xi32>
    %select_n3A_120 = arith.select %eq3A_118, %broadcast_in_dim3A_119, %select_n3A_109 : vector<64x8192xi1>, vector<64x8192xi32>
    %broadcast_in_dim3A_121 = vector.broadcast %get3A_28 : i32 to vector<64x8192xi32>
    %select_n3A_122 = arith.select %eq3A_118, %broadcast_in_dim3A_121, %select_n3A_111 : vector<64x8192xi1>, vector<64x8192xi32>
    %broadcast_in_dim3A_123 = vector.broadcast %get3A_48 : f32 to vector<64x8192xf32>
    %select_n3A_124 = arith.select %eq3A_118, %broadcast_in_dim3A_123, %select_n3A_113 : vector<64x8192xi1>, vector<64x8192xf32>
    %broadcast_in_dim3A_125 = vector.broadcast %get3A_68 : f32 to vector<64x8192xf32>
    %select_n3A_126 = arith.select %eq3A_118, %broadcast_in_dim3A_125, %select_n3A_115 : vector<64x8192xi1>, vector<64x8192xf32>
    %eq3A_127 = arith.constant 5 : i32
    %eq3A_128 = vector.broadcast %eq3A_127 : i32 to vector<64x8192xi32>
    %eq3A_129 = arith.cmpi eq, %get3A_81, %eq3A_128 : vector<64x8192xi32>
    %broadcast_in_dim3A_130 = vector.broadcast %get3A_10 : i32 to vector<64x8192xi32>
    %select_n3A_131 = arith.select %eq3A_129, %broadcast_in_dim3A_130, %select_n3A_120 : vector<64x8192xi1>, vector<64x8192xi32>
    %broadcast_in_dim3A_132 = vector.broadcast %get3A_30 : i32 to vector<64x8192xi32>
    %select_n3A_133 = arith.select %eq3A_129, %broadcast_in_dim3A_132, %select_n3A_122 : vector<64x8192xi1>, vector<64x8192xi32>
    %broadcast_in_dim3A_134 = vector.broadcast %get3A_50 : f32 to vector<64x8192xf32>
    %select_n3A_135 = arith.select %eq3A_129, %broadcast_in_dim3A_134, %select_n3A_124 : vector<64x8192xi1>, vector<64x8192xf32>
    %broadcast_in_dim3A_136 = vector.broadcast %get3A_70 : f32 to vector<64x8192xf32>
    %select_n3A_137 = arith.select %eq3A_129, %broadcast_in_dim3A_136, %select_n3A_126 : vector<64x8192xi1>, vector<64x8192xf32>
    %eq3A_138 = arith.constant 6 : i32
    %eq3A_139 = vector.broadcast %eq3A_138 : i32 to vector<64x8192xi32>
    %eq3A_140 = arith.cmpi eq, %get3A_81, %eq3A_139 : vector<64x8192xi32>
    %broadcast_in_dim3A_141 = vector.broadcast %get3A_12 : i32 to vector<64x8192xi32>
    %select_n3A_142 = arith.select %eq3A_140, %broadcast_in_dim3A_141, %select_n3A_131 : vector<64x8192xi1>, vector<64x8192xi32>
    %broadcast_in_dim3A_143 = vector.broadcast %get3A_32 : i32 to vector<64x8192xi32>
    %select_n3A_144 = arith.select %eq3A_140, %broadcast_in_dim3A_143, %select_n3A_133 : vector<64x8192xi1>, vector<64x8192xi32>
    %broadcast_in_dim3A_145 = vector.broadcast %get3A_52 : f32 to vector<64x8192xf32>
    %select_n3A_146 = arith.select %eq3A_140, %broadcast_in_dim3A_145, %select_n3A_135 : vector<64x8192xi1>, vector<64x8192xf32>
    %broadcast_in_dim3A_147 = vector.broadcast %get3A_72 : f32 to vector<64x8192xf32>
    %select_n3A_148 = arith.select %eq3A_140, %broadcast_in_dim3A_147, %select_n3A_137 : vector<64x8192xi1>, vector<64x8192xf32>
    %eq3A_149 = arith.constant 7 : i32
    %eq3A_150 = vector.broadcast %eq3A_149 : i32 to vector<64x8192xi32>
    %eq3A_151 = arith.cmpi eq, %get3A_81, %eq3A_150 : vector<64x8192xi32>
    %broadcast_in_dim3A_152 = vector.broadcast %get3A_14 : i32 to vector<64x8192xi32>
    %select_n3A_153 = arith.select %eq3A_151, %broadcast_in_dim3A_152, %select_n3A_142 : vector<64x8192xi1>, vector<64x8192xi32>
    %broadcast_in_dim3A_154 = vector.broadcast %get3A_34 : i32 to vector<64x8192xi32>
    %select_n3A_155 = arith.select %eq3A_151, %broadcast_in_dim3A_154, %select_n3A_144 : vector<64x8192xi1>, vector<64x8192xi32>
    %broadcast_in_dim3A_156 = vector.broadcast %get3A_54 : f32 to vector<64x8192xf32>
    %select_n3A_157 = arith.select %eq3A_151, %broadcast_in_dim3A_156, %select_n3A_146 : vector<64x8192xi1>, vector<64x8192xf32>
    %broadcast_in_dim3A_158 = vector.broadcast %get3A_74 : f32 to vector<64x8192xf32>
    %select_n3A_159 = arith.select %eq3A_151, %broadcast_in_dim3A_158, %select_n3A_148 : vector<64x8192xi1>, vector<64x8192xf32>
    %eq3A_160 = arith.constant 8 : i32
    %eq3A_161 = vector.broadcast %eq3A_160 : i32 to vector<64x8192xi32>
    %eq3A_162 = arith.cmpi eq, %get3A_81, %eq3A_161 : vector<64x8192xi32>
    %broadcast_in_dim3A_163 = vector.broadcast %get3A_16 : i32 to vector<64x8192xi32>
    %select_n3A_164 = arith.select %eq3A_162, %broadcast_in_dim3A_163, %select_n3A_153 : vector<64x8192xi1>, vector<64x8192xi32>
    %broadcast_in_dim3A_165 = vector.broadcast %get3A_36 : i32 to vector<64x8192xi32>
    %select_n3A_166 = arith.select %eq3A_162, %broadcast_in_dim3A_165, %select_n3A_155 : vector<64x8192xi1>, vector<64x8192xi32>
    %broadcast_in_dim3A_167 = vector.broadcast %get3A_56 : f32 to vector<64x8192xf32>
    %select_n3A_168 = arith.select %eq3A_162, %broadcast_in_dim3A_167, %select_n3A_157 : vector<64x8192xi1>, vector<64x8192xf32>
    %broadcast_in_dim3A_169 = vector.broadcast %get3A_76 : f32 to vector<64x8192xf32>
    %select_n3A_170 = arith.select %eq3A_162, %broadcast_in_dim3A_169, %select_n3A_159 : vector<64x8192xi1>, vector<64x8192xf32>
    %eq3A_171 = arith.constant 9 : i32
    %eq3A_172 = vector.broadcast %eq3A_171 : i32 to vector<64x8192xi32>
    %eq3A_173 = arith.cmpi eq, %get3A_81, %eq3A_172 : vector<64x8192xi32>
    %broadcast_in_dim3A_174 = vector.broadcast %get3A_18 : i32 to vector<64x8192xi32>
    %select_n3A_175 = arith.select %eq3A_173, %broadcast_in_dim3A_174, %select_n3A_164 : vector<64x8192xi1>, vector<64x8192xi32>
    %broadcast_in_dim3A_176 = vector.broadcast %get3A_38 : i32 to vector<64x8192xi32>
    %select_n3A_177 = arith.select %eq3A_173, %broadcast_in_dim3A_176, %select_n3A_166 : vector<64x8192xi1>, vector<64x8192xi32>
    %broadcast_in_dim3A_178 = vector.broadcast %get3A_58 : f32 to vector<64x8192xf32>
    %select_n3A_179 = arith.select %eq3A_173, %broadcast_in_dim3A_178, %select_n3A_168 : vector<64x8192xi1>, vector<64x8192xf32>
    %broadcast_in_dim3A_180 = vector.broadcast %get3A_78 : f32 to vector<64x8192xf32>
    %select_n3A_181 = arith.select %eq3A_173, %broadcast_in_dim3A_180, %select_n3A_170 : vector<64x8192xi1>, vector<64x8192xf32>
    %shift_left3A = arith.constant 19 : i32
    %shift_left3A_182 = arith.shli %arg0, %shift_left3A : i32
    %iota3A = tpu.iota {dimensions = array<i32: 0>} : vector<64x8192xi32>
    %shift_left3A_183 = arith.constant 13 : i32
    %shift_left3A_184 = vector.broadcast %shift_left3A_183 : i32 to vector<64x8192xi32>
    %shift_left3A_185 = arith.shli %iota3A, %shift_left3A_184 : vector<64x8192xi32>
    %iota3A_186 = tpu.iota {dimensions = array<i32: 1>} : vector<64x8192xi32>
    %or3A = arith.ori %shift_left3A_185, %iota3A_186 : vector<64x8192xi32>
    %or3A_187 = vector.broadcast %shift_left3A_182 : i32 to vector<64x8192xi32>
    %or3A_188 = arith.ori %or3A_187, %or3A : vector<64x8192xi32>
    %add3A = arith.addi %or3A_188, %select_n3A_177 : vector<64x8192xi32>
    %xor3A = arith.xori %select_n3A_175, %select_n3A_177 : vector<64x8192xi32>
    %xor3A_189 = arith.constant 466688986 : i32
    %xor3A_190 = vector.broadcast %xor3A_189 : i32 to vector<64x8192xi32>
    %xor3A_191 = arith.xori %xor3A, %xor3A_190 : vector<64x8192xi32>
    %add3A_192 = arith.addi %select_n3A_175, %add3A : vector<64x8192xi32>
    %shift_left3A_193 = arith.constant 13 : i32
    %shift_left3A_194 = vector.broadcast %shift_left3A_193 : i32 to vector<64x8192xi32>
    %shift_left3A_195 = arith.shli %add3A, %shift_left3A_194 : vector<64x8192xi32>
    %shift_right_logical3A = arith.constant 19 : i32
    %shift_right_logical3A_196 = vector.broadcast %shift_right_logical3A : i32 to vector<64x8192xi32>
    %shift_right_logical3A_197 = arith.shrui %add3A, %shift_right_logical3A_196 : vector<64x8192xi32>
    %or3A_198 = arith.ori %shift_left3A_195, %shift_right_logical3A_197 : vector<64x8192xi32>
    %xor3A_199 = arith.xori %or3A_198, %add3A_192 : vector<64x8192xi32>
    %add3A_200 = arith.addi %add3A_192, %xor3A_199 : vector<64x8192xi32>
    %shift_left3A_201 = arith.constant 15 : i32
    %shift_left3A_202 = vector.broadcast %shift_left3A_201 : i32 to vector<64x8192xi32>
    %shift_left3A_203 = arith.shli %xor3A_199, %shift_left3A_202 : vector<64x8192xi32>
    %shift_right_logical3A_204 = arith.constant 17 : i32
    %shift_right_logical3A_205 = vector.broadcast %shift_right_logical3A_204 : i32 to vector<64x8192xi32>
    %shift_right_logical3A_206 = arith.shrui %xor3A_199, %shift_right_logical3A_205 : vector<64x8192xi32>
    %or3A_207 = arith.ori %shift_left3A_203, %shift_right_logical3A_206 : vector<64x8192xi32>
    %xor3A_208 = arith.xori %or3A_207, %add3A_200 : vector<64x8192xi32>
    %add3A_209 = arith.addi %add3A_200, %xor3A_208 : vector<64x8192xi32>
    %shift_left3A_210 = arith.constant 26 : i32
    %shift_left3A_211 = vector.broadcast %shift_left3A_210 : i32 to vector<64x8192xi32>
    %shift_left3A_212 = arith.shli %xor3A_208, %shift_left3A_211 : vector<64x8192xi32>
    %shift_right_logical3A_213 = arith.constant 6 : i32
    %shift_right_logical3A_214 = vector.broadcast %shift_right_logical3A_213 : i32 to vector<64x8192xi32>
    %shift_right_logical3A_215 = arith.shrui %xor3A_208, %shift_right_logical3A_214 : vector<64x8192xi32>
    %or3A_216 = arith.ori %shift_left3A_212, %shift_right_logical3A_215 : vector<64x8192xi32>
    %xor3A_217 = arith.xori %or3A_216, %add3A_209 : vector<64x8192xi32>
    %add3A_218 = arith.addi %add3A_209, %xor3A_217 : vector<64x8192xi32>
    %shift_left3A_219 = arith.constant 6 : i32
    %shift_left3A_220 = vector.broadcast %shift_left3A_219 : i32 to vector<64x8192xi32>
    %shift_left3A_221 = arith.shli %xor3A_217, %shift_left3A_220 : vector<64x8192xi32>
    %shift_right_logical3A_222 = arith.constant 26 : i32
    %shift_right_logical3A_223 = vector.broadcast %shift_right_logical3A_222 : i32 to vector<64x8192xi32>
    %shift_right_logical3A_224 = arith.shrui %xor3A_217, %shift_right_logical3A_223 : vector<64x8192xi32>
    %or3A_225 = arith.ori %shift_left3A_221, %shift_right_logical3A_224 : vector<64x8192xi32>
    %xor3A_226 = arith.xori %or3A_225, %add3A_218 : vector<64x8192xi32>
    %add3A_227 = arith.addi %add3A_218, %select_n3A_177 : vector<64x8192xi32>
    %add3A_228 = arith.addi %xor3A_226, %xor3A_191 : vector<64x8192xi32>
    %add3A_229 = arith.constant 1 : i32
    %add3A_230 = vector.broadcast %add3A_229 : i32 to vector<64x8192xi32>
    %add3A_231 = arith.addi %add3A_228, %add3A_230 : vector<64x8192xi32>
    %add3A_232 = arith.addi %add3A_227, %add3A_231 : vector<64x8192xi32>
    %shift_left3A_233 = arith.constant 17 : i32
    %shift_left3A_234 = vector.broadcast %shift_left3A_233 : i32 to vector<64x8192xi32>
    %shift_left3A_235 = arith.shli %add3A_231, %shift_left3A_234 : vector<64x8192xi32>
    %shift_right_logical3A_236 = arith.constant 15 : i32
    %shift_right_logical3A_237 = vector.broadcast %shift_right_logical3A_236 : i32 to vector<64x8192xi32>
    %shift_right_logical3A_238 = arith.shrui %add3A_231, %shift_right_logical3A_237 : vector<64x8192xi32>
    %or3A_239 = arith.ori %shift_left3A_235, %shift_right_logical3A_238 : vector<64x8192xi32>
    %xor3A_240 = arith.xori %or3A_239, %add3A_232 : vector<64x8192xi32>
    %add3A_241 = arith.addi %add3A_232, %xor3A_240 : vector<64x8192xi32>
    %shift_left3A_242 = arith.constant 29 : i32
    %shift_left3A_243 = vector.broadcast %shift_left3A_242 : i32 to vector<64x8192xi32>
    %shift_left3A_244 = arith.shli %xor3A_240, %shift_left3A_243 : vector<64x8192xi32>
    %shift_right_logical3A_245 = arith.constant 3 : i32
    %shift_right_logical3A_246 = vector.broadcast %shift_right_logical3A_245 : i32 to vector<64x8192xi32>
    %shift_right_logical3A_247 = arith.shrui %xor3A_240, %shift_right_logical3A_246 : vector<64x8192xi32>
    %or3A_248 = arith.ori %shift_left3A_244, %shift_right_logical3A_247 : vector<64x8192xi32>
    %xor3A_249 = arith.xori %or3A_248, %add3A_241 : vector<64x8192xi32>
    %add3A_250 = arith.addi %add3A_241, %xor3A_249 : vector<64x8192xi32>
    %shift_left3A_251 = arith.constant 16 : i32
    %shift_left3A_252 = vector.broadcast %shift_left3A_251 : i32 to vector<64x8192xi32>
    %shift_left3A_253 = arith.shli %xor3A_249, %shift_left3A_252 : vector<64x8192xi32>
    %shift_right_logical3A_254 = arith.constant 16 : i32
    %shift_right_logical3A_255 = vector.broadcast %shift_right_logical3A_254 : i32 to vector<64x8192xi32>
    %shift_right_logical3A_256 = arith.shrui %xor3A_249, %shift_right_logical3A_255 : vector<64x8192xi32>
    %or3A_257 = arith.ori %shift_left3A_253, %shift_right_logical3A_256 : vector<64x8192xi32>
    %xor3A_258 = arith.xori %or3A_257, %add3A_250 : vector<64x8192xi32>
    %add3A_259 = arith.addi %add3A_250, %xor3A_258 : vector<64x8192xi32>
    %shift_left3A_260 = arith.constant 24 : i32
    %shift_left3A_261 = vector.broadcast %shift_left3A_260 : i32 to vector<64x8192xi32>
    %shift_left3A_262 = arith.shli %xor3A_258, %shift_left3A_261 : vector<64x8192xi32>
    %shift_right_logical3A_263 = arith.constant 8 : i32
    %shift_right_logical3A_264 = vector.broadcast %shift_right_logical3A_263 : i32 to vector<64x8192xi32>
    %shift_right_logical3A_265 = arith.shrui %xor3A_258, %shift_right_logical3A_264 : vector<64x8192xi32>
    %or3A_266 = arith.ori %shift_left3A_262, %shift_right_logical3A_265 : vector<64x8192xi32>
    %xor3A_267 = arith.xori %or3A_266, %add3A_259 : vector<64x8192xi32>
    %add3A_268 = arith.addi %add3A_259, %xor3A_191 : vector<64x8192xi32>
    %add3A_269 = arith.addi %xor3A_267, %select_n3A_175 : vector<64x8192xi32>
    %add3A_270 = arith.constant 2 : i32
    %add3A_271 = vector.broadcast %add3A_270 : i32 to vector<64x8192xi32>
    %add3A_272 = arith.addi %add3A_269, %add3A_271 : vector<64x8192xi32>
    %add3A_273 = arith.addi %add3A_268, %add3A_272 : vector<64x8192xi32>
    %shift_left3A_274 = arith.constant 13 : i32
    %shift_left3A_275 = vector.broadcast %shift_left3A_274 : i32 to vector<64x8192xi32>
    %shift_left3A_276 = arith.shli %add3A_272, %shift_left3A_275 : vector<64x8192xi32>
    %shift_right_logical3A_277 = arith.constant 19 : i32
    %shift_right_logical3A_278 = vector.broadcast %shift_right_logical3A_277 : i32 to vector<64x8192xi32>
    %shift_right_logical3A_279 = arith.shrui %add3A_272, %shift_right_logical3A_278 : vector<64x8192xi32>
    %or3A_280 = arith.ori %shift_left3A_276, %shift_right_logical3A_279 : vector<64x8192xi32>
    %xor3A_281 = arith.xori %or3A_280, %add3A_273 : vector<64x8192xi32>
    %add3A_282 = arith.addi %add3A_273, %xor3A_281 : vector<64x8192xi32>
    %shift_left3A_283 = arith.constant 15 : i32
    %shift_left3A_284 = vector.broadcast %shift_left3A_283 : i32 to vector<64x8192xi32>
    %shift_left3A_285 = arith.shli %xor3A_281, %shift_left3A_284 : vector<64x8192xi32>
    %shift_right_logical3A_286 = arith.constant 17 : i32
    %shift_right_logical3A_287 = vector.broadcast %shift_right_logical3A_286 : i32 to vector<64x8192xi32>
    %shift_right_logical3A_288 = arith.shrui %xor3A_281, %shift_right_logical3A_287 : vector<64x8192xi32>
    %or3A_289 = arith.ori %shift_left3A_285, %shift_right_logical3A_288 : vector<64x8192xi32>
    %xor3A_290 = arith.xori %or3A_289, %add3A_282 : vector<64x8192xi32>
    %add3A_291 = arith.addi %add3A_282, %xor3A_290 : vector<64x8192xi32>
    %shift_left3A_292 = arith.constant 26 : i32
    %shift_left3A_293 = vector.broadcast %shift_left3A_292 : i32 to vector<64x8192xi32>
    %shift_left3A_294 = arith.shli %xor3A_290, %shift_left3A_293 : vector<64x8192xi32>
    %shift_right_logical3A_295 = arith.constant 6 : i32
    %shift_right_logical3A_296 = vector.broadcast %shift_right_logical3A_295 : i32 to vector<64x8192xi32>
    %shift_right_logical3A_297 = arith.shrui %xor3A_290, %shift_right_logical3A_296 : vector<64x8192xi32>
    %or3A_298 = arith.ori %shift_left3A_294, %shift_right_logical3A_297 : vector<64x8192xi32>
    %xor3A_299 = arith.xori %or3A_298, %add3A_291 : vector<64x8192xi32>
    %add3A_300 = arith.addi %add3A_291, %xor3A_299 : vector<64x8192xi32>
    %shift_left3A_301 = arith.constant 6 : i32
    %shift_left3A_302 = vector.broadcast %shift_left3A_301 : i32 to vector<64x8192xi32>
    %shift_left3A_303 = arith.shli %xor3A_299, %shift_left3A_302 : vector<64x8192xi32>
    %shift_right_logical3A_304 = arith.constant 26 : i32
    %shift_right_logical3A_305 = vector.broadcast %shift_right_logical3A_304 : i32 to vector<64x8192xi32>
    %shift_right_logical3A_306 = arith.shrui %xor3A_299, %shift_right_logical3A_305 : vector<64x8192xi32>
    %or3A_307 = arith.ori %shift_left3A_303, %shift_right_logical3A_306 : vector<64x8192xi32>
    %xor3A_308 = arith.xori %or3A_307, %add3A_300 : vector<64x8192xi32>
    %add3A_309 = arith.addi %add3A_300, %select_n3A_175 : vector<64x8192xi32>
    %add3A_310 = arith.addi %xor3A_308, %select_n3A_177 : vector<64x8192xi32>
    %add3A_311 = arith.constant 3 : i32
    %add3A_312 = vector.broadcast %add3A_311 : i32 to vector<64x8192xi32>
    %add3A_313 = arith.addi %add3A_310, %add3A_312 : vector<64x8192xi32>
    %add3A_314 = arith.addi %add3A_309, %add3A_313 : vector<64x8192xi32>
    %shift_left3A_315 = arith.constant 17 : i32
    %shift_left3A_316 = vector.broadcast %shift_left3A_315 : i32 to vector<64x8192xi32>
    %shift_left3A_317 = arith.shli %add3A_313, %shift_left3A_316 : vector<64x8192xi32>
    %shift_right_logical3A_318 = arith.constant 15 : i32
    %shift_right_logical3A_319 = vector.broadcast %shift_right_logical3A_318 : i32 to vector<64x8192xi32>
    %shift_right_logical3A_320 = arith.shrui %add3A_313, %shift_right_logical3A_319 : vector<64x8192xi32>
    %or3A_321 = arith.ori %shift_left3A_317, %shift_right_logical3A_320 : vector<64x8192xi32>
    %xor3A_322 = arith.xori %or3A_321, %add3A_314 : vector<64x8192xi32>
    %add3A_323 = arith.addi %add3A_314, %xor3A_322 : vector<64x8192xi32>
    %shift_left3A_324 = arith.constant 29 : i32
    %shift_left3A_325 = vector.broadcast %shift_left3A_324 : i32 to vector<64x8192xi32>
    %shift_left3A_326 = arith.shli %xor3A_322, %shift_left3A_325 : vector<64x8192xi32>
    %shift_right_logical3A_327 = arith.constant 3 : i32
    %shift_right_logical3A_328 = vector.broadcast %shift_right_logical3A_327 : i32 to vector<64x8192xi32>
    %shift_right_logical3A_329 = arith.shrui %xor3A_322, %shift_right_logical3A_328 : vector<64x8192xi32>
    %or3A_330 = arith.ori %shift_left3A_326, %shift_right_logical3A_329 : vector<64x8192xi32>
    %xor3A_331 = arith.xori %or3A_330, %add3A_323 : vector<64x8192xi32>
    %add3A_332 = arith.addi %add3A_323, %xor3A_331 : vector<64x8192xi32>
    %shift_left3A_333 = arith.constant 16 : i32
    %shift_left3A_334 = vector.broadcast %shift_left3A_333 : i32 to vector<64x8192xi32>
    %shift_left3A_335 = arith.shli %xor3A_331, %shift_left3A_334 : vector<64x8192xi32>
    %shift_right_logical3A_336 = arith.constant 16 : i32
    %shift_right_logical3A_337 = vector.broadcast %shift_right_logical3A_336 : i32 to vector<64x8192xi32>
    %shift_right_logical3A_338 = arith.shrui %xor3A_331, %shift_right_logical3A_337 : vector<64x8192xi32>
    %or3A_339 = arith.ori %shift_left3A_335, %shift_right_logical3A_338 : vector<64x8192xi32>
    %xor3A_340 = arith.xori %or3A_339, %add3A_332 : vector<64x8192xi32>
    %add3A_341 = arith.addi %add3A_332, %xor3A_340 : vector<64x8192xi32>
    %shift_left3A_342 = arith.constant 24 : i32
    %shift_left3A_343 = vector.broadcast %shift_left3A_342 : i32 to vector<64x8192xi32>
    %shift_left3A_344 = arith.shli %xor3A_340, %shift_left3A_343 : vector<64x8192xi32>
    %shift_right_logical3A_345 = arith.constant 8 : i32
    %shift_right_logical3A_346 = vector.broadcast %shift_right_logical3A_345 : i32 to vector<64x8192xi32>
    %shift_right_logical3A_347 = arith.shrui %xor3A_340, %shift_right_logical3A_346 : vector<64x8192xi32>
    %or3A_348 = arith.ori %shift_left3A_344, %shift_right_logical3A_347 : vector<64x8192xi32>
    %xor3A_349 = arith.xori %or3A_348, %add3A_341 : vector<64x8192xi32>
    %add3A_350 = arith.addi %add3A_341, %select_n3A_177 : vector<64x8192xi32>
    %add3A_351 = arith.addi %xor3A_349, %xor3A_191 : vector<64x8192xi32>
    %add3A_352 = arith.constant 4 : i32
    %add3A_353 = vector.broadcast %add3A_352 : i32 to vector<64x8192xi32>
    %add3A_354 = arith.addi %add3A_351, %add3A_353 : vector<64x8192xi32>
    %add3A_355 = arith.addi %add3A_350, %add3A_354 : vector<64x8192xi32>
    %shift_left3A_356 = arith.constant 13 : i32
    %shift_left3A_357 = vector.broadcast %shift_left3A_356 : i32 to vector<64x8192xi32>
    %shift_left3A_358 = arith.shli %add3A_354, %shift_left3A_357 : vector<64x8192xi32>
    %shift_right_logical3A_359 = arith.constant 19 : i32
    %shift_right_logical3A_360 = vector.broadcast %shift_right_logical3A_359 : i32 to vector<64x8192xi32>
    %shift_right_logical3A_361 = arith.shrui %add3A_354, %shift_right_logical3A_360 : vector<64x8192xi32>
    %or3A_362 = arith.ori %shift_left3A_358, %shift_right_logical3A_361 : vector<64x8192xi32>
    %xor3A_363 = arith.xori %or3A_362, %add3A_355 : vector<64x8192xi32>
    %add3A_364 = arith.addi %add3A_355, %xor3A_363 : vector<64x8192xi32>
    %shift_left3A_365 = arith.constant 15 : i32
    %shift_left3A_366 = vector.broadcast %shift_left3A_365 : i32 to vector<64x8192xi32>
    %shift_left3A_367 = arith.shli %xor3A_363, %shift_left3A_366 : vector<64x8192xi32>
    %shift_right_logical3A_368 = arith.constant 17 : i32
    %shift_right_logical3A_369 = vector.broadcast %shift_right_logical3A_368 : i32 to vector<64x8192xi32>
    %shift_right_logical3A_370 = arith.shrui %xor3A_363, %shift_right_logical3A_369 : vector<64x8192xi32>
    %or3A_371 = arith.ori %shift_left3A_367, %shift_right_logical3A_370 : vector<64x8192xi32>
    %xor3A_372 = arith.xori %or3A_371, %add3A_364 : vector<64x8192xi32>
    %add3A_373 = arith.addi %add3A_364, %xor3A_372 : vector<64x8192xi32>
    %shift_left3A_374 = arith.constant 26 : i32
    %shift_left3A_375 = vector.broadcast %shift_left3A_374 : i32 to vector<64x8192xi32>
    %shift_left3A_376 = arith.shli %xor3A_372, %shift_left3A_375 : vector<64x8192xi32>
    %shift_right_logical3A_377 = arith.constant 6 : i32
    %shift_right_logical3A_378 = vector.broadcast %shift_right_logical3A_377 : i32 to vector<64x8192xi32>
    %shift_right_logical3A_379 = arith.shrui %xor3A_372, %shift_right_logical3A_378 : vector<64x8192xi32>
    %or3A_380 = arith.ori %shift_left3A_376, %shift_right_logical3A_379 : vector<64x8192xi32>
    %xor3A_381 = arith.xori %or3A_380, %add3A_373 : vector<64x8192xi32>
    %add3A_382 = arith.addi %add3A_373, %xor3A_381 : vector<64x8192xi32>
    %shift_left3A_383 = arith.constant 6 : i32
    %shift_left3A_384 = vector.broadcast %shift_left3A_383 : i32 to vector<64x8192xi32>
    %shift_left3A_385 = arith.shli %xor3A_381, %shift_left3A_384 : vector<64x8192xi32>
    %shift_right_logical3A_386 = arith.constant 26 : i32
    %shift_right_logical3A_387 = vector.broadcast %shift_right_logical3A_386 : i32 to vector<64x8192xi32>
    %shift_right_logical3A_388 = arith.shrui %xor3A_381, %shift_right_logical3A_387 : vector<64x8192xi32>
    %or3A_389 = arith.ori %shift_left3A_385, %shift_right_logical3A_388 : vector<64x8192xi32>
    %xor3A_390 = arith.xori %or3A_389, %add3A_382 : vector<64x8192xi32>
    %add3A_391 = arith.addi %add3A_382, %xor3A_191 : vector<64x8192xi32>
    %add3A_392 = arith.addi %xor3A_390, %select_n3A_175 : vector<64x8192xi32>
    %add3A_393 = arith.constant 5 : i32
    %add3A_394 = vector.broadcast %add3A_393 : i32 to vector<64x8192xi32>
    %add3A_395 = arith.addi %add3A_392, %add3A_394 : vector<64x8192xi32>
    %xor3A_396 = arith.xori %add3A_391, %add3A_395 : vector<64x8192xi32>
    %shift_right_logical3A_397 = arith.constant 9 : i32
    %shift_right_logical3A_398 = vector.broadcast %shift_right_logical3A_397 : i32 to vector<64x8192xi32>
    %shift_right_logical3A_399 = arith.shrui %xor3A_396, %shift_right_logical3A_398 : vector<64x8192xi32>
    %or3A_400 = arith.constant 1065353216 : i32
    %or3A_401 = vector.broadcast %or3A_400 : i32 to vector<64x8192xi32>
    %or3A_402 = arith.ori %shift_right_logical3A_399, %or3A_401 : vector<64x8192xi32>
    %bitcast_convert_type3A = tpu.bitcast %or3A_402 : vector<64x8192xi32> -> vector<64x8192xf32>
    %sub3A = arith.constant 1.000000e+00 : f32
    %sub3A_403 = vector.broadcast %sub3A : f32 to vector<64x8192xf32>
    %sub3A_404 = arith.subf %bitcast_convert_type3A, %sub3A_403 : vector<64x8192xf32>
    %mul3A = arith.constant 2.000000e+00 : f32
    %mul3A_405 = vector.broadcast %mul3A : f32 to vector<64x8192xf32>
    %mul3A_406 = arith.mulf %sub3A_404, %mul3A_405 : vector<64x8192xf32>
    %add3A_407 = arith.constant -0.99999994 : f32
    %add3A_408 = vector.broadcast %add3A_407 : f32 to vector<64x8192xf32>
    %add3A_409 = arith.addf %mul3A_406, %add3A_408 : vector<64x8192xf32>
    %max3A = arith.constant -0.99999994 : f32
    %max3A_410 = vector.broadcast %max3A : f32 to vector<64x8192xf32>
    %max3A_411 = arith.maximumf %max3A_410, %add3A_409 : vector<64x8192xf32>
    %mul3A_412 = arith.mulf %max3A_411, %max3A_411 : vector<64x8192xf32>
    %sub3A_413 = arith.constant 1.000000e+00 : f32
    %sub3A_414 = vector.broadcast %sub3A_413 : f32 to vector<64x8192xf32>
    %sub3A_415 = arith.subf %sub3A_414, %mul3A_412 : vector<64x8192xf32>
    %bitcast_convert_type3A_416 = tpu.bitcast %sub3A_415 : vector<64x8192xf32> -> vector<64x8192xi32>
    %shift_right_logical3A_417 = arith.constant 23 : i32
    %shift_right_logical3A_418 = vector.broadcast %shift_right_logical3A_417 : i32 to vector<64x8192xi32>
    %shift_right_logical3A_419 = arith.shrui %bitcast_convert_type3A_416, %shift_right_logical3A_418 : vector<64x8192xi32>
    %sub3A_420 = arith.constant 127 : i32
    %sub3A_421 = vector.broadcast %sub3A_420 : i32 to vector<64x8192xi32>
    %sub3A_422 = arith.subi %shift_right_logical3A_419, %sub3A_421 : vector<64x8192xi32>
    %and3A = arith.constant 8388607 : i32
    %and3A_423 = vector.broadcast %and3A : i32 to vector<64x8192xi32>
    %and3A_424 = arith.andi %bitcast_convert_type3A_416, %and3A_423 : vector<64x8192xi32>
    %or3A_425 = arith.constant 1065353216 : i32
    %or3A_426 = vector.broadcast %or3A_425 : i32 to vector<64x8192xi32>
    %or3A_427 = arith.ori %and3A_424, %or3A_426 : vector<64x8192xi32>
    %bitcast_convert_type3A_428 = tpu.bitcast %or3A_427 : vector<64x8192xi32> -> vector<64x8192xf32>
    %broadcast_in_dim3A_429 = arith.constant -0.0248256065 : f32
    %broadcast_in_dim3A_430 = vector.broadcast %broadcast_in_dim3A_429 : f32 to vector<64x8192xf32>
    %mul3A_431 = arith.mulf %broadcast_in_dim3A_430, %bitcast_convert_type3A_428 : vector<64x8192xf32>
    %add3A_432 = arith.constant 0.266858816 : f32
    %add3A_433 = vector.broadcast %add3A_432 : f32 to vector<64x8192xf32>
    %add3A_434 = arith.addf %mul3A_431, %add3A_433 : vector<64x8192xf32>
    %mul3A_435 = arith.mulf %add3A_434, %bitcast_convert_type3A_428 : vector<64x8192xf32>
    %add3A_436 = arith.constant -1.23426318 : f32
    %add3A_437 = vector.broadcast %add3A_436 : f32 to vector<64x8192xf32>
    %add3A_438 = arith.addf %mul3A_435, %add3A_437 : vector<64x8192xf32>
    %mul3A_439 = arith.mulf %add3A_438, %bitcast_convert_type3A_428 : vector<64x8192xf32>
    %add3A_440 = arith.constant 3.21883273 : f32
    %add3A_441 = vector.broadcast %add3A_440 : f32 to vector<64x8192xf32>
    %add3A_442 = arith.addf %mul3A_439, %add3A_441 : vector<64x8192xf32>
    %mul3A_443 = arith.mulf %add3A_442, %bitcast_convert_type3A_428 : vector<64x8192xf32>
    %add3A_444 = arith.constant -5.26411057 : f32
    %add3A_445 = vector.broadcast %add3A_444 : f32 to vector<64x8192xf32>
    %add3A_446 = arith.addf %mul3A_443, %add3A_445 : vector<64x8192xf32>
    %mul3A_447 = arith.mulf %add3A_446, %bitcast_convert_type3A_428 : vector<64x8192xf32>
    %add3A_448 = arith.constant 6.065830e+00 : f32
    %add3A_449 = vector.broadcast %add3A_448 : f32 to vector<64x8192xf32>
    %add3A_450 = arith.addf %mul3A_447, %add3A_449 : vector<64x8192xf32>
    %mul3A_451 = arith.mulf %add3A_450, %bitcast_convert_type3A_428 : vector<64x8192xf32>
    %add3A_452 = arith.constant -3.02831745 : f32
    %add3A_453 = vector.broadcast %add3A_452 : f32 to vector<64x8192xf32>
    %add3A_454 = arith.addf %mul3A_451, %add3A_453 : vector<64x8192xf32>
    %convert_element_type3A = arith.sitofp %sub3A_422 : vector<64x8192xi32> to vector<64x8192xf32>
    %add3A_455 = arith.addf %convert_element_type3A, %add3A_454 : vector<64x8192xf32>
    %mul3A_456 = arith.constant -0.693147182 : f32
    %mul3A_457 = vector.broadcast %mul3A_456 : f32 to vector<64x8192xf32>
    %mul3A_458 = arith.mulf %mul3A_457, %add3A_455 : vector<64x8192xf32>
    %sub3A_459 = arith.constant 2.500000e+00 : f32
    %sub3A_460 = vector.broadcast %sub3A_459 : f32 to vector<64x8192xf32>
    %sub3A_461 = arith.subf %mul3A_458, %sub3A_460 : vector<64x8192xf32>
    %broadcast_in_dim3A_462 = arith.constant 2.81022636E-8 : f32
    %broadcast_in_dim3A_463 = vector.broadcast %broadcast_in_dim3A_462 : f32 to vector<64x8192xf32>
    %mul3A_464 = arith.mulf %broadcast_in_dim3A_463, %sub3A_461 : vector<64x8192xf32>
    %add3A_465 = arith.constant 3.43273939E-7 : f32
    %add3A_466 = vector.broadcast %add3A_465 : f32 to vector<64x8192xf32>
    %add3A_467 = arith.addf %mul3A_464, %add3A_466 : vector<64x8192xf32>
    %mul3A_468 = arith.mulf %add3A_467, %sub3A_461 : vector<64x8192xf32>
    %add3A_469 = arith.constant -3.5233877E-6 : f32
    %add3A_470 = vector.broadcast %add3A_469 : f32 to vector<64x8192xf32>
    %add3A_471 = arith.addf %mul3A_468, %add3A_470 : vector<64x8192xf32>
    %mul3A_472 = arith.mulf %add3A_471, %sub3A_461 : vector<64x8192xf32>
    %add3A_473 = arith.constant -4.39150654E-6 : f32
    %add3A_474 = vector.broadcast %add3A_473 : f32 to vector<64x8192xf32>
    %add3A_475 = arith.addf %mul3A_472, %add3A_474 : vector<64x8192xf32>
    %mul3A_476 = arith.mulf %add3A_475, %sub3A_461 : vector<64x8192xf32>
    %add3A_477 = arith.constant 2.1858087E-4 : f32
    %add3A_478 = vector.broadcast %add3A_477 : f32 to vector<64x8192xf32>
    %add3A_479 = arith.addf %mul3A_476, %add3A_478 : vector<64x8192xf32>
    %mul3A_480 = arith.mulf %add3A_479, %sub3A_461 : vector<64x8192xf32>
    %add3A_481 = arith.constant -0.00125372503 : f32
    %add3A_482 = vector.broadcast %add3A_481 : f32 to vector<64x8192xf32>
    %add3A_483 = arith.addf %mul3A_480, %add3A_482 : vector<64x8192xf32>
    %mul3A_484 = arith.mulf %add3A_483, %sub3A_461 : vector<64x8192xf32>
    %add3A_485 = arith.constant -0.00417768164 : f32
    %add3A_486 = vector.broadcast %add3A_485 : f32 to vector<64x8192xf32>
    %add3A_487 = arith.addf %mul3A_484, %add3A_486 : vector<64x8192xf32>
    %mul3A_488 = arith.mulf %add3A_487, %sub3A_461 : vector<64x8192xf32>
    %add3A_489 = arith.constant 0.246640727 : f32
    %add3A_490 = vector.broadcast %add3A_489 : f32 to vector<64x8192xf32>
    %add3A_491 = arith.addf %mul3A_488, %add3A_490 : vector<64x8192xf32>
    %mul3A_492 = arith.mulf %add3A_491, %sub3A_461 : vector<64x8192xf32>
    %add3A_493 = arith.constant 1.50140941 : f32
    %add3A_494 = vector.broadcast %add3A_493 : f32 to vector<64x8192xf32>
    %add3A_495 = arith.addf %mul3A_492, %add3A_494 : vector<64x8192xf32>
    %max3A_496 = arith.constant 0.000000e+00 : f32
    %max3A_497 = vector.broadcast %max3A_496 : f32 to vector<64x8192xf32>
    %max3A_498 = arith.maximumf %mul3A_458, %max3A_497 : vector<64x8192xf32>
    %sqrt3A = math.sqrt %max3A_498 : vector<64x8192xf32>
    %sub3A_499 = arith.constant 3.000000e+00 : f32
    %sub3A_500 = vector.broadcast %sub3A_499 : f32 to vector<64x8192xf32>
    %sub3A_501 = arith.subf %sqrt3A, %sub3A_500 : vector<64x8192xf32>
    %broadcast_in_dim3A_502 = arith.constant -2.00214257E-4 : f32
    %broadcast_in_dim3A_503 = vector.broadcast %broadcast_in_dim3A_502 : f32 to vector<64x8192xf32>
    %mul3A_504 = arith.mulf %broadcast_in_dim3A_503, %sub3A_501 : vector<64x8192xf32>
    %add3A_505 = arith.constant 1.00950558E-4 : f32
    %add3A_506 = vector.broadcast %add3A_505 : f32 to vector<64x8192xf32>
    %add3A_507 = arith.addf %mul3A_504, %add3A_506 : vector<64x8192xf32>
    %mul3A_508 = arith.mulf %add3A_507, %sub3A_501 : vector<64x8192xf32>
    %add3A_509 = arith.constant 0.00134934322 : f32
    %add3A_510 = vector.broadcast %add3A_509 : f32 to vector<64x8192xf32>
    %add3A_511 = arith.addf %mul3A_508, %add3A_510 : vector<64x8192xf32>
    %mul3A_512 = arith.mulf %add3A_511, %sub3A_501 : vector<64x8192xf32>
    %add3A_513 = arith.constant -0.00367342844 : f32
    %add3A_514 = vector.broadcast %add3A_513 : f32 to vector<64x8192xf32>
    %add3A_515 = arith.addf %mul3A_512, %add3A_514 : vector<64x8192xf32>
    %mul3A_516 = arith.mulf %add3A_515, %sub3A_501 : vector<64x8192xf32>
    %add3A_517 = arith.constant 0.00573950773 : f32
    %add3A_518 = vector.broadcast %add3A_517 : f32 to vector<64x8192xf32>
    %add3A_519 = arith.addf %mul3A_516, %add3A_518 : vector<64x8192xf32>
    %mul3A_520 = arith.mulf %add3A_519, %sub3A_501 : vector<64x8192xf32>
    %add3A_521 = arith.constant -0.0076224613 : f32
    %add3A_522 = vector.broadcast %add3A_521 : f32 to vector<64x8192xf32>
    %add3A_523 = arith.addf %mul3A_520, %add3A_522 : vector<64x8192xf32>
    %mul3A_524 = arith.mulf %add3A_523, %sub3A_501 : vector<64x8192xf32>
    %add3A_525 = arith.constant 0.00943887047 : f32
    %add3A_526 = vector.broadcast %add3A_525 : f32 to vector<64x8192xf32>
    %add3A_527 = arith.addf %mul3A_524, %add3A_526 : vector<64x8192xf32>
    %mul3A_528 = arith.mulf %add3A_527, %sub3A_501 : vector<64x8192xf32>
    %add3A_529 = arith.constant 1.00167406 : f32
    %add3A_530 = vector.broadcast %add3A_529 : f32 to vector<64x8192xf32>
    %add3A_531 = arith.addf %mul3A_528, %add3A_530 : vector<64x8192xf32>
    %mul3A_532 = arith.mulf %add3A_531, %sub3A_501 : vector<64x8192xf32>
    %add3A_533 = arith.constant 2.83297682 : f32
    %add3A_534 = vector.broadcast %add3A_533 : f32 to vector<64x8192xf32>
    %add3A_535 = arith.addf %mul3A_532, %add3A_534 : vector<64x8192xf32>
    %lt3A = arith.constant 5.000000e+00 : f32
    %lt3A_536 = vector.broadcast %lt3A : f32 to vector<64x8192xf32>
    %lt3A_537 = arith.cmpf olt, %mul3A_458, %lt3A_536 : vector<64x8192xf32>
    %select_n3A_538 = arith.select %lt3A_537, %add3A_495, %add3A_535 : vector<64x8192xi1>, vector<64x8192xf32>
    %mul3A_539 = arith.mulf %select_n3A_538, %max3A_411 : vector<64x8192xf32>
    %mul3A_540 = arith.mulf %select_n3A_181, %mul3A_539 : vector<64x8192xf32>
    %add3A_541 = arith.addf %select_n3A_179, %mul3A_540 : vector<64x8192xf32>
    %swap3A = arith.constant 0 : index
    %swap3A_542 = arith.constant 0 : index
    %swap3A_543 = vector.load %arg6[%swap3A, %swap3A_542] : memref<64x8192xf32, #tpu.memory_space<vmem>>, vector<64x8192xf32>
    tpu.vector_store %arg6[%swap3A, %swap3A_542], %add3A_541 {strides = array<i32>} : memref<64x8192xf32, #tpu.memory_space<vmem>>, vector<64x8192xf32>,
    return
  }
  func.func @transform_0(%arg0: i32) -> i32 {
    %c0_i32 = arith.constant 0 : i32
    %c0_i32_0 = arith.constant 0 : i32
    return %c0_i32 : i32
  }
  func.func @transform_1(%arg0: i32) -> i32 {
    %c0_i32 = arith.constant 0 : i32
    %c0_i32_0 = arith.constant 0 : i32
    return %c0_i32 : i32
  }
  func.func @transform_2(%arg0: i32) -> i32 {
    %c0_i32 = arith.constant 0 : i32
    %c0_i32_0 = arith.constant 0 : i32
    return %c0_i32 : i32
  }
  func.func @transform_3(%arg0: i32) -> i32 {
    %c0_i32 = arith.constant 0 : i32
    %c0_i32_0 = arith.constant 0 : i32
    return %c0_i32 : i32
  }
  func.func @transform_4(%arg0: i32) -> (i32, i32) {
    %c0_i32 = arith.constant 0 : i32
    %c0_i32_0 = arith.constant 0 : i32
    return %arg0, %c0_i32 : i32, i32
  }
  func.func @transform_5(%arg0: i32) -> (i32, i32) {
    %c0_i32 = arith.constant 0 : i32
    %c0_i32_0 = arith.constant 0 : i32
    return %arg0, %c0_i32 : i32, i32
  }
}

</mosaic_0001>

<sc_bundles>
// kernel: kernel.5.cloned.1.call-start
scs
__scs_entry_jumppad:
0x0: {  	(pc) =	sbr.rel $0x88, $3  }
0x1: {  	(tag) =	ssettag $0x0;
	lr =	simm.s32 $0x1  }
0x2: {  	[smem:$0x3FA0] =	sst lr;
	_ =	strace $0xD0000000  }
0x3: {  	_ = 	snop  }
0x4: {  	_ = 	snop  }
0x5: {  	_ = 	snop  }
0x6: {  	_ = 	snop  }
0x7: {  	_ = 	snop  }
__scs_overlays_trampoline_lowered:
0x8: {  	[smem:$0x3FAF] =	sst s0  }
0x9: {  	[smem:$0x3FB0] =	sst s1  }
0xa: {  	[smem:$0x3FB1] =	sst s2  }
0xb: {  	[smem:$0x3FB2] =	sst s3  }
0xc: {  	[smem:$0x3FB3] =	sst s4  }
0xd: {  	[smem:$0x3FB4] =	sst s5  }
0xe: {  	[smem:$0x3FB5] =	sst s6  }
0xf: {  	[smem:$0x3FB6] =	sst s7  }
0x10: {  	[smem:$0x3FB7] =	sst s8  }
0x11: {  	[smem:$0x3FB8] =	sst s9;
	s0 =	simm.s32 @!p0 $0x0  }
0x12: {  	s1 =	sld [smem:$0x3F9E];
	s0 =	simm.s32 @p0 $0x1  }
0x13: {  	[smem:$0x3FB9] =	sst s0;
	s0 =	simm.s32 @!p1 $0x0  }
0x14: {  	s2 =	sld [smem:$0x3F9D];
	s0 =	simm.s32 @p1 $0x1  }
0x15: {  	[smem:$0x3FBA] =	sst s0;
	s0 =	simm.s32 @!p2 $0x0  }
0x16: {  	s3 =	sld [smem:$0x3FDB];
	s0 =	simm.s32 @p2 $0x1  }
0x17: {  	s4 =	simm.s32 $0x1BF5;
	[smem:$0x3FBC] =	sst s0  }
0x18: {  	s0 =	sld [smem:$0x3F9F];
	_ =	swait.ge [sflag:s4], $0x0  }
0x19: {  	s7 =	sld [smem:$0x3FA0]  }
0x1a: {  	s8 =	sadd.s32 $0xFFFFE003, lr  }
0x1b: {  	s9 =	sadd.s32 $0xFFFFFEF7, lr;
	s5 =	simm.s32 $0xFFFFFFFF;
	p2 =	slt.u32 s8, $0xFFFFF086  }
0x1c: {  	p1 =	slt.u32 s9, $0xF7A;
	s5 =	simm.s32 @!p2 $0x0  }
0x1d: {  	s5 =	simm.s32 @p1 $0x1;
	p0 =	seq.s32 s7, s2  }
0x1e: {  	s7 =	smul.u32 @!p0 $0xF7A, s2;
	p2 =	seq.s32 @!p0 s5, $0x0  }
0x1f: {  	s9 =	smul.u32 $0xF7A, s1;
	s8 =	simm.s32 @!p0 $0x1BF5;
	p2 =	por !p2, p0  }
0x20: {  	[sflag:s8] =	ssyncset.s32 @!p0 $0xFFFFF086;
	s6 =	sadd.s32 @!p0 s3, s7;
	s7 =	simm.s32 @!p0 $0x108  }
0x21: {  	s3 =	sadd.s32 s3, s9;
	s6 =	sadd.s32 @!p0 $0x88, s6;
	s7 =	simm.s32 @p2 $0x1082  }
0x22: {  	[simem:s7], [sflag:s8] =	dma.local @!p0 [hbm:s6], $0xF7A  }
0x23: {  	s9 =	sor.u32 $0xD0000000, s2;
	s6 =	simm.s32 $0x108;
	_ =	swait.ge @!p0 [sflag:s8], $0x0  }
0x24: {  	s3 =	sadd.s32 $0x88, s3;
	s6 =	simm.s32 @!p1 $0x1082;
	[sflag:s4] =	ssyncset.s32 $0xFFFFF086  }
0x25: {  	[simem:s6], [sflag:s4] =	dma.local [hbm:s3], $0xF7A  }
0x26: {  	[smem:$0x3FA0] =	sst s1;
	(tag) =	ssettag s2;
	_ =	strace s9  }
0x27: {  	s1 =	sld [smem:$0x3FB0]  }
0x28: {  	s2 =	sld [smem:$0x3FB1]  }
0x29: {  	s4 =	sld [smem:$0x3FB3]  }
0x2a: {  	p0 =	seq.s32 s5, $0x0;
	s5 =	sld [smem:$0x3FB4]  }
0x2b: {  	s6 =	sld [smem:$0x3FB5]  }
0x2c: {  	s7 =	sld [smem:$0x3FB6]  }
0x2d: {  	s3 =	simm.s32 $0x108;
	s8 =	sld [smem:$0x3FB7]  }
0x2e: {  	s3 =	simm.s32 @!p0 $0x1082;
	s9 =	sld [smem:$0x3FB8]  }
0x2f: {  	lr =	sadd.s32 s0, s3;
	s0 =	sld [smem:$0x3FAF]  }
0x30: {  	s3 =	sld [smem:$0x3FB2]  }
0x31: {  	[smem:$0x3FBB] =	sst s10  }
0x32: {  	s10 =	sld [smem:$0x3FB9];
	_ =	sdelay $0x3  }
0x33: {  	p0 =	seq.s32 s10, $0x1;
	s10 =	sld [smem:$0x3FBB];
	_ =	sdelay $0x3  }
0x34: {  	[smem:$0x3FBB] =	sst s10  }
0x35: {  	s10 =	sld [smem:$0x3FBA];
	_ =	sdelay $0x3  }
0x36: {  	p1 =	seq.s32 s10, $0x1;
	s10 =	sld [smem:$0x3FBB];
	_ =	sdelay $0x3  }
0x37: {  	[smem:$0x3FBB] =	sst s10  }
0x38: {  	s10 =	sld [smem:$0x3FBC]  }
0x39: {  	_ = 	snop;
	(pc) =	sbr.ind lr, $3  }
0x3a: {  	_ = 	snop  }
0x3b: {  	_ = 	snop  }
0x3c: {  	p2 =	seq.s32 s10, $0x1;
	s10 =	sld [smem:$0x3FBB]  }
0x3d: {  	_ =	shalt  }
0x3e: {  	_ =	shalt  }
0x3f: {  	_ =	shalt  }
0x40: {  	_ =	shalt  }
0x41: {  	_ =	shalt  }
0x42: {  	_ =	shalt  }
0x43: {  	_ =	shalt  }
0x44: {  	_ =	shalt  }
0x45: {  	_ =	shalt  }
0x46: {  	_ =	shalt  }
0x47: {  	_ =	shalt  }
0x48: {  	_ =	shalt  }
0x49: {  	_ =	shalt  }
0x4a: {  	_ =	shalt  }
0x4b: {  	_ =	shalt  }
0x4c: {  	_ =	shalt  }
0x4d: {  	_ =	shalt  }
0x4e: {  	_ =	shalt  }
0x4f: {  	_ =	shalt  }
0x50: {  	_ =	shalt  }
0x51: {  	_ =	shalt  }
0x52: {  	_ =	shalt  }
0x53: {  	_ =	shalt  }
0x54: {  	_ =	shalt  }
0x55: {  	_ =	shalt  }
0x56: {  	_ =	shalt  }
0x57: {  	_ =	shalt  }
0x58: {  	_ =	shalt  }
0x59: {  	_ =	shalt  }
0x5a: {  	_ =	shalt  }
0x5b: {  	_ =	shalt  }
0x5c: {  	_ =	shalt  }
0x5d: {  	_ =	shalt  }
0x5e: {  	_ =	shalt  }
0x5f: {  	_ =	shalt  }
0x60: {  	_ =	shalt  }
0x61: {  	_ =	shalt  }
0x62: {  	_ =	shalt  }
0x63: {  	_ =	shalt  }
0x64: {  	_ =	shalt  }
0x65: {  	_ =	shalt  }
0x66: {  	_ =	shalt  }
0x67: {  	_ =	shalt  }
0x68: {  	_ =	shalt  }
0x69: {  	_ =	shalt  }
0x6a: {  	_ =	shalt  }
0x6b: {  	_ =	shalt  }
0x6c: {  	_ =	shalt  }
0x6d: {  	_ =	shalt  }
0x6e: {  	_ =	shalt  }
0x6f: {  	_ =	shalt  }
0x70: {  	_ =	shalt  }
0x71: {  	_ =	shalt  }
0x72: {  	_ =	shalt  }
0x73: {  	_ =	shalt  }
0x74: {  	_ =	shalt  }
0x75: {  	_ =	shalt  }
0x76: {  	_ =	shalt  }
0x77: {  	_ =	shalt  }
0x78: {  	_ =	shalt  }
0x79: {  	_ =	shalt  }
0x7a: {  	_ =	shalt  }
0x7b: {  	_ =	shalt  }
0x7c: {  	_ =	shalt  }
0x7d: {  	_ =	shalt  }
0x7e: {  	_ =	shalt  }
0x7f: {  	_ =	shalt  }
0x80: {  	_ =	shalt  }
0x81: {  	_ =	shalt  }
0x82: {  	_ =	shalt  }
0x83: {  	_ =	shalt  }
0x84: {  	_ =	shalt  }
0x85: {  	_ =	shalt  }
0x86: {  	_ =	shalt  }
0x87: {  	_ =	shalt  }
.Lfunc_end0:
.L_simem_size_0:
called_computation_lowered:
.L_overlay_start_0:
0x88: {  	s2 =	sld [smem:$0x3FD9]  }
0x89: {  	s3 =	sld [smem:$0x3FFE];
	_ =	sdelay $0x1  }
0x8a: {  	s1 =	srdreg.scid  }
0x8b: {  	s0 =	sand.u32 $0x1, s1  }
0x8c: {  	s17 =	sshll.u32 s0, $0xA;
	s2 =	sadd.s32 s3, s2  }
0x8d: {  	s2 =	sadd.s32 s2, s17  }
0x8e: {  	[smem:$0x3FC7] =	sst s2  }
0x8f: {  	_ = 	snop  }
0x90: {  	s2 =	sld [smem:$0x3FD0];
	(tm) =	ssettm $0x1  }
0x91: {  	s18 =	sld [smem:$0x3FFB];
	_ =	sdelay $0x3  }
0x92: {  	_ =	strace s18  }
0x93: {  	s3 =	sld [smem:$0x3FFC];
	_ =	sdelay $0x3  }
0x94: {  	_ =	strace s3  }
0x95: {  	s3 =	sld [smem:$0x3FFD];
	_ =	sdelay $0x3  }
0x96: {  	_ =	strace s3  }
0x97: {  	_ =	strace $0x8FFFFFFF  }
0x98: {  	s19 =	sld [smem:$0x3FDB];
	_ =	sdelay $0x1  }
0x99: {  	s4 =	simm.s32 $_scs_section_size  }
0x9a: {  	s5 =	simm.s32 $_size__tile_overlayer_lowered;
	s6 =	simm.s32 $_tile_overlayer_lowered  }
0x9b: {  	s22 =	simm.s32 $0x1BFF;
	s21 =	sshll.u32 s6, $0x1;
	s3 =	sadd.s32 s4, s19  }
0x9c: {  	s7 =	simm.s32 $0x0;
	s20 =	sshll.u32 s5, $0x1;
	s5 =	sadd.s32 s21, s3  }
0x9d: {  	[timem:s7], [sflag:s22] =	dma.local [hbm:s5], s20  }
0x9e: {  	_ =	swait.ge [sflag:s22], s20  }
0x9f: {  	s4 =	ssub.s32 $0x0, s20;
	[sflag:s22] =	ssyncset.done $0x0  }
0xa0: {  	[sflag:s22] =	ssyncadd.s32 s4;
	_ =	sdelay $0x1  }
0xa1: {  	s23 =	simm.s32 $0x1B8B  }
0xa2: {  	_ =	swait.ge [sflag:s23], $0x1  }
0xa3: {  	[sflag:s23] =	ssyncset.done $0x0  }
0xa4: {  	s25 =	simm.s32 $0x1B8E;
	s24 =	sld [smem:$0x3FFE];
	[sflag:s23] =	ssyncadd.s32 $0xFFFFFFFF  }
0xa5: {  	s26 =	simm.s32 $execute0_lowered;
	[smem:$0x3FD2] =	sst s25  }
0xa6: {  	s5 =	sshll.u32 s26, $0x1;
	_ =	strace $0x80000046;
	[dreg:$0x1] =	wrdreg $0xFFFFFFFF  }
0xa7: {  	s28 =	simm.s32 $_size_execute0_lowered;
	s3 =	sadd.s32 s3, s5;
	[dreg:$0x0] =	wrdreg $0x0  }
0xa8: {  	s5 =	sshll.u32 s28, $0x1;
	[dreg:$0x2] =	wrdreg s3  }
0xa9: {  	[dreg:$0x3] =	wrdreg s5  }
0xaa: {  	[dreg:$0x4] =	wrdreg $0xC0  }
0xab: {  	_ =	task [dreg:s7], $0x5FFFF  }
0xac: {  	[dreg:$0x1] =	wrdreg $0xFFFFFFFF  }
0xad: {  	[dreg:$0x0] =	wrdreg $0x60  }
0xae: {  	[dreg:$0x2] =	wrdreg s2  }
0xaf: {  	[dreg:$0x3] =	wrdreg s24  }
0xb0: {  	[dreg:$0x4] =	wrdreg $0x9  }
0xb1: {  	_ =	task.clear_ibuf [dreg:s7], $0x5FFFF;
	_ =	strace $0x90000046  }
0xb2: {  	s29 =	simm.s32 $0x9;
	_ =	strace $0x80000048  }
0xb3: {  	_ =	swait.ge [sflag:s29], $0x1  }
0xb4: {  	[sflag:s29] =	ssyncadd.s32 $0xFFFFFFFF  }
0xb5: {  	_ =	strace $0x90000048  }
0xb6: {  	_ =	sfence  }
0xb7: {  	s30 =	sld [smem:$0x0];
	_ =	sdelay $0x2  }
0xb8: {  	s31 =	sshll.u32 s1, $0xD;
	s1 =	sshrl.u32 s1, $0x2  }
0xb9: {  	s3 =	sand.u32 $0x4000, s31;
	s1 =	sadd.s32 s1, s30  }
0xba: {  	s0 =	sor.u32 s3, s0;
	s1 =	sshll.u32 s1, $0x11  }
0xbb: {  	s0 =	sor.u32 s1, s0  }
0xbc: {  	s0 =	sadd.s32 $0x8F2B, s0  }
0xbd: {  	[sflag:s0] =	ssyncadd.remote.s32 $0x1  }
0xbe: {  	_ =	sfence.sel $0xFFFF  }
0xbf: {  	[dreg:$0x0] =	wrdreg $0xFFFFFFFF;
	(pc) =	sbr.abs _section_cstart, $3  }
0xc0: {  	[dreg:$0x1] =	wrdreg $0xFFFFFFFF  }
0xc1: {  	_ =	task.clear_ibuf [dreg:s7], $0x2FFFF;
	_ =	strace $0x9FFFFFFF  }
0xc2: {  	(tm) =	ssettm $0x7FFFFFFF  }
0xc3: {  	_ =	shalt  }
tec
execute0_lowered:
.L_overlay_start_1:
0x0: {  	(tag) =	ssettag $0x1  }
0x1: {  	s1 =	rddreg [dreg:$0x0]  }
0x2: {  	s5 =	rddreg [dreg:$0x1]  }
0x3: {  	s0 =	rddreg [dreg:$0x2];
	s2 =	simm.s32 $0x0  }
0x4: {  	s6 =	srdreg.scid;
	s12 =	simm.s32 $0x1;
	s13 =	simm.s32 $0x1080  }
0x5: {  	s14 =	simm.s32 $0x1100;
	s15 =	simm.s32 $0x1180;
	s16 =	simm.s32 $0x800  }
0x6: {  	s17 =	simm.s32 $0x0;
	[smem:$0x7FF] =	sst s2;
	s3 =	sadd.s32 $0x82000, s5  }
0x7: {  	s4 =	sadd.s32 $0x82200, s5;
	s9 =	sand.u32 $0x1, s6;
	s6 =	sadd.s32 $0x82400, s5  }
0x8: {  	s7 =	sadd.s32 $0x82600, s5;
	s8 =	sadd.s32 $0x82800, s5;
	s10 =	ssub.s32 $0x2, s9  }
0x9: {  	s5 =	stileid.u32;
	_ =	strace $0x80000047;
	s11 =	sshrl.u32 s10, $0x1  }
0xa: {  	s31 =	sshll.u32 s5, $0x10;
	s9 =	sshll.u32 s9, $0xF;
	s10 =	ssub.s32 s10, s11  }
0xb: {  	v0 =	vlaneseq.u32;
	s9 =	sor.u32 s9, s31;
	s11 =	simm.s32 $0x1000;
	s10 =	smax.u32 s10, $0x1  }
.LBB2_1:
0xc: {  	[tilespmem:s11], [sflag:$0x1] =	stream.linear.gather [hbm4b:s3+s2], $0x80, $0x38;
	[tilespmem:$0x1200] =	vst v63  }
0xd: {  	_ =	swait.ge [sflag:s12], $0x80  }
0xe: {  	[sflag:s12] =	ssyncset.done $0x0  }
0xf: {  	[sflag:s12] =	ssyncadd.s32 $0xFFFFFF80  }
0x10: {  	[tilespmem:s13], [sflag:$0x1] =	stream.linear.gather [hbm4b:s4+s2], $0x80, $0x38;
	[tilespmem:$0x1200] =	vst v63  }
0x11: {  	_ =	swait.ge [sflag:s12], $0x80  }
0x12: {  	[sflag:s12] =	ssyncset.done $0x0  }
0x13: {  	[sflag:s12] =	ssyncadd.s32 $0xFFFFFF80  }
0x14: {  	[tilespmem:s14], [sflag:$0x1] =	stream.linear.gather [hbm4b:s6+s2], $0x80, $0x38;
	[tilespmem:$0x1200] =	vst v63  }
0x15: {  	_ =	swait.ge [sflag:s12], $0x80  }
0x16: {  	[sflag:s12] =	ssyncset.done $0x0  }
0x17: {  	[sflag:s12] =	ssyncadd.s32 $0xFFFFFF80  }
0x18: {  	[tilespmem:s15], [sflag:$0x1] =	stream.linear.gather [hbm4b:s7+s2], $0x80, $0x38;
	[tilespmem:$0x1200] =	vst v63  }
0x19: {  	_ =	swait.ge [sflag:s12], $0x80  }
0x1a: {  	[sflag:s12] =	ssyncset.done $0x0  }
0x1b: {  	[sflag:s12] =	ssyncadd.s32 $0xFFFFFF80  }
0x1c: {  	v1 =	vld [tilespmem:$0x1000]  }
0x1d: {  	v2 =	vld [tilespmem:$0x1080]  }
0x1e: {  	v3 =	vld [tilespmem:$0x1100]  }
0x1f: {  	s18 =	smov.u32 s9;
	s19 =	simm.s32 $0x0;
	v4 =	vld [tilespmem:$0x1180]  }
.LBB2_2:
0x20: {  	s20 =	sshll.u32 s19, $0xB  }
0x21: {  	s20 =	sadd.s32 s9, s20  }
0x22: {  	s21 =	sor.u32 $0x300000, s20  }
0x23: {  	s21 =	sshrl.u32 s21, $0x3  }
0x24: {  	s22 =	sadd.s32 s1, s21;
	s21 =	simm.s32 $0x0  }
0x25: {  	[tilespmem:s21], [sflag:$0x1] =	stream.linear.gather [hbm4b:s22+s21], $0x800, $0x38;
	[tilespmem:$0x1200] =	vst v63  }
0x26: {  	_ =	swait.ge [sflag:s12], $0x800  }
0x27: {  	[sflag:s12] =	ssyncset.done $0x0  }
0x28: {  	s23 =	simm.s32 $0x20;
	s22 =	simm.s32 $0x820;
	[sflag:s12] =	ssyncadd.s32 $0xFFFFF800  }
.LBB2_3:
0x29: {  	v5 =	vld [tilespmem:s23+$0xFFFFFFE0];
	_ =	sdelay $0x4  }
0x2a: {  	v5 =	vand.u32 $0xF, v5  }
0x2b: {  	s24 =	sadd.s32 s21, s18;
	v6 =	vperm.xlane v2, v5  }
0x2c: {  	s25 =	sadd.s32 $0x300000, s24  }
0x2d: {  	v7 =	vadd.s32 s25, v6  }
0x2e: {  	v8 =	vperm.xlane v1, v5;
	v7 =	vadd.s32 v0, v7  }
0x2f: {  	v9 =	vshrl.u32 v7, $0x13;
	v10 =	vshll.u32 v7, $0xD  }
0x30: {  	v7 =	vadd.s32 v8, v7;
	v9 =	vor.u32 v9, v10  }
0x31: {  	v9 =	vxor.u32 v7, v9  }
0x32: {  	v53 =	vshrl.u32 v9, $0x11;
	v11 =	vshll.u32 v9, $0xF  }
0x33: {  	v7 =	vadd.s32 v7, v9;
	v54 =	vor.u32 v53, v11  }
0x34: {  	v9 =	vxor.u32 v7, v54  }
0x35: {  	v55 =	vshrl.u32 v9, $0x6;
	v56 =	vshll.u32 v9, $0x1A  }
0x36: {  	v7 =	vadd.s32 v7, v9;
	v57 =	vor.u32 v55, v56  }
0x37: {  	v9 =	vxor.u32 v7, v57  }
0x38: {  	v58 =	vshrl.u32 v9, $0x1A;
	v59 =	vshll.u32 v9, $0x6  }
0x39: {  	v12 =	vxor.u32 v6, v8;
	v7 =	vadd.s32 v7, v9;
	v60 =	vor.u32 v58, v59  }
0x3a: {  	v61 =	vxor.u32 $0x1BD11BDA, v12;
	v9 =	vxor.u32 v7, v60  }
0x3b: {  	v9 =	vadd.s32 v9, v61  }
0x3c: {  	v9 =	vadd.s32 $0x1, v9  }
0x3d: {  	v7 =	vadd.s32 v6, v7;
	v62 =	vshrl.u32 v9, $0xF;
	v63 =	vshll.u32 v9, $0x11  }
0x3e: {  	v7 =	vadd.s32 v9, v7;
	v15 =	vor.u32 v62, v63  }
0x3f: {  	v9 =	vxor.u32 v7, v15  }
0x40: {  	v16 =	vshrl.u32 v9, $0x3;
	v17 =	vshll.u32 v9, $0x1D  }
0x41: {  	v7 =	vadd.s32 v7, v9;
	v18 =	vor.u32 v16, v17  }
0x42: {  	v9 =	vxor.u32 v7, v18  }
0x43: {  	v19 =	vshrl.u32 v9, $0x10;
	v20 =	vshll.u32 v9, $0x10  }
0x44: {  	v7 =	vadd.s32 v7, v9;
	v21 =	vor.u32 v19, v20  }
0x45: {  	v9 =	vxor.u32 v7, v21  }
0x46: {  	v22 =	vshrl.u32 v9, $0x8;
	v23 =	vshll.u32 v9, $0x18  }
0x47: {  	v7 =	vadd.s32 v7, v9;
	v24 =	vor.u32 v22, v23  }
0x48: {  	v9 =	vxor.u32 v7, v24  }
0x49: {  	v9 =	vadd.s32 v9, v8  }
0x4a: {  	v9 =	vadd.s32 $0x2, v9  }
0x4b: {  	v7 =	vadd.s32 v61, v7;
	v25 =	vshrl.u32 v9, $0x13;
	v26 =	vshll.u32 v9, $0xD  }
0x4c: {  	v7 =	vadd.s32 v9, v7;
	v27 =	vor.u32 v25, v26  }
0x4d: {  	v9 =	vxor.u32 v7, v27  }
0x4e: {  	v28 =	vshrl.u32 v9, $0x11;
	v29 =	vshll.u32 v9, $0xF  }
0x4f: {  	v7 =	vadd.s32 v7, v9;
	v30 =	vor.u32 v28, v29  }
0x50: {  	v9 =	vxor.u32 v7, v30  }
0x51: {  	v31 =	vshrl.u32 v9, $0x6;
	v32 =	vshll.u32 v9, $0x1A  }
0x52: {  	v7 =	vadd.s32 v7, v9;
	v33 =	vor.u32 v31, v32  }
0x53: {  	v9 =	vxor.u32 v7, v33  }
0x54: {  	v34 =	vshrl.u32 v9, $0x1A;
	v35 =	vshll.u32 v9, $0x6  }
0x55: {  	v7 =	vadd.s32 v7, v9;
	v36 =	vor.u32 v34, v35  }
0x56: {  	v9 =	vxor.u32 v7, v36  }
0x57: {  	v9 =	vadd.s32 v9, v6  }
0x58: {  	v9 =	vadd.s32 $0x3, v9  }
0x59: {  	v7 =	vadd.s32 v8, v7;
	v37 =	vshrl.u32 v9, $0xF;
	v38 =	vshll.u32 v9, $0x11  }
0x5a: {  	v7 =	vadd.s32 v9, v7;
	v39 =	vor.u32 v37, v38  }
0x5b: {  	v9 =	vxor.u32 v7, v39  }
0x5c: {  	v40 =	vshrl.u32 v9, $0x3;
	v41 =	vshll.u32 v9, $0x1D  }
0x5d: {  	v7 =	vadd.s32 v7, v9;
	v42 =	vor.u32 v40, v41  }
0x5e: {  	v9 =	vxor.u32 v7, v42  }
0x5f: {  	v43 =	vshrl.u32 v9, $0x10;
	v44 =	vshll.u32 v9, $0x10  }
0x60: {  	v7 =	vadd.s32 v7, v9;
	v45 =	vor.u32 v43, v44  }
0x61: {  	v9 =	vxor.u32 v7, v45  }
0x62: {  	v46 =	vshrl.u32 v9, $0x8;
	v47 =	vshll.u32 v9, $0x18  }
0x63: {  	v7 =	vadd.s32 v7, v9;
	v48 =	vor.u32 v46, v47  }
0x64: {  	v9 =	vxor.u32 v7, v48  }
0x65: {  	v9 =	vadd.s32 v9, v61  }
0x66: {  	v9 =	vadd.s32 $0x4, v9  }
0x67: {  	v6 =	vadd.s32 v6, v7;
	v7 =	vshrl.u32 v9, $0x13;
	v49 =	vshll.u32 v9, $0xD  }
0x68: {  	v6 =	vadd.s32 v9, v6;
	v7 =	vor.u32 v7, v49  }
0x69: {  	v7 =	vxor.u32 v6, v7  }
0x6a: {  	v50 =	vshrl.u32 v7, $0x11;
	v51 =	vshll.u32 v7, $0xF  }
0x6b: {  	v6 =	vadd.s32 v6, v7;
	v7 =	vor.u32 v50, v51  }
0x6c: {  	v7 =	vxor.u32 v6, v7  }
0x6d: {  	v52 =	vshrl.u32 v7, $0x6;
	v53 =	vshll.u32 v7, $0x1A  }
0x6e: {  	v6 =	vadd.s32 v6, v7;
	v7 =	vor.u32 v52, v53  }
0x6f: {  	v7 =	vxor.u32 v6, v7  }
0x70: {  	v54 =	vshrl.u32 v7, $0x1A;
	v55 =	vshll.u32 v7, $0x6  }
0x71: {  	v6 =	vadd.s32 v6, v7;
	v7 =	vor.u32 v54, v55  }
0x72: {  	v7 =	vxor.u32 v6, v7  }
0x73: {  	v7 =	vadd.s32 v7, v8  }
0x74: {  	v6 =	vadd.s32 v61, v6;
	v7 =	vadd.s32 $0x5, v7  }
0x75: {  	v6 =	vxor.u32 v6, v7  }
0x76: {  	v6 =	vshrl.u32 v6, $0x9  }
0x77: {  	v6 =	vor.u32 $0x3F800000, v6  }
0x78: {  	v6 =	vadd.f32 $-1.000000000e+00, v6;
	_ =	sdelay $0x1  }
0x79: {  	v6 =	vadd.f32 v6, v6;
	_ =	sdelay $0x1  }
0x7a: {  	v6 =	vadd.f32 $-9.999999400e-01, v6;
	_ =	sdelay $0x1  }
0x7b: {  	v6 =	vmax.f32 v6, $-9.999999400e-01  }
0x7c: {  	v7 =	vmul.f32 v6, v6;
	_ =	sdelay $0x1  }
0x7d: {  	v7 =	vsub.f32 $1.000000000e+00, v7;
	_ =	sdelay $0x1  }
0x7e: {  	v56 =	vand.u32 $0x7FFFFF, v7  }
0x7f: {  	v8 =	vor.u32 $0x3F800000, v56  }
0x80: {  	v57 =	vmul.f32 $2.482560650e-02, v8;
	_ =	sdelay $0x1  }
0x81: {  	v9 =	vsub.f32 $2.668588160e-01, v57;
	_ =	sdelay $0x1  }
0x82: {  	v9 =	vmul.f32 v8, v9;
	_ =	sdelay $0x1  }
0x83: {  	v9 =	vadd.f32 $-1.234263180e+00, v9;
	_ =	sdelay $0x1  }
0x84: {  	v9 =	vmul.f32 v8, v9;
	_ =	sdelay $0x1  }
0x85: {  	v9 =	vadd.f32 $3.218832730e+00, v9;
	_ =	sdelay $0x1  }
0x86: {  	v9 =	vmul.f32 v8, v9;
	_ =	sdelay $0x1  }
0x87: {  	v9 =	vadd.f32 $-5.264110570e+00, v9;
	_ =	sdelay $0x1  }
0x88: {  	v9 =	vmul.f32 v8, v9;
	_ =	sdelay $0x1  }
0x89: {  	v9 =	vadd.f32 $6.065830230e+00, v9;
	_ =	sdelay $0x1  }
0x8a: {  	v7 =	vshrl.u32 v7, $0x17;
	v8 =	vmul.f32 v8, v9  }
0x8b: {  	v7 =	vadd.s32 $0xFFFFFF81, v7  }
0x8c: {  	v7 =	vcvt.s32.f32 v7;
	v8 =	vadd.f32 $-3.028317450e+00, v8;
	_ =	sdelay $0x1  }
0x8d: {  	v7 =	vadd.f32 v7, v8;
	_ =	sdelay $0x1  }
0x8e: {  	v7 =	vmul.f32 $-6.931471820e-01, v7;
	_ =	sdelay $0x1  }
0x8f: {  	v58 =	vmax.f32 v7, $0.0e+00  }
0x90: {  	v59 =	vshrl.u32 v58, $0x1;
	v60 =	vmul.f32 $5.000000000e-01, v58  }
0x91: {  	v9 =	vsub.s32 $0x5F3759DF, v59  }
0x92: {  	v61 =	vmul.f32 v9, v60;
	_ =	sdelay $0x1  }
0x93: {  	v11 =	vmul.f32 v9, v61;
	_ =	sdelay $0x1  }
0x94: {  	v11 =	vsub.f32 $1.500000000e+00, v11;
	_ =	sdelay $0x1  }
0x95: {  	v9 =	vmul.f32 v9, v11;
	_ =	sdelay $0x1  }
0x96: {  	v11 =	vmul.f32 v9, v60;
	_ =	sdelay $0x1  }
0x97: {  	v11 =	vmul.f32 v11, v9;
	_ =	sdelay $0x1  }
0x98: {  	v11 =	vsub.f32 $1.500000000e+00, v11;
	_ =	sdelay $0x1  }
0x99: {  	v9 =	vmul.f32 v11, v9;
	_ =	sdelay $0x1  }
0x9a: {  	v10 =	vmul.f32 v9, v60;
	_ =	sdelay $0x1  }
0x9b: {  	v10 =	vmul.f32 v10, v9;
	_ =	sdelay $0x1  }
0x9c: {  	v10 =	vsub.f32 $1.500000000e+00, v10;
	_ =	sdelay $0x1  }
0x9d: {  	v9 =	vmul.f32 v10, v9;
	_ =	sdelay $0x1  }
0x9e: {  	v8 =	vmul.f32 v9, v58;
	_ =	sdelay $0x1  }
0x9f: {  	v62 =	vadd.f32 $-2.500000000e+00, v7;
	v8 =	vadd.f32 $-3.000000000e+00, v8;
	_ =	sdelay $0x1  }
0xa0: {  	v63 =	vmul.f32 $2.810226360e-08, v62;
	v12 =	vmul.f32 $2.002142570e-04, v8;
	_ =	sdelay $0x1  }
0xa1: {  	v10 =	vadd.f32 $3.432739390e-07, v63;
	v11 =	vsub.f32 $1.009505580e-04, v12;
	_ =	sdelay $0x1  }
0xa2: {  	v10 =	vmul.f32 v10, v62;
	v11 =	vmul.f32 v11, v8;
	_ =	sdelay $0x1  }
0xa3: {  	v10 =	vadd.f32 $-3.523387700e-06, v10;
	v11 =	vadd.f32 $1.349343220e-03, v11;
	_ =	sdelay $0x1  }
0xa4: {  	v10 =	vmul.f32 v10, v62;
	v11 =	vmul.f32 v11, v8;
	_ =	sdelay $0x1  }
0xa5: {  	v10 =	vadd.f32 $-4.391506540e-06, v10;
	v11 =	vadd.f32 $-3.673428440e-03, v11;
	_ =	sdelay $0x1  }
0xa6: {  	v10 =	vmul.f32 v10, v62;
	v11 =	vmul.f32 v11, v8;
	_ =	sdelay $0x1  }
0xa7: {  	v10 =	vadd.f32 $2.185808700e-04, v10;
	v11 =	vadd.f32 $5.739507730e-03, v11;
	_ =	sdelay $0x1  }
0xa8: {  	v10 =	vmul.f32 v10, v62;
	v11 =	vmul.f32 v11, v8;
	_ =	sdelay $0x1  }
0xa9: {  	v10 =	vadd.f32 $-1.253725030e-03, v10;
	v11 =	vadd.f32 $-7.622461300e-03, v11;
	_ =	sdelay $0x1  }
0xaa: {  	v10 =	vmul.f32 v10, v62;
	v11 =	vmul.f32 v11, v8;
	_ =	sdelay $0x1  }
0xab: {  	v10 =	vadd.f32 $-4.177681640e-03, v10;
	v11 =	vadd.f32 $9.438870470e-03, v11;
	_ =	sdelay $0x1  }
0xac: {  	v10 =	vmul.f32 v10, v62;
	v11 =	vmul.f32 v11, v8;
	_ =	sdelay $0x1  }
0xad: {  	v10 =	vadd.f32 $2.466407270e-01, v10;
	v11 =	vadd.f32 $1.001674060e+00, v11;
	_ =	sdelay $0x1  }
0xae: {  	v9 =	vmul.f32 v10, v62;
	v8 =	vmul.f32 v11, v8;
	_ =	sdelay $0x1  }
0xaf: {  	v9 =	vadd.f32 $1.501409410e+00, v9;
	v8 =	vadd.f32 $2.832976820e+00, v8  }
0xb0: {  	vm0 =	vlt.f32 v7, $5.000000000e+00  }
0xb1: {  	v7 =	vsel vm0, v9, v8  }
0xb2: {  	v13 =	vperm.xlane v4, v5;
	v6 =	vmul.f32 v7, v6;
	_ =	sdelay $0x1  }
0xb3: {  	v5 =	vperm.xlane v3, v5;
	v6 =	vmul.f32 v6, v13;
	_ =	sdelay $0x1  }
0xb4: {  	v5 =	vadd.f32 v6, v5;
	_ =	sdelay $0x1  }
0xb5: {  	[tilespmem:s22+$0xFFFFFFE0] =	vst v5  }
0xb6: {  	v5 =	vld [tilespmem:s23+$0xFFFFFFF0];
	_ =	sdelay $0x4  }
0xb7: {  	v5 =	vand.u32 $0xF, v5  }
0xb8: {  	v6 =	vperm.xlane v2, v5  }
0xb9: {  	s30 =	sadd.s32 $0x300010, s24  }
0xba: {  	v7 =	vadd.s32 s30, v6  }
0xbb: {  	v8 =	vperm.xlane v1, v5;
	v7 =	vadd.s32 v0, v7  }
0xbc: {  	v14 =	vshrl.u32 v7, $0x13;
	v15 =	vshll.u32 v7, $0xD  }
0xbd: {  	v7 =	vadd.s32 v8, v7;
	v9 =	vor.u32 v14, v15  }
0xbe: {  	v9 =	vxor.u32 v7, v9  }
0xbf: {  	v16 =	vshrl.u32 v9, $0x11;
	v17 =	vshll.u32 v9, $0xF  }
0xc0: {  	v7 =	vadd.s32 v7, v9;
	v18 =	vor.u32 v16, v17  }
0xc1: {  	v9 =	vxor.u32 v7, v18  }
0xc2: {  	v19 =	vshrl.u32 v9, $0x6;
	v20 =	vshll.u32 v9, $0x1A  }
0xc3: {  	v7 =	vadd.s32 v7, v9;
	v21 =	vor.u32 v19, v20  }
0xc4: {  	v9 =	vxor.u32 v7, v21  }
0xc5: {  	v22 =	vshrl.u32 v9, $0x1A;
	v23 =	vshll.u32 v9, $0x6  }
0xc6: {  	v24 =	vxor.u32 v6, v8;
	v7 =	vadd.s32 v7, v9;
	v25 =	vor.u32 v22, v23  }
0xc7: {  	v26 =	vxor.u32 $0x1BD11BDA, v24;
	v9 =	vxor.u32 v7, v25  }
0xc8: {  	v9 =	vadd.s32 v9, v26  }
0xc9: {  	v9 =	vadd.s32 $0x1, v9  }
0xca: {  	v7 =	vadd.s32 v6, v7;
	v27 =	vshrl.u32 v9, $0xF;
	v28 =	vshll.u32 v9, $0x11  }
0xcb: {  	v7 =	vadd.s32 v9, v7;
	v29 =	vor.u32 v27, v28  }
0xcc: {  	v9 =	vxor.u32 v7, v29  }
0xcd: {  	v30 =	vshrl.u32 v9, $0x3;
	v31 =	vshll.u32 v9, $0x1D  }
0xce: {  	v7 =	vadd.s32 v7, v9;
	v32 =	vor.u32 v30, v31  }
0xcf: {  	v9 =	vxor.u32 v7, v32  }
0xd0: {  	v33 =	vshrl.u32 v9, $0x10;
	v34 =	vshll.u32 v9, $0x10  }
0xd1: {  	v7 =	vadd.s32 v7, v9;
	v35 =	vor.u32 v33, v34  }
0xd2: {  	v9 =	vxor.u32 v7, v35  }
0xd3: {  	v36 =	vshrl.u32 v9, $0x8;
	v37 =	vshll.u32 v9, $0x18  }
0xd4: {  	v7 =	vadd.s32 v7, v9;
	v38 =	vor.u32 v36, v37  }
0xd5: {  	v9 =	vxor.u32 v7, v38  }
0xd6: {  	v9 =	vadd.s32 v9, v8  }
0xd7: {  	v9 =	vadd.s32 $0x2, v9  }
0xd8: {  	v7 =	vadd.s32 v26, v7;
	v39 =	vshrl.u32 v9, $0x13;
	v40 =	vshll.u32 v9, $0xD  }
0xd9: {  	v7 =	vadd.s32 v9, v7;
	v41 =	vor.u32 v39, v40  }
0xda: {  	v9 =	vxor.u32 v7, v41  }
0xdb: {  	v42 =	vshrl.u32 v9, $0x11;
	v43 =	vshll.u32 v9, $0xF  }
0xdc: {  	v7 =	vadd.s32 v7, v9;
	v44 =	vor.u32 v42, v43  }
0xdd: {  	v9 =	vxor.u32 v7, v44  }
0xde: {  	v45 =	vshrl.u32 v9, $0x6;
	v46 =	vshll.u32 v9, $0x1A  }
0xdf: {  	v7 =	vadd.s32 v7, v9;
	v47 =	vor.u32 v45, v46  }
0xe0: {  	v9 =	vxor.u32 v7, v47  }
0xe1: {  	v48 =	vshrl.u32 v9, $0x1A;
	v49 =	vshll.u32 v9, $0x6  }
0xe2: {  	v7 =	vadd.s32 v7, v9;
	v50 =	vor.u32 v48, v49  }
0xe3: {  	v9 =	vxor.u32 v7, v50  }
0xe4: {  	v9 =	vadd.s32 v9, v6  }
0xe5: {  	v9 =	vadd.s32 $0x3, v9  }
0xe6: {  	v7 =	vadd.s32 v8, v7;
	v51 =	vshrl.u32 v9, $0xF;
	v52 =	vshll.u32 v9, $0x11  }
0xe7: {  	v7 =	vadd.s32 v9, v7;
	v53 =	vor.u32 v51, v52  }
0xe8: {  	v9 =	vxor.u32 v7, v53  }
0xe9: {  	v54 =	vshrl.u32 v9, $0x3;
	v55 =	vshll.u32 v9, $0x1D  }
0xea: {  	v7 =	vadd.s32 v7, v9;
	v56 =	vor.u32 v54, v55  }
0xeb: {  	v9 =	vxor.u32 v7, v56  }
0xec: {  	v57 =	vshrl.u32 v9, $0x10;
	v58 =	vshll.u32 v9, $0x10  }
0xed: {  	v7 =	vadd.s32 v7, v9;
	v59 =	vor.u32 v57, v58  }
0xee: {  	v9 =	vxor.u32 v7, v59  }
0xef: {  	v60 =	vshrl.u32 v9, $0x8;
	v61 =	vshll.u32 v9, $0x18  }
0xf0: {  	v7 =	vadd.s32 v7, v9;
	v62 =	vor.u32 v60, v61  }
0xf1: {  	v9 =	vxor.u32 v7, v62  }
0xf2: {  	v9 =	vadd.s32 v9, v26  }
0xf3: {  	v9 =	vadd.s32 $0x4, v9  }
0xf4: {  	v6 =	vadd.s32 v6, v7;
	v7 =	vshrl.u32 v9, $0x13;
	v63 =	vshll.u32 v9, $0xD  }
0xf5: {  	v6 =	vadd.s32 v9, v6;
	v7 =	vor.u32 v7, v63  }
0xf6: {  	v7 =	vxor.u32 v6, v7  }
0xf7: {  	v12 =	vshrl.u32 v7, $0x11;
	v13 =	vshll.u32 v7, $0xF  }
0xf8: {  	v6 =	vadd.s32 v6, v7;
	v7 =	vor.u32 v12, v13  }
0xf9: {  	v7 =	vxor.u32 v6, v7  }
0xfa: {  	v14 =	vshrl.u32 v7, $0x6;
	v15 =	vshll.u32 v7, $0x1A  }
0xfb: {  	v6 =	vadd.s32 v6, v7;
	v7 =	vor.u32 v14, v15  }
0xfc: {  	v7 =	vxor.u32 v6, v7  }
0xfd: {  	v16 =	vshrl.u32 v7, $0x1A;
	v17 =	vshll.u32 v7, $0x6  }
0xfe: {  	v6 =	vadd.s32 v6, v7;
	v7 =	vor.u32 v16, v17  }
0xff: {  	v7 =	vxor.u32 v6, v7  }
0x100: {  	v7 =	vadd.s32 v7, v8  }
0x101: {  	v6 =	vadd.s32 v26, v6;
	v7 =	vadd.s32 $0x5, v7  }
0x102: {  	v6 =	vxor.u32 v6, v7  }
0x103: {  	v6 =	vshrl.u32 v6, $0x9  }
0x104: {  	v6 =	vor.u32 $0x3F800000, v6  }
0x105: {  	v6 =	vadd.f32 $-1.000000000e+00, v6;
	_ =	sdelay $0x1  }
0x106: {  	v6 =	vadd.f32 v6, v6;
	_ =	sdelay $0x1  }
0x107: {  	v6 =	vadd.f32 $-9.999999400e-01, v6;
	_ =	sdelay $0x1  }
0x108: {  	v6 =	vmax.f32 v6, $-9.999999400e-01  }
0x109: {  	v7 =	vmul.f32 v6, v6;
	_ =	sdelay $0x1  }
0x10a: {  	v7 =	vsub.f32 $1.000000000e+00, v7;
	_ =	sdelay $0x1  }
0x10b: {  	v18 =	vand.u32 $0x7FFFFF, v7  }
0x10c: {  	v8 =	vor.u32 $0x3F800000, v18  }
0x10d: {  	v19 =	vmul.f32 $2.482560650e-02, v8;
	_ =	sdelay $0x1  }
0x10e: {  	v9 =	vsub.f32 $2.668588160e-01, v19;
	_ =	sdelay $0x1  }
0x10f: {  	v9 =	vmul.f32 v8, v9;
	_ =	sdelay $0x1  }
0x110: {  	v9 =	vadd.f32 $-1.234263180e+00, v9;
	_ =	sdelay $0x1  }
0x111: {  	v9 =	vmul.f32 v8, v9;
	_ =	sdelay $0x1  }
0x112: {  	v9 =	vadd.f32 $3.218832730e+00, v9;
	_ =	sdelay $0x1  }
0x113: {  	v9 =	vmul.f32 v8, v9;
	_ =	sdelay $0x1  }
0x114: {  	v9 =	vadd.f32 $-5.264110570e+00, v9;
	_ =	sdelay $0x1  }
0x115: {  	v9 =	vmul.f32 v8, v9;
	_ =	sdelay $0x1  }
0x116: {  	v9 =	vadd.f32 $6.065830230e+00, v9;
	_ =	sdelay $0x1  }
0x117: {  	v7 =	vshrl.u32 v7, $0x17;
	v8 =	vmul.f32 v8, v9  }
0x118: {  	v7 =	vadd.s32 $0xFFFFFF81, v7  }
0x119: {  	v7 =	vcvt.s32.f32 v7;
	v8 =	vadd.f32 $-3.028317450e+00, v8;
	_ =	sdelay $0x1  }
0x11a: {  	v7 =	vadd.f32 v7, v8;
	_ =	sdelay $0x1  }
0x11b: {  	v7 =	vmul.f32 $-6.931471820e-01, v7;
	_ =	sdelay $0x1  }
0x11c: {  	v20 =	vmax.f32 v7, $0.0e+00  }
0x11d: {  	v21 =	vshrl.u32 v20, $0x1;
	v22 =	vmul.f32 $5.000000000e-01, v20  }
0x11e: {  	v9 =	vsub.s32 $0x5F3759DF, v21  }
0x11f: {  	v23 =	vmul.f32 v9, v22;
	_ =	sdelay $0x1  }
0x120: {  	v11 =	vmul.f32 v9, v23;
	_ =	sdelay $0x1  }
0x121: {  	v11 =	vsub.f32 $1.500000000e+00, v11;
	_ =	sdelay $0x1  }
0x122: {  	v9 =	vmul.f32 v9, v11;
	_ =	sdelay $0x1  }
0x123: {  	v11 =	vmul.f32 v9, v22;
	_ =	sdelay $0x1  }
0x124: {  	v11 =	vmul.f32 v11, v9;
	_ =	sdelay $0x1  }
0x125: {  	v11 =	vsub.f32 $1.500000000e+00, v11;
	_ =	sdelay $0x1  }
0x126: {  	v9 =	vmul.f32 v11, v9;
	_ =	sdelay $0x1  }
0x127: {  	v10 =	vmul.f32 v9, v22;
	_ =	sdelay $0x1  }
0x128: {  	v10 =	vmul.f32 v10, v9;
	_ =	sdelay $0x1  }
0x129: {  	v10 =	vsub.f32 $1.500000000e+00, v10;
	_ =	sdelay $0x1  }
0x12a: {  	v9 =	vmul.f32 v10, v9;
	_ =	sdelay $0x1  }
0x12b: {  	v8 =	vmul.f32 v9, v20;
	_ =	sdelay $0x1  }
0x12c: {  	v24 =	vadd.f32 $-2.500000000e+00, v7;
	v8 =	vadd.f32 $-3.000000000e+00, v8;
	_ =	sdelay $0x1  }
0x12d: {  	v25 =	vmul.f32 $2.810226360e-08, v24;
	v26 =	vmul.f32 $2.002142570e-04, v8;
	_ =	sdelay $0x1  }
0x12e: {  	v10 =	vadd.f32 $3.432739390e-07, v25;
	v11 =	vsub.f32 $1.009505580e-04, v26;
	_ =	sdelay $0x1  }
0x12f: {  	v10 =	vmul.f32 v10, v24;
	v11 =	vmul.f32 v11, v8;
	_ =	sdelay $0x1  }
0x130: {  	v10 =	vadd.f32 $-3.523387700e-06, v10;
	v11 =	vadd.f32 $1.349343220e-03, v11;
	_ =	sdelay $0x1  }
0x131: {  	v10 =	vmul.f32 v10, v24;
	v11 =	vmul.f32 v11, v8;
	_ =	sdelay $0x1  }
0x132: {  	v10 =	vadd.f32 $-4.391506540e-06, v10;
	v11 =	vadd.f32 $-3.673428440e-03, v11;
	_ =	sdelay $0x1  }
0x133: {  	v10 =	vmul.f32 v10, v24;
	v11 =	vmul.f32 v11, v8;
	_ =	sdelay $0x1  }
0x134: {  	v10 =	vadd.f32 $2.185808700e-04, v10;
	v11 =	vadd.f32 $5.739507730e-03, v11;
	_ =	sdelay $0x1  }
0x135: {  	v10 =	vmul.f32 v10, v24;
	v11 =	vmul.f32 v11, v8;
	_ =	sdelay $0x1  }
0x136: {  	v10 =	vadd.f32 $-1.253725030e-03, v10;
	v11 =	vadd.f32 $-7.622461300e-03, v11;
	_ =	sdelay $0x1  }
0x137: {  	v10 =	vmul.f32 v10, v24;
	v11 =	vmul.f32 v11, v8;
	_ =	sdelay $0x1  }
0x138: {  	v10 =	vadd.f32 $-4.177681640e-03, v10;
	v11 =	vadd.f32 $9.438870470e-03, v11;
	_ =	sdelay $0x1  }
0x139: {  	v10 =	vmul.f32 v10, v24;
	v11 =	vmul.f32 v11, v8;
	_ =	sdelay $0x1  }
0x13a: {  	v10 =	vadd.f32 $2.466407270e-01, v10;
	v11 =	vadd.f32 $1.001674060e+00, v11;
	_ =	sdelay $0x1  }
0x13b: {  	v9 =	vmul.f32 v10, v24;
	v8 =	vmul.f32 v11, v8;
	_ =	sdelay $0x1  }
0x13c: {  	v9 =	vadd.f32 $1.501409410e+00, v9;
	v8 =	vadd.f32 $2.832976820e+00, v8  }
0x13d: {  	vm13 =	vlt.f32 v7, $5.000000000e+00  }
0x13e: {  	v7 =	vsel vm13, v9, v8  }
0x13f: {  	v27 =	vperm.xlane v4, v5;
	v6 =	vmul.f32 v7, v6;
	_ =	sdelay $0x1  }
0x140: {  	v5 =	vperm.xlane v3, v5;
	v6 =	vmul.f32 v6, v27;
	_ =	sdelay $0x1  }
0x141: {  	v5 =	vadd.f32 v6, v5;
	_ =	sdelay $0x1  }
0x142: {  	[tilespmem:s22+$0xFFFFFFF0] =	vst v5  }
0x143: {  	v5 =	vld [tilespmem:s23+$0x0];
	_ =	sdelay $0x4  }
0x144: {  	v5 =	vand.u32 $0xF, v5  }
0x145: {  	v6 =	vperm.xlane v2, v5  }
0x146: {  	s31 =	sadd.s32 $0x300020, s24  }
0x147: {  	v7 =	vadd.s32 s31, v6  }
0x148: {  	v8 =	vperm.xlane v1, v5;
	v7 =	vadd.s32 v0, v7  }
0x149: {  	v28 =	vshrl.u32 v7, $0x13;
	v29 =	vshll.u32 v7, $0xD  }
0x14a: {  	v7 =	vadd.s32 v8, v7;
	v9 =	vor.u32 v28, v29  }
0x14b: {  	v9 =	vxor.u32 v7, v9  }
0x14c: {  	v30 =	vshrl.u32 v9, $0x11;
	v31 =	vshll.u32 v9, $0xF  }
0x14d: {  	v7 =	vadd.s32 v7, v9;
	v32 =	vor.u32 v30, v31  }
0x14e: {  	v9 =	vxor.u32 v7, v32  }
0x14f: {  	v33 =	vshrl.u32 v9, $0x6;
	v34 =	vshll.u32 v9, $0x1A  }
0x150: {  	v7 =	vadd.s32 v7, v9;
	v35 =	vor.u32 v33, v34  }
0x151: {  	v9 =	vxor.u32 v7, v35  }
0x152: {  	v36 =	vshrl.u32 v9, $0x1A;
	v37 =	vshll.u32 v9, $0x6  }
0x153: {  	v38 =	vxor.u32 v6, v8;
	v7 =	vadd.s32 v7, v9;
	v39 =	vor.u32 v36, v37  }
0x154: {  	v40 =	vxor.u32 $0x1BD11BDA, v38;
	v9 =	vxor.u32 v7, v39  }
0x155: {  	v9 =	vadd.s32 v9, v40  }
0x156: {  	v9 =	vadd.s32 $0x1, v9  }
0x157: {  	v7 =	vadd.s32 v6, v7;
	v41 =	vshrl.u32 v9, $0xF;
	v42 =	vshll.u32 v9, $0x11  }
0x158: {  	v7 =	vadd.s32 v9, v7;
	v43 =	vor.u32 v41, v42  }
0x159: {  	v9 =	vxor.u32 v7, v43  }
0x15a: {  	v44 =	vshrl.u32 v9, $0x3;
	v45 =	vshll.u32 v9, $0x1D  }
0x15b: {  	v7 =	vadd.s32 v7, v9;
	v46 =	vor.u32 v44, v45  }
0x15c: {  	v9 =	vxor.u32 v7, v46  }
0x15d: {  	v47 =	vshrl.u32 v9, $0x10;
	v48 =	vshll.u32 v9, $0x10  }
0x15e: {  	v7 =	vadd.s32 v7, v9;
	v49 =	vor.u32 v47, v48  }
0x15f: {  	v9 =	vxor.u32 v7, v49  }
0x160: {  	v50 =	vshrl.u32 v9, $0x8;
	v51 =	vshll.u32 v9, $0x18  }
0x161: {  	v7 =	vadd.s32 v7, v9;
	v52 =	vor.u32 v50, v51  }
0x162: {  	v9 =	vxor.u32 v7, v52  }
0x163: {  	v9 =	vadd.s32 v9, v8  }
0x164: {  	v9 =	vadd.s32 $0x2, v9  }
0x165: {  	v7 =	vadd.s32 v40, v7;
	v53 =	vshrl.u32 v9, $0x13;
	v54 =	vshll.u32 v9, $0xD  }
0x166: {  	v7 =	vadd.s32 v9, v7;
	v55 =	vor.u32 v53, v54  }
0x167: {  	v9 =	vxor.u32 v7, v55  }
0x168: {  	v56 =	vshrl.u32 v9, $0x11;
	v57 =	vshll.u32 v9, $0xF  }
0x169: {  	v7 =	vadd.s32 v7, v9;
	v58 =	vor.u32 v56, v57  }
0x16a: {  	v9 =	vxor.u32 v7, v58  }
0x16b: {  	v59 =	vshrl.u32 v9, $0x6;
	v60 =	vshll.u32 v9, $0x1A  }
0x16c: {  	v7 =	vadd.s32 v7, v9;
	v61 =	vor.u32 v59, v60  }
0x16d: {  	v9 =	vxor.u32 v7, v61  }
0x16e: {  	v62 =	vshrl.u32 v9, $0x1A;
	v63 =	vshll.u32 v9, $0x6  }
0x16f: {  	v7 =	vadd.s32 v7, v9;
	v16 =	vor.u32 v62, v63  }
0x170: {  	v9 =	vxor.u32 v7, v16  }
0x171: {  	v9 =	vadd.s32 v9, v6  }
0x172: {  	v9 =	vadd.s32 $0x3, v9  }
0x173: {  	v7 =	vadd.s32 v8, v7;
	v17 =	vshrl.u32 v9, $0xF;
	v18 =	vshll.u32 v9, $0x11  }
0x174: {  	v7 =	vadd.s32 v9, v7;
	v19 =	vor.u32 v17, v18  }
0x175: {  	v9 =	vxor.u32 v7, v19  }
0x176: {  	v20 =	vshrl.u32 v9, $0x3;
	v21 =	vshll.u32 v9, $0x1D  }
0x177: {  	v7 =	vadd.s32 v7, v9;
	v22 =	vor.u32 v20, v21  }
0x178: {  	v9 =	vxor.u32 v7, v22  }
0x179: {  	v23 =	vshrl.u32 v9, $0x10;
	v24 =	vshll.u32 v9, $0x10  }
0x17a: {  	v7 =	vadd.s32 v7, v9;
	v25 =	vor.u32 v23, v24  }
0x17b: {  	v9 =	vxor.u32 v7, v25  }
0x17c: {  	v26 =	vshrl.u32 v9, $0x8;
	v27 =	vshll.u32 v9, $0x18  }
0x17d: {  	v7 =	vadd.s32 v7, v9;
	v28 =	vor.u32 v26, v27  }
0x17e: {  	v9 =	vxor.u32 v7, v28  }
0x17f: {  	v9 =	vadd.s32 v9, v40  }
0x180: {  	v9 =	vadd.s32 $0x4, v9  }
0x181: {  	v6 =	vadd.s32 v6, v7;
	v7 =	vshrl.u32 v9, $0x13;
	v29 =	vshll.u32 v9, $0xD  }
0x182: {  	v6 =	vadd.s32 v9, v6;
	v7 =	vor.u32 v7, v29  }
0x183: {  	v7 =	vxor.u32 v6, v7  }
0x184: {  	v30 =	vshrl.u32 v7, $0x11;
	v31 =	vshll.u32 v7, $0xF  }
0x185: {  	v6 =	vadd.s32 v6, v7;
	v7 =	vor.u32 v30, v31  }
0x186: {  	v7 =	vxor.u32 v6, v7  }
0x187: {  	v32 =	vshrl.u32 v7, $0x6;
	v33 =	vshll.u32 v7, $0x1A  }
0x188: {  	v6 =	vadd.s32 v6, v7;
	v7 =	vor.u32 v32, v33  }
0x189: {  	v7 =	vxor.u32 v6, v7  }
0x18a: {  	v34 =	vshrl.u32 v7, $0x1A;
	v35 =	vshll.u32 v7, $0x6  }
0x18b: {  	v6 =	vadd.s32 v6, v7;
	v7 =	vor.u32 v34, v35  }
0x18c: {  	v7 =	vxor.u32 v6, v7  }
0x18d: {  	v7 =	vadd.s32 v7, v8  }
0x18e: {  	v6 =	vadd.s32 v40, v6;
	v7 =	vadd.s32 $0x5, v7  }
0x18f: {  	v6 =	vxor.u32 v6, v7  }
0x190: {  	v6 =	vshrl.u32 v6, $0x9  }
0x191: {  	v6 =	vor.u32 $0x3F800000, v6  }
0x192: {  	v6 =	vadd.f32 $-1.000000000e+00, v6;
	_ =	sdelay $0x1  }
0x193: {  	v6 =	vadd.f32 v6, v6;
	_ =	sdelay $0x1  }
0x194: {  	v6 =	vadd.f32 $-9.999999400e-01, v6;
	_ =	sdelay $0x1  }
0x195: {  	v6 =	vmax.f32 v6, $-9.999999400e-01  }
0x196: {  	v7 =	vmul.f32 v6, v6;
	_ =	sdelay $0x1  }
0x197: {  	v7 =	vsub.f32 $1.000000000e+00, v7;
	_ =	sdelay $0x1  }
0x198: {  	v36 =	vand.u32 $0x7FFFFF, v7  }
0x199: {  	v8 =	vor.u32 $0x3F800000, v36  }
0x19a: {  	v37 =	vmul.f32 $2.482560650e-02, v8;
	_ =	sdelay $0x1  }
0x19b: {  	v9 =	vsub.f32 $2.668588160e-01, v37;
	_ =	sdelay $0x1  }
0x19c: {  	v9 =	vmul.f32 v8, v9;
	_ =	sdelay $0x1  }
0x19d: {  	v9 =	vadd.f32 $-1.234263180e+00, v9;
	_ =	sdelay $0x1  }
0x19e: {  	v9 =	vmul.f32 v8, v9;
	_ =	sdelay $0x1  }
0x19f: {  	v9 =	vadd.f32 $3.218832730e+00, v9;
	_ =	sdelay $0x1  }
0x1a0: {  	v9 =	vmul.f32 v8, v9;
	_ =	sdelay $0x1  }
0x1a1: {  	v9 =	vadd.f32 $-5.264110570e+00, v9;
	_ =	sdelay $0x1  }
0x1a2: {  	v9 =	vmul.f32 v8, v9;
	_ =	sdelay $0x1  }
0x1a3: {  	v9 =	vadd.f32 $6.065830230e+00, v9;
	_ =	sdelay $0x1  }
0x1a4: {  	v7 =	vshrl.u32 v7, $0x17;
	v8 =	vmul.f32 v8, v9  }
0x1a5: {  	v7 =	vadd.s32 $0xFFFFFF81, v7  }
0x1a6: {  	v7 =	vcvt.s32.f32 v7;
	v8 =	vadd.f32 $-3.028317450e+00, v8;
	_ =	sdelay $0x1  }
0x1a7: {  	v7 =	vadd.f32 v7, v8;
	_ =	sdelay $0x1  }
0x1a8: {  	v7 =	vmul.f32 $-6.931471820e-01, v7;
	_ =	sdelay $0x1  }
0x1a9: {  	v38 =	vmax.f32 v7, $0.0e+00  }
0x1aa: {  	v39 =	vshrl.u32 v38, $0x1;
	v40 =	vmul.f32 $5.000000000e-01, v38  }
0x1ab: {  	v9 =	vsub.s32 $0x5F3759DF, v39  }
0x1ac: {  	v41 =	vmul.f32 v9, v40;
	_ =	sdelay $0x1  }
0x1ad: {  	v11 =	vmul.f32 v9, v41;
	_ =	sdelay $0x1  }
0x1ae: {  	v11 =	vsub.f32 $1.500000000e+00, v11;
	_ =	sdelay $0x1  }
0x1af: {  	v9 =	vmul.f32 v9, v11;
	_ =	sdelay $0x1  }
0x1b0: {  	v11 =	vmul.f32 v9, v40;
	_ =	sdelay $0x1  }
0x1b1: {  	v11 =	vmul.f32 v11, v9;
	_ =	sdelay $0x1  }
0x1b2: {  	v11 =	vsub.f32 $1.500000000e+00, v11;
	_ =	sdelay $0x1  }
0x1b3: {  	v9 =	vmul.f32 v11, v9;
	_ =	sdelay $0x1  }
0x1b4: {  	v10 =	vmul.f32 v9, v40;
	_ =	sdelay $0x1  }
0x1b5: {  	v10 =	vmul.f32 v10, v9;
	_ =	sdelay $0x1  }
0x1b6: {  	v10 =	vsub.f32 $1.500000000e+00, v10;
	_ =	sdelay $0x1  }
0x1b7: {  	v9 =	vmul.f32 v10, v9;
	_ =	sdelay $0x1  }
0x1b8: {  	v8 =	vmul.f32 v9, v38;
	_ =	sdelay $0x1  }
0x1b9: {  	v42 =	vadd.f32 $-2.500000000e+00, v7;
	v8 =	vadd.f32 $-3.000000000e+00, v8;
	_ =	sdelay $0x1  }
0x1ba: {  	v43 =	vmul.f32 $2.810226360e-08, v42;
	v44 =	vmul.f32 $2.002142570e-04, v8;
	_ =	sdelay $0x1  }
0x1bb: {  	v10 =	vadd.f32 $3.432739390e-07, v43;
	v11 =	vsub.f32 $1.009505580e-04, v44;
	_ =	sdelay $0x1  }
0x1bc: {  	v10 =	vmul.f32 v10, v42;
	v11 =	vmul.f32 v11, v8;
	_ =	sdelay $0x1  }
0x1bd: {  	v10 =	vadd.f32 $-3.523387700e-06, v10;
	v11 =	vadd.f32 $1.349343220e-03, v11;
	_ =	sdelay $0x1  }
0x1be: {  	v10 =	vmul.f32 v10, v42;
	v11 =	vmul.f32 v11, v8;
	_ =	sdelay $0x1  }
0x1bf: {  	v10 =	vadd.f32 $-4.391506540e-06, v10;
	v11 =	vadd.f32 $-3.673428440e-03, v11;
	_ =	sdelay $0x1  }
0x1c0: {  	v10 =	vmul.f32 v10, v42;
	v11 =	vmul.f32 v11, v8;
	_ =	sdelay $0x1  }
0x1c1: {  	v10 =	vadd.f32 $2.185808700e-04, v10;
	v11 =	vadd.f32 $5.739507730e-03, v11;
	_ =	sdelay $0x1  }
0x1c2: {  	v10 =	vmul.f32 v10, v42;
	v11 =	vmul.f32 v11, v8;
	_ =	sdelay $0x1  }
0x1c3: {  	v10 =	vadd.f32 $-1.253725030e-03, v10;
	v11 =	vadd.f32 $-7.622461300e-03, v11;
	_ =	sdelay $0x1  }
0x1c4: {  	v10 =	vmul.f32 v10, v42;
	v11 =	vmul.f32 v11, v8;
	_ =	sdelay $0x1  }
0x1c5: {  	v10 =	vadd.f32 $-4.177681640e-03, v10;
	v11 =	vadd.f32 $9.438870470e-03, v11;
	_ =	sdelay $0x1  }
0x1c6: {  	v10 =	vmul.f32 v10, v42;
	v11 =	vmul.f32 v11, v8;
	_ =	sdelay $0x1  }
0x1c7: {  	v10 =	vadd.f32 $2.466407270e-01, v10;
	v11 =	vadd.f32 $1.001674060e+00, v11;
	_ =	sdelay $0x1  }
0x1c8: {  	v9 =	vmul.f32 v10, v42;
	v8 =	vmul.f32 v11, v8;
	_ =	sdelay $0x1  }
0x1c9: {  	v9 =	vadd.f32 $1.501409410e+00, v9;
	v8 =	vadd.f32 $2.832976820e+00, v8  }
0x1ca: {  	vm14 =	vlt.f32 v7, $5.000000000e+00  }
0x1cb: {  	v7 =	vsel vm14, v9, v8  }
0x1cc: {  	v45 =	vperm.xlane v4, v5;
	v6 =	vmul.f32 v7, v6;
	_ =	sdelay $0x1  }
0x1cd: {  	v5 =	vperm.xlane v3, v5;
	v6 =	vmul.f32 v6, v45;
	_ =	sdelay $0x1  }
0x1ce: {  	v5 =	vadd.f32 v6, v5;
	_ =	sdelay $0x1  }
0x1cf: {  	[tilespmem:s22+$0x0] =	vst v5  }
0x1d0: {  	v5 =	vld [tilespmem:s23+$0x10];
	_ =	sdelay $0x4  }
0x1d1: {  	v5 =	vand.u32 $0xF, v5  }
0x1d2: {  	v6 =	vperm.xlane v2, v5  }
0x1d3: {  	s24 =	sadd.s32 $0x300030, s24  }
0x1d4: {  	v7 =	vadd.s32 s24, v6  }
0x1d5: {  	v8 =	vperm.xlane v1, v5;
	v7 =	vadd.s32 v0, v7  }
0x1d6: {  	v46 =	vshrl.u32 v7, $0x13;
	v47 =	vshll.u32 v7, $0xD  }
0x1d7: {  	v7 =	vadd.s32 v8, v7;
	v9 =	vor.u32 v46, v47  }
0x1d8: {  	v9 =	vxor.u32 v7, v9  }
0x1d9: {  	v48 =	vshrl.u32 v9, $0x11;
	v49 =	vshll.u32 v9, $0xF  }
0x1da: {  	v7 =	vadd.s32 v7, v9;
	v50 =	vor.u32 v48, v49  }
0x1db: {  	v9 =	vxor.u32 v7, v50  }
0x1dc: {  	v51 =	vshrl.u32 v9, $0x6;
	v52 =	vshll.u32 v9, $0x1A  }
0x1dd: {  	v7 =	vadd.s32 v7, v9;
	v53 =	vor.u32 v51, v52  }
0x1de: {  	v9 =	vxor.u32 v7, v53  }
0x1df: {  	v54 =	vshrl.u32 v9, $0x1A;
	v55 =	vshll.u32 v9, $0x6  }
0x1e0: {  	v56 =	vxor.u32 v6, v8;
	v7 =	vadd.s32 v7, v9;
	v57 =	vor.u32 v54, v55  }
0x1e1: {  	v58 =	vxor.u32 $0x1BD11BDA, v56;
	v9 =	vxor.u32 v7, v57  }
0x1e2: {  	v9 =	vadd.s32 v9, v58  }
0x1e3: {  	v9 =	vadd.s32 $0x1, v9  }
0x1e4: {  	v7 =	vadd.s32 v6, v7;
	v59 =	vshrl.u32 v9, $0xF;
	v60 =	vshll.u32 v9, $0x11  }
0x1e5: {  	v7 =	vadd.s32 v9, v7;
	v61 =	vor.u32 v59, v60  }
0x1e6: {  	v9 =	vxor.u32 v7, v61  }
0x1e7: {  	v62 =	vshrl.u32 v9, $0x3;
	v63 =	vshll.u32 v9, $0x1D  }
0x1e8: {  	v7 =	vadd.s32 v7, v9;
	v16 =	vor.u32 v62, v63  }
0x1e9: {  	v9 =	vxor.u32 v7, v16  }
0x1ea: {  	v17 =	vshrl.u32 v9, $0x10;
	v18 =	vshll.u32 v9, $0x10  }
0x1eb: {  	v7 =	vadd.s32 v7, v9;
	v19 =	vor.u32 v17, v18  }
0x1ec: {  	v9 =	vxor.u32 v7, v19  }
0x1ed: {  	v20 =	vshrl.u32 v9, $0x8;
	v21 =	vshll.u32 v9, $0x18  }
0x1ee: {  	v7 =	vadd.s32 v7, v9;
	v22 =	vor.u32 v20, v21  }
0x1ef: {  	v9 =	vxor.u32 v7, v22  }
0x1f0: {  	v9 =	vadd.s32 v9, v8  }
0x1f1: {  	v9 =	vadd.s32 $0x2, v9  }
0x1f2: {  	v7 =	vadd.s32 v58, v7;
	v23 =	vshrl.u32 v9, $0x13;
	v24 =	vshll.u32 v9, $0xD  }
0x1f3: {  	v7 =	vadd.s32 v9, v7;
	v25 =	vor.u32 v23, v24  }
0x1f4: {  	v9 =	vxor.u32 v7, v25  }
0x1f5: {  	v26 =	vshrl.u32 v9, $0x11;
	v27 =	vshll.u32 v9, $0xF  }
0x1f6: {  	v7 =	vadd.s32 v7, v9;
	v28 =	vor.u32 v26, v27  }
0x1f7: {  	v9 =	vxor.u32 v7, v28  }
0x1f8: {  	v29 =	vshrl.u32 v9, $0x6;
	v30 =	vshll.u32 v9, $0x1A  }
0x1f9: {  	v7 =	vadd.s32 v7, v9;
	v31 =	vor.u32 v29, v30  }
0x1fa: {  	v9 =	vxor.u32 v7, v31  }
0x1fb: {  	v32 =	vshrl.u32 v9, $0x1A;
	v33 =	vshll.u32 v9, $0x6  }
0x1fc: {  	v7 =	vadd.s32 v7, v9;
	v34 =	vor.u32 v32, v33  }
0x1fd: {  	v9 =	vxor.u32 v7, v34  }
0x1fe: {  	v9 =	vadd.s32 v9, v6  }
0x1ff: {  	v9 =	vadd.s32 $0x3, v9  }
0x200: {  	v7 =	vadd.s32 v8, v7;
	v35 =	vshrl.u32 v9, $0xF;
	v36 =	vshll.u32 v9, $0x11  }
0x201: {  	v7 =	vadd.s32 v9, v7;
	v37 =	vor.u32 v35, v36  }
0x202: {  	v9 =	vxor.u32 v7, v37  }
0x203: {  	v38 =	vshrl.u32 v9, $0x3;
	v39 =	vshll.u32 v9, $0x1D  }
0x204: {  	v7 =	vadd.s32 v7, v9;
	v40 =	vor.u32 v38, v39  }
0x205: {  	v9 =	vxor.u32 v7, v40  }
0x206: {  	v41 =	vshrl.u32 v9, $0x10;
	v42 =	vshll.u32 v9, $0x10  }
0x207: {  	v7 =	vadd.s32 v7, v9;
	v43 =	vor.u32 v41, v42  }
0x208: {  	v9 =	vxor.u32 v7, v43  }
0x209: {  	v44 =	vshrl.u32 v9, $0x8;
	v45 =	vshll.u32 v9, $0x18  }
0x20a: {  	v7 =	vadd.s32 v7, v9;
	v46 =	vor.u32 v44, v45  }
0x20b: {  	v9 =	vxor.u32 v7, v46  }
0x20c: {  	v9 =	vadd.s32 v9, v58  }
0x20d: {  	v9 =	vadd.s32 $0x4, v9  }
0x20e: {  	v6 =	vadd.s32 v6, v7;
	v7 =	vshrl.u32 v9, $0x13;
	v47 =	vshll.u32 v9, $0xD  }
0x20f: {  	v6 =	vadd.s32 v9, v6;
	v7 =	vor.u32 v7, v47  }
0x210: {  	v7 =	vxor.u32 v6, v7  }
0x211: {  	v48 =	vshrl.u32 v7, $0x11;
	v49 =	vshll.u32 v7, $0xF  }
0x212: {  	v6 =	vadd.s32 v6, v7;
	v7 =	vor.u32 v48, v49  }
0x213: {  	v7 =	vxor.u32 v6, v7  }
0x214: {  	v50 =	vshrl.u32 v7, $0x6;
	v51 =	vshll.u32 v7, $0x1A  }
0x215: {  	v6 =	vadd.s32 v6, v7;
	v7 =	vor.u32 v50, v51  }
0x216: {  	v7 =	vxor.u32 v6, v7  }
0x217: {  	v52 =	vshrl.u32 v7, $0x1A;
	v53 =	vshll.u32 v7, $0x6  }
0x218: {  	v6 =	vadd.s32 v6, v7;
	v7 =	vor.u32 v52, v53  }
0x219: {  	v7 =	vxor.u32 v6, v7  }
0x21a: {  	v7 =	vadd.s32 v7, v8  }
0x21b: {  	v6 =	vadd.s32 v58, v6;
	v7 =	vadd.s32 $0x5, v7  }
0x21c: {  	v6 =	vxor.u32 v6, v7  }
0x21d: {  	v6 =	vshrl.u32 v6, $0x9  }
0x21e: {  	v6 =	vor.u32 $0x3F800000, v6  }
0x21f: {  	v6 =	vadd.f32 $-1.000000000e+00, v6;
	_ =	sdelay $0x1  }
0x220: {  	v6 =	vadd.f32 v6, v6;
	_ =	sdelay $0x1  }
0x221: {  	v6 =	vadd.f32 $-9.999999400e-01, v6;
	_ =	sdelay $0x1  }
0x222: {  	v6 =	vmax.f32 v6, $-9.999999400e-01  }
0x223: {  	v7 =	vmul.f32 v6, v6;
	_ =	sdelay $0x1  }
0x224: {  	v7 =	vsub.f32 $1.000000000e+00, v7;
	_ =	sdelay $0x1  }
0x225: {  	v54 =	vand.u32 $0x7FFFFF, v7  }
0x226: {  	v8 =	vor.u32 $0x3F800000, v54  }
0x227: {  	v55 =	vmul.f32 $2.482560650e-02, v8;
	_ =	sdelay $0x1  }
0x228: {  	v9 =	vsub.f32 $2.668588160e-01, v55;
	_ =	sdelay $0x1  }
0x229: {  	v9 =	vmul.f32 v8, v9;
	_ =	sdelay $0x1  }
0x22a: {  	v9 =	vadd.f32 $-1.234263180e+00, v9;
	_ =	sdelay $0x1  }
0x22b: {  	v9 =	vmul.f32 v8, v9;
	_ =	sdelay $0x1  }
0x22c: {  	v9 =	vadd.f32 $3.218832730e+00, v9;
	_ =	sdelay $0x1  }
0x22d: {  	v9 =	vmul.f32 v8, v9;
	_ =	sdelay $0x1  }
0x22e: {  	v9 =	vadd.f32 $-5.264110570e+00, v9;
	_ =	sdelay $0x1  }
0x22f: {  	v9 =	vmul.f32 v8, v9;
	_ =	sdelay $0x1  }
0x230: {  	v9 =	vadd.f32 $6.065830230e+00, v9;
	_ =	sdelay $0x1  }
0x231: {  	v7 =	vshrl.u32 v7, $0x17;
	v8 =	vmul.f32 v8, v9  }
0x232: {  	v7 =	vadd.s32 $0xFFFFFF81, v7  }
0x233: {  	v7 =	vcvt.s32.f32 v7;
	v8 =	vadd.f32 $-3.028317450e+00, v8;
	_ =	sdelay $0x1  }
0x234: {  	v7 =	vadd.f32 v7, v8;
	_ =	sdelay $0x1  }
0x235: {  	v7 =	vmul.f32 $-6.931471820e-01, v7;
	_ =	sdelay $0x1  }
0x236: {  	v56 =	vmax.f32 v7, $0.0e+00  }
0x237: {  	v57 =	vshrl.u32 v56, $0x1;
	v58 =	vmul.f32 $5.000000000e-01, v56  }
0x238: {  	v9 =	vsub.s32 $0x5F3759DF, v57  }
0x239: {  	v59 =	vmul.f32 v9, v58;
	_ =	sdelay $0x1  }
0x23a: {  	v11 =	vmul.f32 v9, v59;
	_ =	sdelay $0x1  }
0x23b: {  	v11 =	vsub.f32 $1.500000000e+00, v11;
	_ =	sdelay $0x1  }
0x23c: {  	v9 =	vmul.f32 v9, v11;
	_ =	sdelay $0x1  }
0x23d: {  	v11 =	vmul.f32 v9, v58;
	_ =	sdelay $0x1  }
0x23e: {  	v11 =	vmul.f32 v11, v9;
	_ =	sdelay $0x1  }
0x23f: {  	v11 =	vsub.f32 $1.500000000e+00, v11;
	_ =	sdelay $0x1  }
0x240: {  	v9 =	vmul.f32 v11, v9;
	_ =	sdelay $0x1  }
0x241: {  	v10 =	vmul.f32 v9, v58;
	_ =	sdelay $0x1  }
0x242: {  	v10 =	vmul.f32 v10, v9;
	_ =	sdelay $0x1  }
0x243: {  	v10 =	vsub.f32 $1.500000000e+00, v10;
	_ =	sdelay $0x1  }
0x244: {  	v9 =	vmul.f32 v10, v9;
	_ =	sdelay $0x1  }
0x245: {  	v8 =	vmul.f32 v9, v56;
	_ =	sdelay $0x1  }
0x246: {  	v60 =	vadd.f32 $-2.500000000e+00, v7;
	v8 =	vadd.f32 $-3.000000000e+00, v8;
	_ =	sdelay $0x1  }
0x247: {  	v61 =	vmul.f32 $2.810226360e-08, v60;
	v62 =	vmul.f32 $2.002142570e-04, v8;
	_ =	sdelay $0x1  }
0x248: {  	v10 =	vadd.f32 $3.432739390e-07, v61;
	v11 =	vsub.f32 $1.009505580e-04, v62;
	_ =	sdelay $0x1  }
0x249: {  	v10 =	vmul.f32 v10, v60;
	v11 =	vmul.f32 v11, v8;
	_ =	sdelay $0x1  }
0x24a: {  	v10 =	vadd.f32 $-3.523387700e-06, v10;
	v11 =	vadd.f32 $1.349343220e-03, v11;
	_ =	sdelay $0x1  }
0x24b: {  	v10 =	vmul.f32 v10, v60;
	v11 =	vmul.f32 v11, v8;
	_ =	sdelay $0x1  }
0x24c: {  	v10 =	vadd.f32 $-4.391506540e-06, v10;
	v11 =	vadd.f32 $-3.673428440e-03, v11;
	_ =	sdelay $0x1  }
0x24d: {  	v10 =	vmul.f32 v10, v60;
	v11 =	vmul.f32 v11, v8;
	_ =	sdelay $0x1  }
0x24e: {  	v10 =	vadd.f32 $2.185808700e-04, v10;
	v11 =	vadd.f32 $5.739507730e-03, v11;
	_ =	sdelay $0x1  }
0x24f: {  	v10 =	vmul.f32 v10, v60;
	v11 =	vmul.f32 v11, v8;
	_ =	sdelay $0x1  }
0x250: {  	v10 =	vadd.f32 $-1.253725030e-03, v10;
	v11 =	vadd.f32 $-7.622461300e-03, v11;
	_ =	sdelay $0x1  }
0x251: {  	v10 =	vmul.f32 v10, v60;
	v11 =	vmul.f32 v11, v8;
	_ =	sdelay $0x1  }
0x252: {  	v10 =	vadd.f32 $-4.177681640e-03, v10;
	v11 =	vadd.f32 $9.438870470e-03, v11;
	_ =	sdelay $0x1  }
0x253: {  	v10 =	vmul.f32 v10, v60;
	v11 =	vmul.f32 v11, v8;
	_ =	sdelay $0x1  }
0x254: {  	v10 =	vadd.f32 $2.466407270e-01, v10;
	v11 =	vadd.f32 $1.001674060e+00, v11;
	_ =	sdelay $0x1  }
0x255: {  	v9 =	vmul.f32 v10, v60;
	v8 =	vmul.f32 v11, v8;
	_ =	sdelay $0x1  }
0x256: {  	v9 =	vadd.f32 $1.501409410e+00, v9;
	v8 =	vadd.f32 $2.832976820e+00, v8  }
0x257: {  	vm15 =	vlt.f32 v7, $5.000000000e+00  }
0x258: {  	v7 =	vsel vm15, v9, v8  }
0x259: {  	v63 =	vperm.xlane v4, v5;
	v6 =	vmul.f32 v7, v6  }
0x25a: {  	p0 =	sne.s32 s21, $0x7C0  }
.Ltmp0:
0x25b: {  	v5 =	vperm.xlane v3, v5;
	v6 =	vmul.f32 v6, v63;
	(pc) =	sbr.rel @p0 .LBB2_3-.Ltmp0, $3  }
0x25c: {  	_ = 	snop  }
0x25d: {  	v5 =	vadd.f32 v6, v5;
	_ =	sdelay $0x1  }
0x25e: {  	s21 =	sadd.s32 $0x40, s21;
	s23 =	sadd.s32 $0x40, s23;
	[tilespmem:s22+$0x10] =	vst v5;
	s22 =	sadd.s32 $0x40, s22  }
0x25f: {  	s19 =	sadd.s32 $0x1, s19  }
0x260: {  	s20 =	sshrl.u32 s20, $0x3;
	p0 =	sne.s32 s19, $0x10  }
.Ltmp1:
0x261: {  	s20 =	sadd.s32 s8, s20;
	(pc) =	sbr.rel @p0 .LBB2_2-.Ltmp1, $4  }
0x262: {  	[hbm4b:s20+s2] =	stream.linear.scatter [tilespmem:s16], [sflag:$0x1], $0x800, $0x38;
	[tilespmem:$0x1200] =	vst v63  }
0x263: {  	_ =	swait.ge [sflag:s12], $0x800  }
0x264: {  	[sflag:s12] =	ssyncset.done $0x0  }
0x265: {  	s18 =	sadd.s32 $0x800, s18;
	[sflag:s12] =	ssyncadd.s32 $0xFFFFF800  }
0x266: {  	s17 =	sadd.s32 $0x1, s17  }
0x267: {  	p0 =	sne.s32 s17, s10  }
.Ltmp2:
0x268: {  	_ = 	snop;
	(pc) =	sbr.rel @p0 .LBB2_1-.Ltmp2, $1  }
0x269: {  	_ =	sdelay $0x3  }
0x26a: {  	_ =	sfence.sel $0x180000  }
0x26b: {  	[bflag:$0x0] =	sbarrier.arrive $0xFFFF  }
0x26c: {  	p0 =	sne.s32 s5, $0x0;
	_ =	strace $0x90000047  }
0x26d: {  	s0 =	sadd.s32 @!p0 $0x100000, s0;
	[bflag:$0x2] =	sbarrier.arrive $0xFFFF  }
0x26e: {  	[sflag:s0] =	ssyncadd.tile.s32 @!p0 $0x1;
	_ =	shalt  }
.Lfunc_end2:
_tile_overlayer_lowered:
.L_overlay_start_2:
0x26f: {  	(tag) =	ssettag $0x2  }
0x270: {  	s0 =	rddreg [dreg:$0x0];
	s2 =	stileid.u32  }
0x271: {  	s1 =	rddreg [dreg:$0x1];
	p0 =	sne.s32 s2, $0x0  }
0x272: {  	s3 =	rddreg [dreg:$0x2];
	[bflag:$0x3] =	sbarrier.arrive $0xFFFF;
	s2 =	simm.s32 @!p0 $0x1C01  }
0x273: {  	[timem:s3], [sflag:s2] =	dma.local @!p0 [hbm:s0], s1  }
0x274: {  	s0 =	simm.s32 @!p0 $0x1  }
0x275: {  	_ =	swait.ge @!p0 [sflag:s0], s1  }
0x276: {  	s1 =	ssub.s32 @!p0 $0x0, s1;
	[sflag:s0] =	ssyncset.done @!p0 $0x0  }
0x277: {  	[sflag:s0] =	ssyncadd.s32 @!p0 s1  }
0x278: {  	[bflag:$0x3] =	sbarrier.arrive $0xFFFF  }
0x279: {  	_ =	shalt  }

</sc_bundles>
